<compile_context>
chip_gen: v7x
topology: tpu7x:2x2x1
jax: 0.10.2.dev20260603
libtpu: 0.0.44.dev20260713+nightly
codegen_flags: <defaults>
</compile_context>

<pallas_src>
import functools

import jax
import jax.numpy as jnp
from jax import lax
from jax.experimental import pallas as pl
from jax.experimental.pallas import tpu as pltpu
from jax.experimental.pallas import tpu_sc as plsc

N = 50000
E = 800000
EMB = 64
HD = 32
LAT = 32

NC = 2
NS = 16
OP = 128
K = 5
MACRO = OP * K
MACROS = 80
PER_TILE = MACRO * MACROS
E_PAD = PER_TILE * NS
R128 = E_PAD // OP
TILE_R128 = PER_TILE // OP
N_ACC = 50048
STRIPE = N_ACC // NS
QSTRIPE = STRIPE // 4
DUMMY = N


def _agg_sub(tbl, gidx2, sidx2, zeros, out2, s, idxg, idxs, rows, acc, sem):
    pltpu.sync_copy(zeros, acc.at[pl.ds(s * STRIPE, STRIPE)])
    plsc.subcore_barrier()
    base = s * TILE_R128

    def body(m, carry):
        off = base + m * K
        pltpu.sync_copy(gidx2.at[pl.ds(off, K)], idxg)
        pltpu.sync_copy(sidx2.at[pl.ds(off, K)], idxs)
        g = [pltpu.async_copy(tbl.at[idxg.at[j]],
                              rows.at[pl.ds(j * OP, OP)], sem)
             for j in range(K)]
        for cp in g:
            cp.wait()
        a = [pltpu.async_copy(rows.at[pl.ds(j * OP, OP)],
                              acc.at[idxs.at[j]], sem, add=True)
             for j in range(K)]
        for cp in a:
            cp.wait()
        return carry

    lax.fori_loop(0, MACROS, body, 0)
    plsc.subcore_barrier()
    pltpu.sync_copy(acc.at[pl.ds(s * STRIPE, STRIPE)],
                    out2.at[pl.ds(s * STRIPE, STRIPE)])


def _phase1_body(tbl_u, tbl_i, gsrc, gdst, sidx, zeros, ones,
                 dg_out, mi_out, mu_out, onesv, idxg, idxs, rows, acc, sem):
    c = lax.axis_index("c")
    s = lax.axis_index("s")
    pltpu.sync_copy(zeros, acc.at[pl.ds(s * STRIPE, STRIPE)])
    pltpu.sync_copy(ones, onesv)
    plsc.subcore_barrier()
    base = s * TILE_R128

    def dbody(m, carry):
        off = base + m * K
        pltpu.sync_copy(sidx.at[c, pl.ds(off, K)], idxs)
        a = [pltpu.async_copy(onesv, acc.at[idxs.at[j]], sem, add=True)
             for j in range(K)]
        for cp in a:
            cp.wait()
        return carry

    lax.fori_loop(0, MACROS, dbody, 0)
    plsc.subcore_barrier()
    pltpu.sync_copy(acc.at[pl.ds(s * STRIPE, STRIPE)],
                    dg_out.at[c, pl.ds(s * STRIPE, STRIPE)])
    _agg_sub(tbl_u, gsrc.at[c], sidx.at[0], zeros, mi_out.at[c],
             s, idxg, idxs, rows, acc, sem)
    _agg_sub(tbl_i, gdst.at[c], sidx.at[1], zeros, mu_out.at[c],
             s, idxg, idxs, rows, acc, sem)


def _phase2_body(tbl_hu, tbl_hi, gsrc, gdst, sidx, zeros,
                 ai_out, au_out, idxg, idxs, rows, acc, sem):
    c = lax.axis_index("c")
    s = lax.axis_index("s")
    _agg_sub(tbl_hu, gsrc.at[c], sidx.at[0], zeros, ai_out.at[c],
             s, idxg, idxs, rows, acc, sem)
    _agg_sub(tbl_hi, gdst.at[c], sidx.at[1], zeros, au_out.at[c],
             s, idxg, idxs, rows, acc, sem)


_SC_PARAMS = pltpu.CompilerParams(use_tc_tiling_on_sc=False)
_MESH = plsc.VectorSubcoreMesh(core_axis_name="c", subcore_axis_name="s")
_ACC_T = jax.ShapeDtypeStruct((NC, N_ACC, HD), jnp.float32)

_phase1 = functools.partial(
    pl.kernel,
    out_type=[_ACC_T, _ACC_T, _ACC_T],
    mesh=_MESH,
    compiler_params=_SC_PARAMS,
    scratch_types=[
        pltpu.VMEM((OP, HD), jnp.float32),
        pltpu.VMEM((K, OP), jnp.int32),
        pltpu.VMEM((K, OP), jnp.int32),
        pltpu.VMEM((MACRO, HD), jnp.float32),
        pltpu.VMEM_SHARED((N_ACC, HD), jnp.float32),
        pltpu.SemaphoreType.DMA,
    ],
)(_phase1_body)

_phase2 = functools.partial(
    pl.kernel,
    out_type=[_ACC_T, _ACC_T],
    mesh=_MESH,
    compiler_params=_SC_PARAMS,
    scratch_types=[
        pltpu.VMEM((K, OP), jnp.int32),
        pltpu.VMEM((K, OP), jnp.int32),
        pltpu.VMEM((MACRO, HD), jnp.float32),
        pltpu.VMEM_SHARED((N_ACC, HD), jnp.float32),
        pltpu.SemaphoreType.DMA,
    ],
)(_phase2_body)


BLK = 1000
GRID = N // BLK
_DOT = dict(preferred_element_type=jnp.float32,
            precision=jax.lax.Precision.HIGHEST)


def _dense1_body(si, su, dg, xi, xu, wuin, wuis, wiun, wius, hi_o, hu_o):
    ri = 1.0 / jnp.maximum(dg[0, :, 0:1], 1.0)
    ru = 1.0 / jnp.maximum(dg[1, :, 0:1], 1.0)
    hi = (jnp.dot(si[0] * ri, wuin[:HD], **_DOT)
          + jnp.dot(si[1] * ri, wuin[HD:], **_DOT)
          + jnp.dot(xi[...], wuis[...], **_DOT))
    hu = (jnp.dot(su[0] * ru, wiun[:HD], **_DOT)
          + jnp.dot(su[1] * ru, wiun[HD:], **_DOT)
          + jnp.dot(xu[...], wius[...], **_DOT))
    hi_o[...] = jnp.maximum(hi, 0.0)
    hu_o[...] = jnp.maximum(hu, 0.0)


def _dense2_body(ai, au, dg, hi, hu, epsi, epsu,
                 wmuin, wmuis, wmuiun, wmuius, wlvin, wlvis, wlviun, wlvius,
                 zu_o, zi_o, muu_o, lvu_o, mui_o, lvi_o):
    ri = 1.0 / jnp.maximum(dg[0, :, 0:1], 1.0)
    ru = 1.0 / jnp.maximum(dg[1, :, 0:1], 1.0)
    ai0 = ai[0] * ri
    ai1 = ai[1] * ri
    au0 = au[0] * ru
    au1 = au[1] * ru
    mui = (jnp.dot(ai0, wmuin[:HD], **_DOT) + jnp.dot(ai1, wmuin[HD:], **_DOT)
           + jnp.dot(hi[...], wmuis[...], **_DOT))
    lvi = (jnp.dot(ai0, wlvin[:HD], **_DOT) + jnp.dot(ai1, wlvin[HD:], **_DOT)
           + jnp.dot(hi[...], wlvis[...], **_DOT))
    muu = (jnp.dot(au0, wmuiun[:HD], **_DOT) + jnp.dot(au1, wmuiun[HD:], **_DOT)
           + jnp.dot(hu[...], wmuius[...], **_DOT))
    lvu = (jnp.dot(au0, wlviun[:HD], **_DOT) + jnp.dot(au1, wlviun[HD:], **_DOT)
           + jnp.dot(hu[...], wlvius[...], **_DOT))
    mui_o[...] = mui
    lvi_o[...] = lvi
    muu_o[...] = muu
    lvu_o[...] = lvu
    zi_o[...] = mui + epsi[...] * jnp.exp(0.5 * lvi)
    zu_o[...] = muu + epsu[...] * jnp.exp(0.5 * lvu)


def _acc_spec():
    return pl.BlockSpec((NC, BLK, HD), lambda i: (0, i, 0))


def _deg_spec():
    return pl.BlockSpec((NC, BLK, HD), lambda i: (0, i, 0))


def _row_spec(w):
    return pl.BlockSpec((BLK, w), lambda i: (i, 0))


def _w_spec(r, c):
    return pl.BlockSpec((r, c), lambda i: (0, 0))


def kernel(user_node_id, item_node_id, edge_index, user_emb_table,
           item_emb_table, W1_ui_n, W1_ui_s, W1_iu_n, W1_iu_s,
           Wmu_ui_n, Wmu_ui_s, Wmu_iu_n, Wmu_iu_s,
           Wlv_ui_n, Wlv_ui_s, Wlv_iu_n, Wlv_iu_s):
    src = edge_index[0]
    dst = edge_index[1]
    padz = jnp.zeros((E_PAD - E,), jnp.int32)
    padd = jnp.full((E_PAD - E,), DUMMY, jnp.int32)
    src_g = jnp.concatenate([src, padz])
    dst_g = jnp.concatenate([dst, padz])
    src_s = jnp.concatenate([src, padd]).reshape(R128, OP)
    dst_s = jnp.concatenate([dst, padd]).reshape(R128, OP)
    gsrc = jnp.stack([2 * src_g, 2 * src_g + 1]).reshape(NC, R128, OP)
    gdst = jnp.stack([2 * dst_g, 2 * dst_g + 1]).reshape(NC, R128, OP)
    sidx_pair = jnp.stack([dst_s, src_s])

    zeros32 = jnp.zeros((STRIPE, HD), jnp.float32)
    ones32 = jnp.ones((OP, HD), jnp.float32)

    tbl_u = user_emb_table.reshape(2 * N, HD)
    tbl_i = item_emb_table.reshape(2 * N, HD)

    degs, s_item, s_user = _phase1(tbl_u, tbl_i, gsrc, gdst, sidx_pair,
                                   zeros32, ones32)

    dense1 = pl.pallas_call(
        _dense1_body,
        grid=(GRID,),
        in_specs=[_acc_spec(), _acc_spec(), _deg_spec(),
                  _row_spec(EMB), _row_spec(EMB),
                  _w_spec(EMB, EMB), _w_spec(EMB, EMB),
                  _w_spec(EMB, EMB), _w_spec(EMB, EMB)],
        out_specs=[_row_spec(EMB), _row_spec(EMB)],
        out_shape=[jax.ShapeDtypeStruct((N, EMB), jnp.float32),
                   jax.ShapeDtypeStruct((N, EMB), jnp.float32)],
    )
    h_item, h_user = dense1(s_item, s_user, degs, item_emb_table,
                            user_emb_table, W1_ui_n, W1_ui_s, W1_iu_n, W1_iu_s)

    a_item, a_user = _phase2(h_user.reshape(2 * N, HD),
                             h_item.reshape(2 * N, HD),
                             gsrc, gdst, sidx_pair, zeros32)

    eps_u = jax.random.normal(jax.random.key(42), (N, LAT), dtype=jnp.float32)
    eps_i = jax.random.normal(jax.random.key(43), (N, LAT), dtype=jnp.float32)

    dense2 = pl.pallas_call(
        _dense2_body,
        grid=(GRID,),
        in_specs=[_acc_spec(), _acc_spec(), _deg_spec(),
                  _row_spec(EMB), _row_spec(EMB),
                  _row_spec(LAT), _row_spec(LAT),
                  _w_spec(EMB, LAT), _w_spec(EMB, LAT),
                  _w_spec(EMB, LAT), _w_spec(EMB, LAT),
                  _w_spec(EMB, LAT), _w_spec(EMB, LAT),
                  _w_spec(EMB, LAT), _w_spec(EMB, LAT)],
        out_specs=[_row_spec(LAT)] * 6,
        out_shape=[jax.ShapeDtypeStruct((N, LAT), jnp.float32)] * 6,
    )
    z_user, z_item, mu_user, lv_user, mu_item, lv_item = dense2(
        a_item, a_user, degs, h_item, h_user, eps_i, eps_u,
        Wmu_ui_n, Wmu_ui_s, Wmu_iu_n, Wmu_iu_s,
        Wlv_ui_n, Wlv_ui_s, Wlv_iu_n, Wlv_iu_s)

    return (z_user, z_item, mu_user, lv_user, mu_item, lv_item)

# --- scband reference (transcript-rebuilt; emitter-appended) ---
"""Pipeline reference for scband-gae-17875653886572 (READ-ONLY COPY).

The authoritative reference and input builder live on the scoring server;
editing this copy changes nothing except your own understanding.
"""

import jax, jax.numpy as jnp
import numpy as np

N_USER = 50000
N_ITEM = 50000
E = 800000
EMB = 64
HID = 64
LAT = 32


def _glorot(k, shape):
    lim = np.sqrt(6.0 / (shape[0] + shape[1]))
    return jax.random.uniform(k, shape, minval=-lim, maxval=lim, dtype=jnp.float32)


def _mean_aggr(msgs, dst, num_seg):
    s = jax.ops.segment_sum(msgs, dst, num_segments=num_seg)
    cnt = jax.ops.segment_sum(jnp.ones((msgs.shape[0], 1), dtype=msgs.dtype), dst, num_segments=num_seg)
    return s / jnp.maximum(cnt, 1.0)


def setup_inputs(seed: int = 0) -> dict:
    key = jax.random.key(seed)
    ks = jax.random.split(key, 20)
    user_node_id = jnp.arange(N_USER, dtype=jnp.int32)
    item_node_id = jnp.arange(N_ITEM, dtype=jnp.int32)
    src = jax.random.randint(ks[0], (E,), 0, N_USER, dtype=jnp.int32)
    dst = jax.random.randint(ks[1], (E,), 0, N_ITEM, dtype=jnp.int32)
    edge_index = jnp.stack([src, dst], axis=0)
    inp = {
        'user_node_id': user_node_id,
        'item_node_id': item_node_id,
        'edge_index': edge_index,
        'user_emb_table': _glorot(ks[2], (N_USER, EMB)),
        'item_emb_table': _glorot(ks[3], (N_ITEM, EMB)),
        'W1_ui_n': _glorot(ks[4], (EMB, HID)),
        'W1_ui_s': _glorot(ks[5], (EMB, HID)),
        'W1_iu_n': _glorot(ks[6], (EMB, HID)),
        'W1_iu_s': _glorot(ks[7], (EMB, HID)),
        'Wmu_ui_n': _glorot(ks[8], (HID, LAT)),
        'Wmu_ui_s': _glorot(ks[9], (HID, LAT)),
        'Wmu_iu_n': _glorot(ks[10], (HID, LAT)),
        'Wmu_iu_s': _glorot(ks[11], (HID, LAT)),
        'Wlv_ui_n': _glorot(ks[12], (HID, LAT)),
        'Wlv_ui_s': _glorot(ks[13], (HID, LAT)),
        'Wlv_iu_n': _glorot(ks[14], (HID, LAT)),
        'Wlv_iu_s': _glorot(ks[15], (HID, LAT)),
    }
    return inp


def reference(user_node_id, item_node_id, edge_index,
              user_emb_table, item_emb_table,
              W1_ui_n, W1_ui_s, W1_iu_n, W1_iu_s,
              Wmu_ui_n, Wmu_ui_s, Wmu_iu_n, Wmu_iu_s,
              Wlv_ui_n, Wlv_ui_s, Wlv_iu_n, Wlv_iu_s):
    n_user = user_emb_table.shape[0]
    n_item = item_emb_table.shape[0]
    # embedding lookups (SparseCore gather)
    x_user = jnp.take(user_emb_table, user_node_id, axis=0)
    x_item = jnp.take(item_emb_table, item_node_id, axis=0)
    src = edge_index[0]
    dst = edge_index[1]
    # hetero SAGE conv layer 1 (mean aggregation), user->item and item->user (reversed edges)
    m_item = _mean_aggr(jnp.take(x_user, src, axis=0), dst, n_item)
    h_item = m_item @ W1_ui_n + x_item @ W1_ui_s
    m_user = _mean_aggr(jnp.take(x_item, dst, axis=0), src, n_user)
    h_user = m_user @ W1_iu_n + x_user @ W1_iu_s
    h_user = jax.nn.relu(h_user)
    h_item = jax.nn.relu(h_item)
    # mu / logvar heads (variational encoder)
    mu_item = _mean_aggr(jnp.take(h_user, src, axis=0), dst, n_item) @ Wmu_ui_n + h_item @ Wmu_ui_s
    mu_user = _mean_aggr(jnp.take(h_item, dst, axis=0), src, n_user) @ Wmu_iu_n + h_user @ Wmu_iu_s
    lv_item = _mean_aggr(jnp.take(h_user, src, axis=0), dst, n_item) @ Wlv_ui_n + h_item @ Wlv_ui_s
    lv_user = _mean_aggr(jnp.take(h_item, dst, axis=0), src, n_user) @ Wlv_iu_n + h_user @ Wlv_iu_s
    # reparameterize with deterministic noise
    eps_u = jax.random.normal(jax.random.key(42), mu_user.shape, dtype=jnp.float32)
    eps_i = jax.random.normal(jax.random.key(43), mu_item.shape, dtype=jnp.float32)
    z_user = mu_user + eps_u * jnp.exp(0.5 * lv_user)
    z_item = mu_item + eps_i * jnp.exp(0.5 * lv_item)
    return (z_user, z_item, mu_user, lv_user, mu_item, lv_item)

if __name__ == "__main__":
    import jax
    _d = setup_inputs()
    print(jax.jit(kernel)(*tuple(_d.values())))

</pallas_src>

<mosaic_0001>
#map = affine_map<(d0, d1) -> (0, 0)>
#map1 = affine_map<(d0, d1) -> (0, 0, 0)>
module attributes {stable_mosaic.version = 14 : i64} {
  func.func @_phase2_body(%arg0: i32, %arg1: i32, %arg2: memref<100000x32xf32, #tpu.memory_space<hbm>>, %arg3: memref<100000x32xf32, #tpu.memory_space<hbm>>, %arg4: memref<2x6400x128xi32, #tpu.memory_space<hbm>>, %arg5: memref<2x6400x128xi32, #tpu.memory_space<hbm>>, %arg6: memref<2x6400x128xi32, #tpu.memory_space<hbm>>, %arg7: memref<3128x32xf32, #tpu.memory_space<hbm>>, %arg8: memref<2x50048x32xf32, #tpu.memory_space<hbm>>, %arg9: memref<2x50048x32xf32, #tpu.memory_space<hbm>>, %arg10: memref<5x128xi32, #tpu.memory_space<vmem>>, %arg11: memref<5x128xi32, #tpu.memory_space<vmem>>, %arg12: memref<640x32xf32, #tpu.memory_space<vmem>>, %arg13: memref<50048x32xf32, #tpu.memory_space<vmem_shared>>, %arg14: memref<!tpu.dma_semaphore, #tpu.memory_space<semaphore_mem>>) attributes {dimension_semantics = [#tpu.dimension_semantics<core_parallel>, #tpu.dimension_semantics<subcore_parallel>], iteration_bounds = array<i64: 2, 16>, scalar_prefetch = 0 : i64, scratch_operands = 5 : i64, tpu.core_type = #tpu.core_type<sc_vector_subcore>, window_params = [{transform_indices = #map}, {transform_indices = #map}, {transform_indices = #map1}, {transform_indices = #map1}, {transform_indices = #map1}, {transform_indices = #map}, {transform_indices = #map1}, {transform_indices = #map1}]} {
    %mul3A = arith.constant 3128 : i32
    %mul3A_0 = arith.muli %arg1, %mul3A : i32
    "tpu.region"() ({
      %run_scoped3A = tpu.sem_alloc : memref<!tpu.dma_semaphore, #tpu.memory_space<semaphore_mem>>
      %dma_start3A = arith.constant 0 : i32
      %dma_start3A_31 = tpu.memref_slice %arg13[%mul3A_0, %dma_start3A] : memref<50048x32xf32, #tpu.memory_space<vmem_shared>> -> memref<3128x32xf32, #tpu.memory_space<vmem_shared>>
      tpu.enqueue_dma source(%arg7 : memref<3128x32xf32, #tpu.memory_space<hbm>>) target(%dma_start3A_31 : memref<3128x32xf32, #tpu.memory_space<vmem_shared>>) target_semaphore(%run_scoped3A : memref<!tpu.dma_semaphore, #tpu.memory_space<semaphore_mem>>)
      %dma_wait3A = arith.constant 0 : i32
      %dma_wait3A_32 = tpu.memref_slice %arg13[%mul3A_0, %dma_wait3A] : memref<50048x32xf32, #tpu.memory_space<vmem_shared>> -> memref<3128x32xf32, #tpu.memory_space<vmem_shared>>
      tpu.wait_dma2 semaphore(%run_scoped3A : memref<!tpu.dma_semaphore, #tpu.memory_space<semaphore_mem>>) src(%arg7 : memref<3128x32xf32, #tpu.memory_space<hbm>>) dst(%dma_wait3A_32 : memref<3128x32xf32, #tpu.memory_space<vmem_shared>>)
      tpu.yield
    }) : () -> ()
    %barrier3A = arith.constant 0 : index
    tpu.barrier barrier_id(%barrier3A)
    %mul3A_1 = arith.constant 400 : i32
    %mul3A_2 = arith.muli %arg1, %mul3A_1 : i32
    %scan3A = arith.constant 0 : i32
    %scan3A_3 = arith.constant 0 : i32
    %scan3A_4 = arith.constant 0 : i32
    %scan3A_5 = arith.constant 80 : i32
    %scan3A_6 = arith.addi %scan3A_4, %scan3A_5 : i32
    %scan3A_7 = arith.constant 1 : i32
    scf.for %scan3A_31 = %scan3A_4 to %scan3A_6 step %scan3A_7  : i32 {
      %mul3A_32 = arith.constant 5 : i32
      %mul3A_33 = arith.muli %scan3A_31, %mul3A_32 : i32
      %add3A = arith.addi %mul3A_2, %mul3A_33 : i32
      "tpu.region"() ({
        %run_scoped3A = tpu.sem_alloc : memref<!tpu.dma_semaphore, #tpu.memory_space<semaphore_mem>>
        %dma_start3A_232 = arith.constant 0 : i32
        %dma_start3A_233 = arith.constant 0 : i32
        %dma_start3A_234 = tpu.memref_slice %arg4[%arg0, %dma_start3A_232, %dma_start3A_233] : memref<2x6400x128xi32, #tpu.memory_space<hbm>> -> memref<1x6400x128xi32, #tpu.memory_space<hbm>>
        %dma_start3A_235 = tpu.memref_squeeze %dma_start3A_234 : memref<1x6400x128xi32, #tpu.memory_space<hbm>> -> memref<6400x128xi32, #tpu.memory_space<hbm>>
        %dma_start3A_236 = arith.constant 0 : i32
        %dma_start3A_237 = tpu.memref_slice %dma_start3A_235[%add3A, %dma_start3A_236] : memref<6400x128xi32, #tpu.memory_space<hbm>> -> memref<5x128xi32, #tpu.memory_space<hbm>>
        %dma_start3A_238 = arith.constant 0 : i32
        %dma_start3A_239 = arith.constant 0 : i32
        %dma_start3A_240 = tpu.memref_slice %arg4[%arg0, %dma_start3A_238, %dma_start3A_239] : memref<2x6400x128xi32, #tpu.memory_space<hbm>> -> memref<1x6400x128xi32, #tpu.memory_space<hbm>>
        %dma_start3A_241 = tpu.memref_squeeze %dma_start3A_240 : memref<1x6400x128xi32, #tpu.memory_space<hbm>> -> memref<6400x128xi32, #tpu.memory_space<hbm>>
        %dma_start3A_242 = arith.constant 0 : i32
        %dma_start3A_243 = tpu.memref_slice %dma_start3A_241[%add3A, %dma_start3A_242] : memref<6400x128xi32, #tpu.memory_space<hbm>> -> memref<5x128xi32, #tpu.memory_space<hbm>>
        tpu.enqueue_dma source(%dma_start3A_243 : memref<5x128xi32, #tpu.memory_space<hbm>>) target(%arg10 : memref<5x128xi32, #tpu.memory_space<vmem>>) target_semaphore(%run_scoped3A : memref<!tpu.dma_semaphore, #tpu.memory_space<semaphore_mem>>)
        %dma_wait3A_244 = arith.constant 0 : i32
        %dma_wait3A_245 = arith.constant 0 : i32
        %dma_wait3A_246 = tpu.memref_slice %arg4[%arg0, %dma_wait3A_244, %dma_wait3A_245] : memref<2x6400x128xi32, #tpu.memory_space<hbm>> -> memref<1x6400x128xi32, #tpu.memory_space<hbm>>
        %dma_wait3A_247 = tpu.memref_squeeze %dma_wait3A_246 : memref<1x6400x128xi32, #tpu.memory_space<hbm>> -> memref<6400x128xi32, #tpu.memory_space<hbm>>
        %dma_wait3A_248 = arith.constant 0 : i32
        %dma_wait3A_249 = tpu.memref_slice %dma_wait3A_247[%add3A, %dma_wait3A_248] : memref<6400x128xi32, #tpu.memory_space<hbm>> -> memref<5x128xi32, #tpu.memory_space<hbm>>
        %dma_wait3A_250 = arith.constant 0 : i32
        %dma_wait3A_251 = arith.constant 0 : i32
        %dma_wait3A_252 = tpu.memref_slice %arg4[%arg0, %dma_wait3A_250, %dma_wait3A_251] : memref<2x6400x128xi32, #tpu.memory_space<hbm>> -> memref<1x6400x128xi32, #tpu.memory_space<hbm>>
        %dma_wait3A_253 = tpu.memref_squeeze %dma_wait3A_252 : memref<1x6400x128xi32, #tpu.memory_space<hbm>> -> memref<6400x128xi32, #tpu.memory_space<hbm>>
        %dma_wait3A_254 = arith.constant 0 : i32
        %dma_wait3A_255 = tpu.memref_slice %dma_wait3A_253[%add3A, %dma_wait3A_254] : memref<6400x128xi32, #tpu.memory_space<hbm>> -> memref<5x128xi32, #tpu.memory_space<hbm>>
        tpu.wait_dma2 semaphore(%run_scoped3A : memref<!tpu.dma_semaphore, #tpu.memory_space<semaphore_mem>>) src(%dma_wait3A_255 : memref<5x128xi32, #tpu.memory_space<hbm>>) dst(%arg10 : memref<5x128xi32, #tpu.memory_space<vmem>>)
        tpu.yield
      }) : () -> ()
      "tpu.region"() ({
        %run_scoped3A = tpu.sem_alloc : memref<!tpu.dma_semaphore, #tpu.memory_space<semaphore_mem>>
        %dma_start3A_232 = arith.constant 0 : i32
        %dma_start3A_233 = arith.constant 0 : i32
        %dma_start3A_234 = tpu.memref_slice %arg6[%scan3A_3, %dma_start3A_232, %dma_start3A_233] : memref<2x6400x128xi32, #tpu.memory_space<hbm>> -> memref<1x6400x128xi32, #tpu.memory_space<hbm>>
        %dma_start3A_235 = tpu.memref_squeeze %dma_start3A_234 : memref<1x6400x128xi32, #tpu.memory_space<hbm>> -> memref<6400x128xi32, #tpu.memory_space<hbm>>
        %dma_start3A_236 = arith.constant 0 : i32
        %dma_start3A_237 = tpu.memref_slice %dma_start3A_235[%add3A, %dma_start3A_236] : memref<6400x128xi32, #tpu.memory_space<hbm>> -> memref<5x128xi32, #tpu.memory_space<hbm>>
        %dma_start3A_238 = arith.constant 0 : i32
        %dma_start3A_239 = arith.constant 0 : i32
        %dma_start3A_240 = tpu.memref_slice %arg6[%scan3A_3, %dma_start3A_238, %dma_start3A_239] : memref<2x6400x128xi32, #tpu.memory_space<hbm>> -> memref<1x6400x128xi32, #tpu.memory_space<hbm>>
        %dma_start3A_241 = tpu.memref_squeeze %dma_start3A_240 : memref<1x6400x128xi32, #tpu.memory_space<hbm>> -> memref<6400x128xi32, #tpu.memory_space<hbm>>
        %dma_start3A_242 = arith.constant 0 : i32
        %dma_start3A_243 = tpu.memref_slice %dma_start3A_241[%add3A, %dma_start3A_242] : memref<6400x128xi32, #tpu.memory_space<hbm>> -> memref<5x128xi32, #tpu.memory_space<hbm>>
        tpu.enqueue_dma source(%dma_start3A_243 : memref<5x128xi32, #tpu.memory_space<hbm>>) target(%arg11 : memref<5x128xi32, #tpu.memory_space<vmem>>) target_semaphore(%run_scoped3A : memref<!tpu.dma_semaphore, #tpu.memory_space<semaphore_mem>>)
        %dma_wait3A_244 = arith.constant 0 : i32
        %dma_wait3A_245 = arith.constant 0 : i32
        %dma_wait3A_246 = tpu.memref_slice %arg6[%scan3A_3, %dma_wait3A_244, %dma_wait3A_245] : memref<2x6400x128xi32, #tpu.memory_space<hbm>> -> memref<1x6400x128xi32, #tpu.memory_space<hbm>>
        %dma_wait3A_247 = tpu.memref_squeeze %dma_wait3A_246 : memref<1x6400x128xi32, #tpu.memory_space<hbm>> -> memref<6400x128xi32, #tpu.memory_space<hbm>>
        %dma_wait3A_248 = arith.constant 0 : i32
        %dma_wait3A_249 = tpu.memref_slice %dma_wait3A_247[%add3A, %dma_wait3A_248] : memref<6400x128xi32, #tpu.memory_space<hbm>> -> memref<5x128xi32, #tpu.memory_space<hbm>>
        %dma_wait3A_250 = arith.constant 0 : i32
        %dma_wait3A_251 = arith.constant 0 : i32
        %dma_wait3A_252 = tpu.memref_slice %arg6[%scan3A_3, %dma_wait3A_250, %dma_wait3A_251] : memref<2x6400x128xi32, #tpu.memory_space<hbm>> -> memref<1x6400x128xi32, #tpu.memory_space<hbm>>
        %dma_wait3A_253 = tpu.memref_squeeze %dma_wait3A_252 : memref<1x6400x128xi32, #tpu.memory_space<hbm>> -> memref<6400x128xi32, #tpu.memory_space<hbm>>
        %dma_wait3A_254 = arith.constant 0 : i32
        %dma_wait3A_255 = tpu.memref_slice %dma_wait3A_253[%add3A, %dma_wait3A_254] : memref<6400x128xi32, #tpu.memory_space<hbm>> -> memref<5x128xi32, #tpu.memory_space<hbm>>
        tpu.wait_dma2 semaphore(%run_scoped3A : memref<!tpu.dma_semaphore, #tpu.memory_space<semaphore_mem>>) src(%dma_wait3A_255 : memref<5x128xi32, #tpu.memory_space<hbm>>) dst(%arg11 : memref<5x128xi32, #tpu.memory_space<vmem>>)
        tpu.yield
      }) : () -> ()
      %dma_start3A = arith.constant 0 : i32
      %dma_start3A_34 = arith.constant 0 : i32
      %dma_start3A_35 = arith.constant 0 : i32
      %dma_start3A_36 = tpu.memref_slice %arg12[%dma_start3A_34, %dma_start3A_35] : memref<640x32xf32, #tpu.memory_space<vmem>> -> memref<128x32xf32, #tpu.memory_space<vmem>>
      %dma_start3A_37 = arith.constant 0 : i32
      %dma_start3A_38 = tpu.memref_slice %arg10[%dma_start3A, %dma_start3A_37] : memref<5x128xi32, #tpu.memory_space<vmem>> -> memref<1x128xi32, #tpu.memory_space<vmem>>
      %dma_start3A_39 = tpu.memref_squeeze %dma_start3A_38 : memref<1x128xi32, #tpu.memory_space<vmem>> -> memref<128xi32, #tpu.memory_space<vmem>>
      %dma_start3A_40 = arith.constant 0 : i32
      %dma_start3A_41 = arith.constant 0 : i32
      %dma_start3A_42 = tpu.memref_slice %arg2[%dma_start3A_40, %dma_start3A_41] : memref<100000x32xf32, #tpu.memory_space<hbm>> -> memref<100000x32xf32, #tpu.memory_space<hbm>>
      tpu.enqueue_indirect_dma source(%dma_start3A_42 : memref<100000x32xf32, #tpu.memory_space<hbm>>) target(%dma_start3A_36 : memref<128x32xf32, #tpu.memory_space<vmem>>) offsets(%dma_start3A_39 : memref<128xi32, #tpu.memory_space<vmem>>) semaphore(%arg14 : memref<!tpu.dma_semaphore, #tpu.memory_space<semaphore_mem>>)
      %dma_start3A_43 = arith.constant 1 : i32
      %dma_start3A_44 = arith.constant 128 : i32
      %dma_start3A_45 = arith.constant 0 : i32
      %dma_start3A_46 = tpu.memref_slice %arg12[%dma_start3A_44, %dma_start3A_45] : memref<640x32xf32, #tpu.memory_space<vmem>> -> memref<128x32xf32, #tpu.memory_space<vmem>>
      %dma_start3A_47 = arith.constant 0 : i32
      %dma_start3A_48 = tpu.memref_slice %arg10[%dma_start3A_43, %dma_start3A_47] : memref<5x128xi32, #tpu.memory_space<vmem>> -> memref<1x128xi32, #tpu.memory_space<vmem>>
      %dma_start3A_49 = tpu.memref_squeeze %dma_start3A_48 : memref<1x128xi32, #tpu.memory_space<vmem>> -> memref<128xi32, #tpu.memory_space<vmem>>
      %dma_start3A_50 = arith.constant 0 : i32
      %dma_start3A_51 = arith.constant 0 : i32
      %dma_start3A_52 = tpu.memref_slice %arg2[%dma_start3A_50, %dma_start3A_51] : memref<100000x32xf32, #tpu.memory_space<hbm>> -> memref<100000x32xf32, #tpu.memory_space<hbm>>
      tpu.enqueue_indirect_dma source(%dma_start3A_52 : memref<100000x32xf32, #tpu.memory_space<hbm>>) target(%dma_start3A_46 : memref<128x32xf32, #tpu.memory_space<vmem>>) offsets(%dma_start3A_49 : memref<128xi32, #tpu.memory_space<vmem>>) semaphore(%arg14 : memref<!tpu.dma_semaphore, #tpu.memory_space<semaphore_mem>>)
      %dma_start3A_53 = arith.constant 2 : i32
      %dma_start3A_54 = arith.constant 256 : i32
      %dma_start3A_55 = arith.constant 0 : i32
      %dma_start3A_56 = tpu.memref_slice %arg12[%dma_start3A_54, %dma_start3A_55] : memref<640x32xf32, #tpu.memory_space<vmem>> -> memref<128x32xf32, #tpu.memory_space<vmem>>
      %dma_start3A_57 = arith.constant 0 : i32
      %dma_start3A_58 = tpu.memref_slice %arg10[%dma_start3A_53, %dma_start3A_57] : memref<5x128xi32, #tpu.memory_space<vmem>> -> memref<1x128xi32, #tpu.memory_space<vmem>>
      %dma_start3A_59 = tpu.memref_squeeze %dma_start3A_58 : memref<1x128xi32, #tpu.memory_space<vmem>> -> memref<128xi32, #tpu.memory_space<vmem>>
      %dma_start3A_60 = arith.constant 0 : i32
      %dma_start3A_61 = arith.constant 0 : i32
      %dma_start3A_62 = tpu.memref_slice %arg2[%dma_start3A_60, %dma_start3A_61] : memref<100000x32xf32, #tpu.memory_space<hbm>> -> memref<100000x32xf32, #tpu.memory_space<hbm>>
      tpu.enqueue_indirect_dma source(%dma_start3A_62 : memref<100000x32xf32, #tpu.memory_space<hbm>>) target(%dma_start3A_56 : memref<128x32xf32, #tpu.memory_space<vmem>>) offsets(%dma_start3A_59 : memref<128xi32, #tpu.memory_space<vmem>>) semaphore(%arg14 : memref<!tpu.dma_semaphore, #tpu.memory_space<semaphore_mem>>)
      %dma_start3A_63 = arith.constant 3 : i32
      %dma_start3A_64 = arith.constant 384 : i32
      %dma_start3A_65 = arith.constant 0 : i32
      %dma_start3A_66 = tpu.memref_slice %arg12[%dma_start3A_64, %dma_start3A_65] : memref<640x32xf32, #tpu.memory_space<vmem>> -> memref<128x32xf32, #tpu.memory_space<vmem>>
      %dma_start3A_67 = arith.constant 0 : i32
      %dma_start3A_68 = tpu.memref_slice %arg10[%dma_start3A_63, %dma_start3A_67] : memref<5x128xi32, #tpu.memory_space<vmem>> -> memref<1x128xi32, #tpu.memory_space<vmem>>
      %dma_start3A_69 = tpu.memref_squeeze %dma_start3A_68 : memref<1x128xi32, #tpu.memory_space<vmem>> -> memref<128xi32, #tpu.memory_space<vmem>>
      %dma_start3A_70 = arith.constant 0 : i32
      %dma_start3A_71 = arith.constant 0 : i32
      %dma_start3A_72 = tpu.memref_slice %arg2[%dma_start3A_70, %dma_start3A_71] : memref<100000x32xf32, #tpu.memory_space<hbm>> -> memref<100000x32xf32, #tpu.memory_space<hbm>>
      tpu.enqueue_indirect_dma source(%dma_start3A_72 : memref<100000x32xf32, #tpu.memory_space<hbm>>) target(%dma_start3A_66 : memref<128x32xf32, #tpu.memory_space<vmem>>) offsets(%dma_start3A_69 : memref<128xi32, #tpu.memory_space<vmem>>) semaphore(%arg14 : memref<!tpu.dma_semaphore, #tpu.memory_space<semaphore_mem>>)
      %dma_start3A_73 = arith.constant 4 : i32
      %dma_start3A_74 = arith.constant 512 : i32
      %dma_start3A_75 = arith.constant 0 : i32
      %dma_start3A_76 = tpu.memref_slice %arg12[%dma_start3A_74, %dma_start3A_75] : memref<640x32xf32, #tpu.memory_space<vmem>> -> memref<128x32xf32, #tpu.memory_space<vmem>>
      %dma_start3A_77 = arith.constant 0 : i32
      %dma_start3A_78 = tpu.memref_slice %arg10[%dma_start3A_73, %dma_start3A_77] : memref<5x128xi32, #tpu.memory_space<vmem>> -> memref<1x128xi32, #tpu.memory_space<vmem>>
      %dma_start3A_79 = tpu.memref_squeeze %dma_start3A_78 : memref<1x128xi32, #tpu.memory_space<vmem>> -> memref<128xi32, #tpu.memory_space<vmem>>
      %dma_start3A_80 = arith.constant 0 : i32
      %dma_start3A_81 = arith.constant 0 : i32
      %dma_start3A_82 = tpu.memref_slice %arg2[%dma_start3A_80, %dma_start3A_81] : memref<100000x32xf32, #tpu.memory_space<hbm>> -> memref<100000x32xf32, #tpu.memory_space<hbm>>
      tpu.enqueue_indirect_dma source(%dma_start3A_82 : memref<100000x32xf32, #tpu.memory_space<hbm>>) target(%dma_start3A_76 : memref<128x32xf32, #tpu.memory_space<vmem>>) offsets(%dma_start3A_79 : memref<128xi32, #tpu.memory_space<vmem>>) semaphore(%arg14 : memref<!tpu.dma_semaphore, #tpu.memory_space<semaphore_mem>>)
      %dma_wait3A = arith.constant 0 : i32
      %dma_wait3A_83 = arith.constant 0 : i32
      %dma_wait3A_84 = arith.constant 0 : i32
      %dma_wait3A_85 = tpu.memref_slice %arg12[%dma_wait3A_83, %dma_wait3A_84] : memref<640x32xf32, #tpu.memory_space<vmem>> -> memref<128x32xf32, #tpu.memory_space<vmem>>
      %dma_wait3A_86 = arith.constant 0 : i32
      %dma_wait3A_87 = tpu.memref_slice %arg10[%dma_wait3A, %dma_wait3A_86] : memref<5x128xi32, #tpu.memory_space<vmem>> -> memref<1x128xi32, #tpu.memory_space<vmem>>
      %dma_wait3A_88 = tpu.memref_squeeze %dma_wait3A_87 : memref<1x128xi32, #tpu.memory_space<vmem>> -> memref<128xi32, #tpu.memory_space<vmem>>
      %dma_wait3A_89 = arith.constant 0 : i32
      %dma_wait3A_90 = arith.constant 0 : i32
      %dma_wait3A_91 = tpu.memref_slice %arg2[%dma_wait3A_89, %dma_wait3A_90] : memref<100000x32xf32, #tpu.memory_space<hbm>> -> memref<100000x32xf32, #tpu.memory_space<hbm>>
      tpu.wait_indirect_dma semaphore(%arg14 : memref<!tpu.dma_semaphore, #tpu.memory_space<semaphore_mem>>) src(%dma_wait3A_91 : memref<100000x32xf32, #tpu.memory_space<hbm>>) dst(%dma_wait3A_85 : memref<128x32xf32, #tpu.memory_space<vmem>>)
      %dma_wait3A_92 = arith.constant 1 : i32
      %dma_wait3A_93 = arith.constant 128 : i32
      %dma_wait3A_94 = arith.constant 0 : i32
      %dma_wait3A_95 = tpu.memref_slice %arg12[%dma_wait3A_93, %dma_wait3A_94] : memref<640x32xf32, #tpu.memory_space<vmem>> -> memref<128x32xf32, #tpu.memory_space<vmem>>
      %dma_wait3A_96 = arith.constant 0 : i32
      %dma_wait3A_97 = tpu.memref_slice %arg10[%dma_wait3A_92, %dma_wait3A_96] : memref<5x128xi32, #tpu.memory_space<vmem>> -> memref<1x128xi32, #tpu.memory_space<vmem>>
      %dma_wait3A_98 = tpu.memref_squeeze %dma_wait3A_97 : memref<1x128xi32, #tpu.memory_space<vmem>> -> memref<128xi32, #tpu.memory_space<vmem>>
      %dma_wait3A_99 = arith.constant 0 : i32
      %dma_wait3A_100 = arith.constant 0 : i32
      %dma_wait3A_101 = tpu.memref_slice %arg2[%dma_wait3A_99, %dma_wait3A_100] : memref<100000x32xf32, #tpu.memory_space<hbm>> -> memref<100000x32xf32, #tpu.memory_space<hbm>>
      tpu.wait_indirect_dma semaphore(%arg14 : memref<!tpu.dma_semaphore, #tpu.memory_space<semaphore_mem>>) src(%dma_wait3A_101 : memref<100000x32xf32, #tpu.memory_space<hbm>>) dst(%dma_wait3A_95 : memref<128x32xf32, #tpu.memory_space<vmem>>)
      %dma_wait3A_102 = arith.constant 2 : i32
      %dma_wait3A_103 = arith.constant 256 : i32
      %dma_wait3A_104 = arith.constant 0 : i32
      %dma_wait3A_105 = tpu.memref_slice %arg12[%dma_wait3A_103, %dma_wait3A_104] : memref<640x32xf32, #tpu.memory_space<vmem>> -> memref<128x32xf32, #tpu.memory_space<vmem>>
      %dma_wait3A_106 = arith.constant 0 : i32
      %dma_wait3A_107 = tpu.memref_slice %arg10[%dma_wait3A_102, %dma_wait3A_106] : memref<5x128xi32, #tpu.memory_space<vmem>> -> memref<1x128xi32, #tpu.memory_space<vmem>>
      %dma_wait3A_108 = tpu.memref_squeeze %dma_wait3A_107 : memref<1x128xi32, #tpu.memory_space<vmem>> -> memref<128xi32, #tpu.memory_space<vmem>>
      %dma_wait3A_109 = arith.constant 0 : i32
      %dma_wait3A_110 = arith.constant 0 : i32
      %dma_wait3A_111 = tpu.memref_slice %arg2[%dma_wait3A_109, %dma_wait3A_110] : memref<100000x32xf32, #tpu.memory_space<hbm>> -> memref<100000x32xf32, #tpu.memory_space<hbm>>
      tpu.wait_indirect_dma semaphore(%arg14 : memref<!tpu.dma_semaphore, #tpu.memory_space<semaphore_mem>>) src(%dma_wait3A_111 : memref<100000x32xf32, #tpu.memory_space<hbm>>) dst(%dma_wait3A_105 : memref<128x32xf32, #tpu.memory_space<vmem>>)
      %dma_wait3A_112 = arith.constant 3 : i32
      %dma_wait3A_113 = arith.constant 384 : i32
      %dma_wait3A_114 = arith.constant 0 : i32
      %dma_wait3A_115 = tpu.memref_slice %arg12[%dma_wait3A_113, %dma_wait3A_114] : memref<640x32xf32, #tpu.memory_space<vmem>> -> memref<128x32xf32, #tpu.memory_space<vmem>>
      %dma_wait3A_116 = arith.constant 0 : i32
      %dma_wait3A_117 = tpu.memref_slice %arg10[%dma_wait3A_112, %dma_wait3A_116] : memref<5x128xi32, #tpu.memory_space<vmem>> -> memref<1x128xi32, #tpu.memory_space<vmem>>
      %dma_wait3A_118 = tpu.memref_squeeze %dma_wait3A_117 : memref<1x128xi32, #tpu.memory_space<vmem>> -> memref<128xi32, #tpu.memory_space<vmem>>
      %dma_wait3A_119 = arith.constant 0 : i32
      %dma_wait3A_120 = arith.constant 0 : i32
      %dma_wait3A_121 = tpu.memref_slice %arg2[%dma_wait3A_119, %dma_wait3A_120] : memref<100000x32xf32, #tpu.memory_space<hbm>> -> memref<100000x32xf32, #tpu.memory_space<hbm>>
      tpu.wait_indirect_dma semaphore(%arg14 : memref<!tpu.dma_semaphore, #tpu.memory_space<semaphore_mem>>) src(%dma_wait3A_121 : memref<100000x32xf32, #tpu.memory_space<hbm>>) dst(%dma_wait3A_115 : memref<128x32xf32, #tpu.memory_space<vmem>>)
      %dma_wait3A_122 = arith.constant 4 : i32
      %dma_wait3A_123 = arith.constant 512 : i32
      %dma_wait3A_124 = arith.constant 0 : i32
      %dma_wait3A_125 = tpu.memref_slice %arg12[%dma_wait3A_123, %dma_wait3A_124] : memref<640x32xf32, #tpu.memory_space<vmem>> -> memref<128x32xf32, #tpu.memory_space<vmem>>
      %dma_wait3A_126 = arith.constant 0 : i32
      %dma_wait3A_127 = tpu.memref_slice %arg10[%dma_wait3A_122, %dma_wait3A_126] : memref<5x128xi32, #tpu.memory_space<vmem>> -> memref<1x128xi32, #tpu.memory_space<vmem>>
      %dma_wait3A_128 = tpu.memref_squeeze %dma_wait3A_127 : memref<1x128xi32, #tpu.memory_space<vmem>> -> memref<128xi32, #tpu.memory_space<vmem>>
      %dma_wait3A_129 = arith.constant 0 : i32
      %dma_wait3A_130 = arith.constant 0 : i32
      %dma_wait3A_131 = tpu.memref_slice %arg2[%dma_wait3A_129, %dma_wait3A_130] : memref<100000x32xf32, #tpu.memory_space<hbm>> -> memref<100000x32xf32, #tpu.memory_space<hbm>>
      tpu.wait_indirect_dma semaphore(%arg14 : memref<!tpu.dma_semaphore, #tpu.memory_space<semaphore_mem>>) src(%dma_wait3A_131 : memref<100000x32xf32, #tpu.memory_space<hbm>>) dst(%dma_wait3A_125 : memref<128x32xf32, #tpu.memory_space<vmem>>)
      %dma_start3A_132 = arith.constant 0 : i32
      %dma_start3A_133 = arith.constant 0 : i32
      %dma_start3A_134 = arith.constant 0 : i32
      %dma_start3A_135 = tpu.memref_slice %arg12[%dma_start3A_133, %dma_start3A_134] : memref<640x32xf32, #tpu.memory_space<vmem>> -> memref<128x32xf32, #tpu.memory_space<vmem>>
      %dma_start3A_136 = arith.constant 0 : i32
      %dma_start3A_137 = tpu.memref_slice %arg11[%dma_start3A_132, %dma_start3A_136] : memref<5x128xi32, #tpu.memory_space<vmem>> -> memref<1x128xi32, #tpu.memory_space<vmem>>
      %dma_start3A_138 = tpu.memref_squeeze %dma_start3A_137 : memref<1x128xi32, #tpu.memory_space<vmem>> -> memref<128xi32, #tpu.memory_space<vmem>>
      %dma_start3A_139 = arith.constant 0 : i32
      %dma_start3A_140 = arith.constant 0 : i32
      %dma_start3A_141 = tpu.memref_slice %arg13[%dma_start3A_139, %dma_start3A_140] : memref<50048x32xf32, #tpu.memory_space<vmem_shared>> -> memref<50048x32xf32, #tpu.memory_space<vmem_shared>>
      tpu.enqueue_indirect_dma source(%dma_start3A_135 : memref<128x32xf32, #tpu.memory_space<vmem>>) target(%dma_start3A_141 : memref<50048x32xf32, #tpu.memory_space<vmem_shared>>) offsets(%dma_start3A_138 : memref<128xi32, #tpu.memory_space<vmem>>) semaphore(%arg14 : memref<!tpu.dma_semaphore, #tpu.memory_space<semaphore_mem>>) {add = true}
      %dma_start3A_142 = arith.constant 1 : i32
      %dma_start3A_143 = arith.constant 128 : i32
      %dma_start3A_144 = arith.constant 0 : i32
      %dma_start3A_145 = tpu.memref_slice %arg12[%dma_start3A_143, %dma_start3A_144] : memref<640x32xf32, #tpu.memory_space<vmem>> -> memref<128x32xf32, #tpu.memory_space<vmem>>
      %dma_start3A_146 = arith.constant 0 : i32
      %dma_start3A_147 = tpu.memref_slice %arg11[%dma_start3A_142, %dma_start3A_146] : memref<5x128xi32, #tpu.memory_space<vmem>> -> memref<1x128xi32, #tpu.memory_space<vmem>>
      %dma_start3A_148 = tpu.memref_squeeze %dma_start3A_147 : memref<1x128xi32, #tpu.memory_space<vmem>> -> memref<128xi32, #tpu.memory_space<vmem>>
      %dma_start3A_149 = arith.constant 0 : i32
      %dma_start3A_150 = arith.constant 0 : i32
      %dma_start3A_151 = tpu.memref_slice %arg13[%dma_start3A_149, %dma_start3A_150] : memref<50048x32xf32, #tpu.memory_space<vmem_shared>> -> memref<50048x32xf32, #tpu.memory_space<vmem_shared>>
      tpu.enqueue_indirect_dma source(%dma_start3A_145 : memref<128x32xf32, #tpu.memory_space<vmem>>) target(%dma_start3A_151 : memref<50048x32xf32, #tpu.memory_space<vmem_shared>>) offsets(%dma_start3A_148 : memref<128xi32, #tpu.memory_space<vmem>>) semaphore(%arg14 : memref<!tpu.dma_semaphore, #tpu.memory_space<semaphore_mem>>) {add = true}
      %dma_start3A_152 = arith.constant 2 : i32
      %dma_start3A_153 = arith.constant 256 : i32
      %dma_start3A_154 = arith.constant 0 : i32
      %dma_start3A_155 = tpu.memref_slice %arg12[%dma_start3A_153, %dma_start3A_154] : memref<640x32xf32, #tpu.memory_space<vmem>> -> memref<128x32xf32, #tpu.memory_space<vmem>>
      %dma_start3A_156 = arith.constant 0 : i32
      %dma_start3A_157 = tpu.memref_slice %arg11[%dma_start3A_152, %dma_start3A_156] : memref<5x128xi32, #tpu.memory_space<vmem>> -> memref<1x128xi32, #tpu.memory_space<vmem>>
      %dma_start3A_158 = tpu.memref_squeeze %dma_start3A_157 : memref<1x128xi32, #tpu.memory_space<vmem>> -> memref<128xi32, #tpu.memory_space<vmem>>
      %dma_start3A_159 = arith.constant 0 : i32
      %dma_start3A_160 = arith.constant 0 : i32
      %dma_start3A_161 = tpu.memref_slice %arg13[%dma_start3A_159, %dma_start3A_160] : memref<50048x32xf32, #tpu.memory_space<vmem_shared>> -> memref<50048x32xf32, #tpu.memory_space<vmem_shared>>
      tpu.enqueue_indirect_dma source(%dma_start3A_155 : memref<128x32xf32, #tpu.memory_space<vmem>>) target(%dma_start3A_161 : memref<50048x32xf32, #tpu.memory_space<vmem_shared>>) offsets(%dma_start3A_158 : memref<128xi32, #tpu.memory_space<vmem>>) semaphore(%arg14 : memref<!tpu.dma_semaphore, #tpu.memory_space<semaphore_mem>>) {add = true}
      %dma_start3A_162 = arith.constant 3 : i32
      %dma_start3A_163 = arith.constant 384 : i32
      %dma_start3A_164 = arith.constant 0 : i32
      %dma_start3A_165 = tpu.memref_slice %arg12[%dma_start3A_163, %dma_start3A_164] : memref<640x32xf32, #tpu.memory_space<vmem>> -> memref<128x32xf32, #tpu.memory_space<vmem>>
      %dma_start3A_166 = arith.constant 0 : i32
      %dma_start3A_167 = tpu.memref_slice %arg11[%dma_start3A_162, %dma_start3A_166] : memref<5x128xi32, #tpu.memory_space<vmem>> -> memref<1x128xi32, #tpu.memory_space<vmem>>
      %dma_start3A_168 = tpu.memref_squeeze %dma_start3A_167 : memref<1x128xi32, #tpu.memory_space<vmem>> -> memref<128xi32, #tpu.memory_space<vmem>>
      %dma_start3A_169 = arith.constant 0 : i32
      %dma_start3A_170 = arith.constant 0 : i32
      %dma_start3A_171 = tpu.memref_slice %arg13[%dma_start3A_169, %dma_start3A_170] : memref<50048x32xf32, #tpu.memory_space<vmem_shared>> -> memref<50048x32xf32, #tpu.memory_space<vmem_shared>>
      tpu.enqueue_indirect_dma source(%dma_start3A_165 : memref<128x32xf32, #tpu.memory_space<vmem>>) target(%dma_start3A_171 : memref<50048x32xf32, #tpu.memory_space<vmem_shared>>) offsets(%dma_start3A_168 : memref<128xi32, #tpu.memory_space<vmem>>) semaphore(%arg14 : memref<!tpu.dma_semaphore, #tpu.memory_space<semaphore_mem>>) {add = true}
      %dma_start3A_172 = arith.constant 4 : i32
      %dma_start3A_173 = arith.constant 512 : i32
      %dma_start3A_174 = arith.constant 0 : i32
      %dma_start3A_175 = tpu.memref_slice %arg12[%dma_start3A_173, %dma_start3A_174] : memref<640x32xf32, #tpu.memory_space<vmem>> -> memref<128x32xf32, #tpu.memory_space<vmem>>
      %dma_start3A_176 = arith.constant 0 : i32
      %dma_start3A_177 = tpu.memref_slice %arg11[%dma_start3A_172, %dma_start3A_176] : memref<5x128xi32, #tpu.memory_space<vmem>> -> memref<1x128xi32, #tpu.memory_space<vmem>>
      %dma_start3A_178 = tpu.memref_squeeze %dma_start3A_177 : memref<1x128xi32, #tpu.memory_space<vmem>> -> memref<128xi32, #tpu.memory_space<vmem>>
      %dma_start3A_179 = arith.constant 0 : i32
      %dma_start3A_180 = arith.constant 0 : i32
      %dma_start3A_181 = tpu.memref_slice %arg13[%dma_start3A_179, %dma_start3A_180] : memref<50048x32xf32, #tpu.memory_space<vmem_shared>> -> memref<50048x32xf32, #tpu.memory_space<vmem_shared>>
      tpu.enqueue_indirect_dma source(%dma_start3A_175 : memref<128x32xf32, #tpu.memory_space<vmem>>) target(%dma_start3A_181 : memref<50048x32xf32, #tpu.memory_space<vmem_shared>>) offsets(%dma_start3A_178 : memref<128xi32, #tpu.memory_space<vmem>>) semaphore(%arg14 : memref<!tpu.dma_semaphore, #tpu.memory_space<semaphore_mem>>) {add = true}
      %dma_wait3A_182 = arith.constant 0 : i32
      %dma_wait3A_183 = arith.constant 0 : i32
      %dma_wait3A_184 = arith.constant 0 : i32
      %dma_wait3A_185 = tpu.memref_slice %arg12[%dma_wait3A_183, %dma_wait3A_184] : memref<640x32xf32, #tpu.memory_space<vmem>> -> memref<128x32xf32, #tpu.memory_space<vmem>>
      %dma_wait3A_186 = arith.constant 0 : i32
      %dma_wait3A_187 = tpu.memref_slice %arg11[%dma_wait3A_182, %dma_wait3A_186] : memref<5x128xi32, #tpu.memory_space<vmem>> -> memref<1x128xi32, #tpu.memory_space<vmem>>
      %dma_wait3A_188 = tpu.memref_squeeze %dma_wait3A_187 : memref<1x128xi32, #tpu.memory_space<vmem>> -> memref<128xi32, #tpu.memory_space<vmem>>
      %dma_wait3A_189 = arith.constant 0 : i32
      %dma_wait3A_190 = arith.constant 0 : i32
      %dma_wait3A_191 = tpu.memref_slice %arg13[%dma_wait3A_189, %dma_wait3A_190] : memref<50048x32xf32, #tpu.memory_space<vmem_shared>> -> memref<50048x32xf32, #tpu.memory_space<vmem_shared>>
      tpu.wait_indirect_dma semaphore(%arg14 : memref<!tpu.dma_semaphore, #tpu.memory_space<semaphore_mem>>) src(%dma_wait3A_185 : memref<128x32xf32, #tpu.memory_space<vmem>>) dst(%dma_wait3A_191 : memref<50048x32xf32, #tpu.memory_space<vmem_shared>>)
      %dma_wait3A_192 = arith.constant 1 : i32
      %dma_wait3A_193 = arith.constant 128 : i32
      %dma_wait3A_194 = arith.constant 0 : i32
      %dma_wait3A_195 = tpu.memref_slice %arg12[%dma_wait3A_193, %dma_wait3A_194] : memref<640x32xf32, #tpu.memory_space<vmem>> -> memref<128x32xf32, #tpu.memory_space<vmem>>
      %dma_wait3A_196 = arith.constant 0 : i32
      %dma_wait3A_197 = tpu.memref_slice %arg11[%dma_wait3A_192, %dma_wait3A_196] : memref<5x128xi32, #tpu.memory_space<vmem>> -> memref<1x128xi32, #tpu.memory_space<vmem>>
      %dma_wait3A_198 = tpu.memref_squeeze %dma_wait3A_197 : memref<1x128xi32, #tpu.memory_space<vmem>> -> memref<128xi32, #tpu.memory_space<vmem>>
      %dma_wait3A_199 = arith.constant 0 : i32
      %dma_wait3A_200 = arith.constant 0 : i32
      %dma_wait3A_201 = tpu.memref_slice %arg13[%dma_wait3A_199, %dma_wait3A_200] : memref<50048x32xf32, #tpu.memory_space<vmem_shared>> -> memref<50048x32xf32, #tpu.memory_space<vmem_shared>>
      tpu.wait_indirect_dma semaphore(%arg14 : memref<!tpu.dma_semaphore, #tpu.memory_space<semaphore_mem>>) src(%dma_wait3A_195 : memref<128x32xf32, #tpu.memory_space<vmem>>) dst(%dma_wait3A_201 : memref<50048x32xf32, #tpu.memory_space<vmem_shared>>)
      %dma_wait3A_202 = arith.constant 2 : i32
      %dma_wait3A_203 = arith.constant 256 : i32
      %dma_wait3A_204 = arith.constant 0 : i32
      %dma_wait3A_205 = tpu.memref_slice %arg12[%dma_wait3A_203, %dma_wait3A_204] : memref<640x32xf32, #tpu.memory_space<vmem>> -> memref<128x32xf32, #tpu.memory_space<vmem>>
      %dma_wait3A_206 = arith.constant 0 : i32
      %dma_wait3A_207 = tpu.memref_slice %arg11[%dma_wait3A_202, %dma_wait3A_206] : memref<5x128xi32, #tpu.memory_space<vmem>> -> memref<1x128xi32, #tpu.memory_space<vmem>>
      %dma_wait3A_208 = tpu.memref_squeeze %dma_wait3A_207 : memref<1x128xi32, #tpu.memory_space<vmem>> -> memref<128xi32, #tpu.memory_space<vmem>>
      %dma_wait3A_209 = arith.constant 0 : i32
      %dma_wait3A_210 = arith.constant 0 : i32
      %dma_wait3A_211 = tpu.memref_slice %arg13[%dma_wait3A_209, %dma_wait3A_210] : memref<50048x32xf32, #tpu.memory_space<vmem_shared>> -> memref<50048x32xf32, #tpu.memory_space<vmem_shared>>
      tpu.wait_indirect_dma semaphore(%arg14 : memref<!tpu.dma_semaphore, #tpu.memory_space<semaphore_mem>>) src(%dma_wait3A_205 : memref<128x32xf32, #tpu.memory_space<vmem>>) dst(%dma_wait3A_211 : memref<50048x32xf32, #tpu.memory_space<vmem_shared>>)
      %dma_wait3A_212 = arith.constant 3 : i32
      %dma_wait3A_213 = arith.constant 384 : i32
      %dma_wait3A_214 = arith.constant 0 : i32
      %dma_wait3A_215 = tpu.memref_slice %arg12[%dma_wait3A_213, %dma_wait3A_214] : memref<640x32xf32, #tpu.memory_space<vmem>> -> memref<128x32xf32, #tpu.memory_space<vmem>>
      %dma_wait3A_216 = arith.constant 0 : i32
      %dma_wait3A_217 = tpu.memref_slice %arg11[%dma_wait3A_212, %dma_wait3A_216] : memref<5x128xi32, #tpu.memory_space<vmem>> -> memref<1x128xi32, #tpu.memory_space<vmem>>
      %dma_wait3A_218 = tpu.memref_squeeze %dma_wait3A_217 : memref<1x128xi32, #tpu.memory_space<vmem>> -> memref<128xi32, #tpu.memory_space<vmem>>
      %dma_wait3A_219 = arith.constant 0 : i32
      %dma_wait3A_220 = arith.constant 0 : i32
      %dma_wait3A_221 = tpu.memref_slice %arg13[%dma_wait3A_219, %dma_wait3A_220] : memref<50048x32xf32, #tpu.memory_space<vmem_shared>> -> memref<50048x32xf32, #tpu.memory_space<vmem_shared>>
      tpu.wait_indirect_dma semaphore(%arg14 : memref<!tpu.dma_semaphore, #tpu.memory_space<semaphore_mem>>) src(%dma_wait3A_215 : memref<128x32xf32, #tpu.memory_space<vmem>>) dst(%dma_wait3A_221 : memref<50048x32xf32, #tpu.memory_space<vmem_shared>>)
      %dma_wait3A_222 = arith.constant 4 : i32
      %dma_wait3A_223 = arith.constant 512 : i32
      %dma_wait3A_224 = arith.constant 0 : i32
      %dma_wait3A_225 = tpu.memref_slice %arg12[%dma_wait3A_223, %dma_wait3A_224] : memref<640x32xf32, #tpu.memory_space<vmem>> -> memref<128x32xf32, #tpu.memory_space<vmem>>
      %dma_wait3A_226 = arith.constant 0 : i32
      %dma_wait3A_227 = tpu.memref_slice %arg11[%dma_wait3A_222, %dma_wait3A_226] : memref<5x128xi32, #tpu.memory_space<vmem>> -> memref<1x128xi32, #tpu.memory_space<vmem>>
      %dma_wait3A_228 = tpu.memref_squeeze %dma_wait3A_227 : memref<1x128xi32, #tpu.memory_space<vmem>> -> memref<128xi32, #tpu.memory_space<vmem>>
      %dma_wait3A_229 = arith.constant 0 : i32
      %dma_wait3A_230 = arith.constant 0 : i32
      %dma_wait3A_231 = tpu.memref_slice %arg13[%dma_wait3A_229, %dma_wait3A_230] : memref<50048x32xf32, #tpu.memory_space<vmem_shared>> -> memref<50048x32xf32, #tpu.memory_space<vmem_shared>>
      tpu.wait_indirect_dma semaphore(%arg14 : memref<!tpu.dma_semaphore, #tpu.memory_space<semaphore_mem>>) src(%dma_wait3A_225 : memref<128x32xf32, #tpu.memory_space<vmem>>) dst(%dma_wait3A_231 : memref<50048x32xf32, #tpu.memory_space<vmem_shared>>)
    }
    %scan3A_8 = arith.constant 80 : i32
    %barrier3A_9 = arith.constant 0 : index
    tpu.barrier barrier_id(%barrier3A_9)
    %mul3A_10 = arith.constant 3128 : i32
    %mul3A_11 = arith.muli %arg1, %mul3A_10 : i32
    %mul3A_12 = arith.constant 3128 : i32
    %mul3A_13 = arith.muli %arg1, %mul3A_12 : i32
    "tpu.region"() ({
      %run_scoped3A = tpu.sem_alloc : memref<!tpu.dma_semaphore, #tpu.memory_space<semaphore_mem>>
      %dma_start3A = arith.constant 0 : i32
      %dma_start3A_31 = arith.constant 0 : i32
      %dma_start3A_32 = tpu.memref_slice %arg8[%arg0, %dma_start3A, %dma_start3A_31] : memref<2x50048x32xf32, #tpu.memory_space<hbm>> -> memref<1x50048x32xf32, #tpu.memory_space<hbm>>
      %dma_start3A_33 = tpu.memref_squeeze %dma_start3A_32 : memref<1x50048x32xf32, #tpu.memory_space<hbm>> -> memref<50048x32xf32, #tpu.memory_space<hbm>>
      %dma_start3A_34 = arith.constant 0 : i32
      %dma_start3A_35 = tpu.memref_slice %dma_start3A_33[%mul3A_13, %dma_start3A_34] : memref<50048x32xf32, #tpu.memory_space<hbm>> -> memref<3128x32xf32, #tpu.memory_space<hbm>>
      %dma_start3A_36 = arith.constant 0 : i32
      %dma_start3A_37 = tpu.memref_slice %arg13[%mul3A_11, %dma_start3A_36] : memref<50048x32xf32, #tpu.memory_space<vmem_shared>> -> memref<3128x32xf32, #tpu.memory_space<vmem_shared>>
      tpu.enqueue_dma source(%dma_start3A_37 : memref<3128x32xf32, #tpu.memory_space<vmem_shared>>) target(%dma_start3A_35 : memref<3128x32xf32, #tpu.memory_space<hbm>>) target_semaphore(%run_scoped3A : memref<!tpu.dma_semaphore, #tpu.memory_space<semaphore_mem>>)
      %dma_wait3A = arith.constant 0 : i32
      %dma_wait3A_38 = arith.constant 0 : i32
      %dma_wait3A_39 = tpu.memref_slice %arg8[%arg0, %dma_wait3A, %dma_wait3A_38] : memref<2x50048x32xf32, #tpu.memory_space<hbm>> -> memref<1x50048x32xf32, #tpu.memory_space<hbm>>
      %dma_wait3A_40 = tpu.memref_squeeze %dma_wait3A_39 : memref<1x50048x32xf32, #tpu.memory_space<hbm>> -> memref<50048x32xf32, #tpu.memory_space<hbm>>
      %dma_wait3A_41 = arith.constant 0 : i32
      %dma_wait3A_42 = tpu.memref_slice %dma_wait3A_40[%mul3A_13, %dma_wait3A_41] : memref<50048x32xf32, #tpu.memory_space<hbm>> -> memref<3128x32xf32, #tpu.memory_space<hbm>>
      %dma_wait3A_43 = arith.constant 0 : i32
      %dma_wait3A_44 = tpu.memref_slice %arg13[%mul3A_11, %dma_wait3A_43] : memref<50048x32xf32, #tpu.memory_space<vmem_shared>> -> memref<3128x32xf32, #tpu.memory_space<vmem_shared>>
      tpu.wait_dma2 semaphore(%run_scoped3A : memref<!tpu.dma_semaphore, #tpu.memory_space<semaphore_mem>>) src(%dma_wait3A_44 : memref<3128x32xf32, #tpu.memory_space<vmem_shared>>) dst(%dma_wait3A_42 : memref<3128x32xf32, #tpu.memory_space<hbm>>)
      tpu.yield
    }) : () -> ()
    %mul3A_14 = arith.constant 3128 : i32
    %mul3A_15 = arith.muli %arg1, %mul3A_14 : i32
    "tpu.region"() ({
      %run_scoped3A = tpu.sem_alloc : memref<!tpu.dma_semaphore, #tpu.memory_space<semaphore_mem>>
      %dma_start3A = arith.constant 0 : i32
      %dma_start3A_31 = tpu.memref_slice %arg13[%mul3A_15, %dma_start3A] : memref<50048x32xf32, #tpu.memory_space<vmem_shared>> -> memref<3128x32xf32, #tpu.memory_space<vmem_shared>>
      tpu.enqueue_dma source(%arg7 : memref<3128x32xf32, #tpu.memory_space<hbm>>) target(%dma_start3A_31 : memref<3128x32xf32, #tpu.memory_space<vmem_shared>>) target_semaphore(%run_scoped3A : memref<!tpu.dma_semaphore, #tpu.memory_space<semaphore_mem>>)
      %dma_wait3A = arith.constant 0 : i32
      %dma_wait3A_32 = tpu.memref_slice %arg13[%mul3A_15, %dma_wait3A] : memref<50048x32xf32, #tpu.memory_space<vmem_shared>> -> memref<3128x32xf32, #tpu.memory_space<vmem_shared>>
      tpu.wait_dma2 semaphore(%run_scoped3A : memref<!tpu.dma_semaphore, #tpu.memory_space<semaphore_mem>>) src(%arg7 : memref<3128x32xf32, #tpu.memory_space<hbm>>) dst(%dma_wait3A_32 : memref<3128x32xf32, #tpu.memory_space<vmem_shared>>)
      tpu.yield
    }) : () -> ()
    %barrier3A_16 = arith.constant 0 : index
    tpu.barrier barrier_id(%barrier3A_16)
    %mul3A_17 = arith.constant 400 : i32
    %mul3A_18 = arith.muli %arg1, %mul3A_17 : i32
    %scan3A_19 = arith.constant 0 : i32
    %scan3A_20 = arith.constant 1 : i32
    %scan3A_21 = arith.constant 0 : i32
    %scan3A_22 = arith.constant 80 : i32
    %scan3A_23 = arith.addi %scan3A_21, %scan3A_22 : i32
    %scan3A_24 = arith.constant 1 : i32
    scf.for %scan3A_31 = %scan3A_21 to %scan3A_23 step %scan3A_24  : i32 {
      %mul3A_32 = arith.constant 5 : i32
      %mul3A_33 = arith.muli %scan3A_31, %mul3A_32 : i32
      %add3A = arith.addi %mul3A_18, %mul3A_33 : i32
      "tpu.region"() ({
        %run_scoped3A = tpu.sem_alloc : memref<!tpu.dma_semaphore, #tpu.memory_space<semaphore_mem>>
        %dma_start3A_232 = arith.constant 0 : i32
        %dma_start3A_233 = arith.constant 0 : i32
        %dma_start3A_234 = tpu.memref_slice %arg5[%arg0, %dma_start3A_232, %dma_start3A_233] : memref<2x6400x128xi32, #tpu.memory_space<hbm>> -> memref<1x6400x128xi32, #tpu.memory_space<hbm>>
        %dma_start3A_235 = tpu.memref_squeeze %dma_start3A_234 : memref<1x6400x128xi32, #tpu.memory_space<hbm>> -> memref<6400x128xi32, #tpu.memory_space<hbm>>
        %dma_start3A_236 = arith.constant 0 : i32
        %dma_start3A_237 = tpu.memref_slice %dma_start3A_235[%add3A, %dma_start3A_236] : memref<6400x128xi32, #tpu.memory_space<hbm>> -> memref<5x128xi32, #tpu.memory_space<hbm>>
        %dma_start3A_238 = arith.constant 0 : i32
        %dma_start3A_239 = arith.constant 0 : i32
        %dma_start3A_240 = tpu.memref_slice %arg5[%arg0, %dma_start3A_238, %dma_start3A_239] : memref<2x6400x128xi32, #tpu.memory_space<hbm>> -> memref<1x6400x128xi32, #tpu.memory_space<hbm>>
        %dma_start3A_241 = tpu.memref_squeeze %dma_start3A_240 : memref<1x6400x128xi32, #tpu.memory_space<hbm>> -> memref<6400x128xi32, #tpu.memory_space<hbm>>
        %dma_start3A_242 = arith.constant 0 : i32
        %dma_start3A_243 = tpu.memref_slice %dma_start3A_241[%add3A, %dma_start3A_242] : memref<6400x128xi32, #tpu.memory_space<hbm>> -> memref<5x128xi32, #tpu.memory_space<hbm>>
        tpu.enqueue_dma source(%dma_start3A_243 : memref<5x128xi32, #tpu.memory_space<hbm>>) target(%arg10 : memref<5x128xi32, #tpu.memory_space<vmem>>) target_semaphore(%run_scoped3A : memref<!tpu.dma_semaphore, #tpu.memory_space<semaphore_mem>>)
        %dma_wait3A_244 = arith.constant 0 : i32
        %dma_wait3A_245 = arith.constant 0 : i32
        %dma_wait3A_246 = tpu.memref_slice %arg5[%arg0, %dma_wait3A_244, %dma_wait3A_245] : memref<2x6400x128xi32, #tpu.memory_space<hbm>> -> memref<1x6400x128xi32, #tpu.memory_space<hbm>>
        %dma_wait3A_247 = tpu.memref_squeeze %dma_wait3A_246 : memref<1x6400x128xi32, #tpu.memory_space<hbm>> -> memref<6400x128xi32, #tpu.memory_space<hbm>>
        %dma_wait3A_248 = arith.constant 0 : i32
        %dma_wait3A_249 = tpu.memref_slice %dma_wait3A_247[%add3A, %dma_wait3A_248] : memref<6400x128xi32, #tpu.memory_space<hbm>> -> memref<5x128xi32, #tpu.memory_space<hbm>>
        %dma_wait3A_250 = arith.constant 0 : i32
        %dma_wait3A_251 = arith.constant 0 : i32
        %dma_wait3A_252 = tpu.memref_slice %arg5[%arg0, %dma_wait3A_250, %dma_wait3A_251] : memref<2x6400x128xi32, #tpu.memory_space<hbm>> -> memref<1x6400x128xi32, #tpu.memory_space<hbm>>
        %dma_wait3A_253 = tpu.memref_squeeze %dma_wait3A_252 : memref<1x6400x128xi32, #tpu.memory_space<hbm>> -> memref<6400x128xi32, #tpu.memory_space<hbm>>
        %dma_wait3A_254 = arith.constant 0 : i32
        %dma_wait3A_255 = tpu.memref_slice %dma_wait3A_253[%add3A, %dma_wait3A_254] : memref<6400x128xi32, #tpu.memory_space<hbm>> -> memref<5x128xi32, #tpu.memory_space<hbm>>
        tpu.wait_dma2 semaphore(%run_scoped3A : memref<!tpu.dma_semaphore, #tpu.memory_space<semaphore_mem>>) src(%dma_wait3A_255 : memref<5x128xi32, #tpu.memory_space<hbm>>) dst(%arg10 : memref<5x128xi32, #tpu.memory_space<vmem>>)
        tpu.yield
      }) : () -> ()
      "tpu.region"() ({
        %run_scoped3A = tpu.sem_alloc : memref<!tpu.dma_semaphore, #tpu.memory_space<semaphore_mem>>
        %dma_start3A_232 = arith.constant 0 : i32
        %dma_start3A_233 = arith.constant 0 : i32
        %dma_start3A_234 = tpu.memref_slice %arg6[%scan3A_20, %dma_start3A_232, %dma_start3A_233] : memref<2x6400x128xi32, #tpu.memory_space<hbm>> -> memref<1x6400x128xi32, #tpu.memory_space<hbm>>
        %dma_start3A_235 = tpu.memref_squeeze %dma_start3A_234 : memref<1x6400x128xi32, #tpu.memory_space<hbm>> -> memref<6400x128xi32, #tpu.memory_space<hbm>>
        %dma_start3A_236 = arith.constant 0 : i32
        %dma_start3A_237 = tpu.memref_slice %dma_start3A_235[%add3A, %dma_start3A_236] : memref<6400x128xi32, #tpu.memory_space<hbm>> -> memref<5x128xi32, #tpu.memory_space<hbm>>
        %dma_start3A_238 = arith.constant 0 : i32
        %dma_start3A_239 = arith.constant 0 : i32
        %dma_start3A_240 = tpu.memref_slice %arg6[%scan3A_20, %dma_start3A_238, %dma_start3A_239] : memref<2x6400x128xi32, #tpu.memory_space<hbm>> -> memref<1x6400x128xi32, #tpu.memory_space<hbm>>
        %dma_start3A_241 = tpu.memref_squeeze %dma_start3A_240 : memref<1x6400x128xi32, #tpu.memory_space<hbm>> -> memref<6400x128xi32, #tpu.memory_space<hbm>>
        %dma_start3A_242 = arith.constant 0 : i32
        %dma_start3A_243 = tpu.memref_slice %dma_start3A_241[%add3A, %dma_start3A_242] : memref<6400x128xi32, #tpu.memory_space<hbm>> -> memref<5x128xi32, #tpu.memory_space<hbm>>
        tpu.enqueue_dma source(%dma_start3A_243 : memref<5x128xi32, #tpu.memory_space<hbm>>) target(%arg11 : memref<5x128xi32, #tpu.memory_space<vmem>>) target_semaphore(%run_scoped3A : memref<!tpu.dma_semaphore, #tpu.memory_space<semaphore_mem>>)
        %dma_wait3A_244 = arith.constant 0 : i32
        %dma_wait3A_245 = arith.constant 0 : i32
        %dma_wait3A_246 = tpu.memref_slice %arg6[%scan3A_20, %dma_wait3A_244, %dma_wait3A_245] : memref<2x6400x128xi32, #tpu.memory_space<hbm>> -> memref<1x6400x128xi32, #tpu.memory_space<hbm>>
        %dma_wait3A_247 = tpu.memref_squeeze %dma_wait3A_246 : memref<1x6400x128xi32, #tpu.memory_space<hbm>> -> memref<6400x128xi32, #tpu.memory_space<hbm>>
        %dma_wait3A_248 = arith.constant 0 : i32
        %dma_wait3A_249 = tpu.memref_slice %dma_wait3A_247[%add3A, %dma_wait3A_248] : memref<6400x128xi32, #tpu.memory_space<hbm>> -> memref<5x128xi32, #tpu.memory_space<hbm>>
        %dma_wait3A_250 = arith.constant 0 : i32
        %dma_wait3A_251 = arith.constant 0 : i32
        %dma_wait3A_252 = tpu.memref_slice %arg6[%scan3A_20, %dma_wait3A_250, %dma_wait3A_251] : memref<2x6400x128xi32, #tpu.memory_space<hbm>> -> memref<1x6400x128xi32, #tpu.memory_space<hbm>>
        %dma_wait3A_253 = tpu.memref_squeeze %dma_wait3A_252 : memref<1x6400x128xi32, #tpu.memory_space<hbm>> -> memref<6400x128xi32, #tpu.memory_space<hbm>>
        %dma_wait3A_254 = arith.constant 0 : i32
        %dma_wait3A_255 = tpu.memref_slice %dma_wait3A_253[%add3A, %dma_wait3A_254] : memref<6400x128xi32, #tpu.memory_space<hbm>> -> memref<5x128xi32, #tpu.memory_space<hbm>>
        tpu.wait_dma2 semaphore(%run_scoped3A : memref<!tpu.dma_semaphore, #tpu.memory_space<semaphore_mem>>) src(%dma_wait3A_255 : memref<5x128xi32, #tpu.memory_space<hbm>>) dst(%arg11 : memref<5x128xi32, #tpu.memory_space<vmem>>)
        tpu.yield
      }) : () -> ()
      %dma_start3A = arith.constant 0 : i32
      %dma_start3A_34 = arith.constant 0 : i32
      %dma_start3A_35 = arith.constant 0 : i32
      %dma_start3A_36 = tpu.memref_slice %arg12[%dma_start3A_34, %dma_start3A_35] : memref<640x32xf32, #tpu.memory_space<vmem>> -> memref<128x32xf32, #tpu.memory_space<vmem>>
      %dma_start3A_37 = arith.constant 0 : i32
      %dma_start3A_38 = tpu.memref_slice %arg10[%dma_start3A, %dma_start3A_37] : memref<5x128xi32, #tpu.memory_space<vmem>> -> memref<1x128xi32, #tpu.memory_space<vmem>>
      %dma_start3A_39 = tpu.memref_squeeze %dma_start3A_38 : memref<1x128xi32, #tpu.memory_space<vmem>> -> memref<128xi32, #tpu.memory_space<vmem>>
      %dma_start3A_40 = arith.constant 0 : i32
      %dma_start3A_41 = arith.constant 0 : i32
      %dma_start3A_42 = tpu.memref_slice %arg3[%dma_start3A_40, %dma_start3A_41] : memref<100000x32xf32, #tpu.memory_space<hbm>> -> memref<100000x32xf32, #tpu.memory_space<hbm>>
      tpu.enqueue_indirect_dma source(%dma_start3A_42 : memref<100000x32xf32, #tpu.memory_space<hbm>>) target(%dma_start3A_36 : memref<128x32xf32, #tpu.memory_space<vmem>>) offsets(%dma_start3A_39 : memref<128xi32, #tpu.memory_space<vmem>>) semaphore(%arg14 : memref<!tpu.dma_semaphore, #tpu.memory_space<semaphore_mem>>)
      %dma_start3A_43 = arith.constant 1 : i32
      %dma_start3A_44 = arith.constant 128 : i32
      %dma_start3A_45 = arith.constant 0 : i32
      %dma_start3A_46 = tpu.memref_slice %arg12[%dma_start3A_44, %dma_start3A_45] : memref<640x32xf32, #tpu.memory_space<vmem>> -> memref<128x32xf32, #tpu.memory_space<vmem>>
      %dma_start3A_47 = arith.constant 0 : i32
      %dma_start3A_48 = tpu.memref_slice %arg10[%dma_start3A_43, %dma_start3A_47] : memref<5x128xi32, #tpu.memory_space<vmem>> -> memref<1x128xi32, #tpu.memory_space<vmem>>
      %dma_start3A_49 = tpu.memref_squeeze %dma_start3A_48 : memref<1x128xi32, #tpu.memory_space<vmem>> -> memref<128xi32, #tpu.memory_space<vmem>>
      %dma_start3A_50 = arith.constant 0 : i32
      %dma_start3A_51 = arith.constant 0 : i32
      %dma_start3A_52 = tpu.memref_slice %arg3[%dma_start3A_50, %dma_start3A_51] : memref<100000x32xf32, #tpu.memory_space<hbm>> -> memref<100000x32xf32, #tpu.memory_space<hbm>>
      tpu.enqueue_indirect_dma source(%dma_start3A_52 : memref<100000x32xf32, #tpu.memory_space<hbm>>) target(%dma_start3A_46 : memref<128x32xf32, #tpu.memory_space<vmem>>) offsets(%dma_start3A_49 : memref<128xi32, #tpu.memory_space<vmem>>) semaphore(%arg14 : memref<!tpu.dma_semaphore, #tpu.memory_space<semaphore_mem>>)
      %dma_start3A_53 = arith.constant 2 : i32
      %dma_start3A_54 = arith.constant 256 : i32
      %dma_start3A_55 = arith.constant 0 : i32
      %dma_start3A_56 = tpu.memref_slice %arg12[%dma_start3A_54, %dma_start3A_55] : memref<640x32xf32, #tpu.memory_space<vmem>> -> memref<128x32xf32, #tpu.memory_space<vmem>>
      %dma_start3A_57 = arith.constant 0 : i32
      %dma_start3A_58 = tpu.memref_slice %arg10[%dma_start3A_53, %dma_start3A_57] : memref<5x128xi32, #tpu.memory_space<vmem>> -> memref<1x128xi32, #tpu.memory_space<vmem>>
      %dma_start3A_59 = tpu.memref_squeeze %dma_start3A_58 : memref<1x128xi32, #tpu.memory_space<vmem>> -> memref<128xi32, #tpu.memory_space<vmem>>
      %dma_start3A_60 = arith.constant 0 : i32
      %dma_start3A_61 = arith.constant 0 : i32
      %dma_start3A_62 = tpu.memref_slice %arg3[%dma_start3A_60, %dma_start3A_61] : memref<100000x32xf32, #tpu.memory_space<hbm>> -> memref<100000x32xf32, #tpu.memory_space<hbm>>
      tpu.enqueue_indirect_dma source(%dma_start3A_62 : memref<100000x32xf32, #tpu.memory_space<hbm>>) target(%dma_start3A_56 : memref<128x32xf32, #tpu.memory_space<vmem>>) offsets(%dma_start3A_59 : memref<128xi32, #tpu.memory_space<vmem>>) semaphore(%arg14 : memref<!tpu.dma_semaphore, #tpu.memory_space<semaphore_mem>>)
      %dma_start3A_63 = arith.constant 3 : i32
      %dma_start3A_64 = arith.constant 384 : i32
      %dma_start3A_65 = arith.constant 0 : i32
      %dma_start3A_66 = tpu.memref_slice %arg12[%dma_start3A_64, %dma_start3A_65] : memref<640x32xf32, #tpu.memory_space<vmem>> -> memref<128x32xf32, #tpu.memory_space<vmem>>
      %dma_start3A_67 = arith.constant 0 : i32
      %dma_start3A_68 = tpu.memref_slice %arg10[%dma_start3A_63, %dma_start3A_67] : memref<5x128xi32, #tpu.memory_space<vmem>> -> memref<1x128xi32, #tpu.memory_space<vmem>>
      %dma_start3A_69 = tpu.memref_squeeze %dma_start3A_68 : memref<1x128xi32, #tpu.memory_space<vmem>> -> memref<128xi32, #tpu.memory_space<vmem>>
      %dma_start3A_70 = arith.constant 0 : i32
      %dma_start3A_71 = arith.constant 0 : i32
      %dma_start3A_72 = tpu.memref_slice %arg3[%dma_start3A_70, %dma_start3A_71] : memref<100000x32xf32, #tpu.memory_space<hbm>> -> memref<100000x32xf32, #tpu.memory_space<hbm>>
      tpu.enqueue_indirect_dma source(%dma_start3A_72 : memref<100000x32xf32, #tpu.memory_space<hbm>>) target(%dma_start3A_66 : memref<128x32xf32, #tpu.memory_space<vmem>>) offsets(%dma_start3A_69 : memref<128xi32, #tpu.memory_space<vmem>>) semaphore(%arg14 : memref<!tpu.dma_semaphore, #tpu.memory_space<semaphore_mem>>)
      %dma_start3A_73 = arith.constant 4 : i32
      %dma_start3A_74 = arith.constant 512 : i32
      %dma_start3A_75 = arith.constant 0 : i32
      %dma_start3A_76 = tpu.memref_slice %arg12[%dma_start3A_74, %dma_start3A_75] : memref<640x32xf32, #tpu.memory_space<vmem>> -> memref<128x32xf32, #tpu.memory_space<vmem>>
      %dma_start3A_77 = arith.constant 0 : i32
      %dma_start3A_78 = tpu.memref_slice %arg10[%dma_start3A_73, %dma_start3A_77] : memref<5x128xi32, #tpu.memory_space<vmem>> -> memref<1x128xi32, #tpu.memory_space<vmem>>
      %dma_start3A_79 = tpu.memref_squeeze %dma_start3A_78 : memref<1x128xi32, #tpu.memory_space<vmem>> -> memref<128xi32, #tpu.memory_space<vmem>>
      %dma_start3A_80 = arith.constant 0 : i32
      %dma_start3A_81 = arith.constant 0 : i32
      %dma_start3A_82 = tpu.memref_slice %arg3[%dma_start3A_80, %dma_start3A_81] : memref<100000x32xf32, #tpu.memory_space<hbm>> -> memref<100000x32xf32, #tpu.memory_space<hbm>>
      tpu.enqueue_indirect_dma source(%dma_start3A_82 : memref<100000x32xf32, #tpu.memory_space<hbm>>) target(%dma_start3A_76 : memref<128x32xf32, #tpu.memory_space<vmem>>) offsets(%dma_start3A_79 : memref<128xi32, #tpu.memory_space<vmem>>) semaphore(%arg14 : memref<!tpu.dma_semaphore, #tpu.memory_space<semaphore_mem>>)
      %dma_wait3A = arith.constant 0 : i32
      %dma_wait3A_83 = arith.constant 0 : i32
      %dma_wait3A_84 = arith.constant 0 : i32
      %dma_wait3A_85 = tpu.memref_slice %arg12[%dma_wait3A_83, %dma_wait3A_84] : memref<640x32xf32, #tpu.memory_space<vmem>> -> memref<128x32xf32, #tpu.memory_space<vmem>>
      %dma_wait3A_86 = arith.constant 0 : i32
      %dma_wait3A_87 = tpu.memref_slice %arg10[%dma_wait3A, %dma_wait3A_86] : memref<5x128xi32, #tpu.memory_space<vmem>> -> memref<1x128xi32, #tpu.memory_space<vmem>>
      %dma_wait3A_88 = tpu.memref_squeeze %dma_wait3A_87 : memref<1x128xi32, #tpu.memory_space<vmem>> -> memref<128xi32, #tpu.memory_space<vmem>>
      %dma_wait3A_89 = arith.constant 0 : i32
      %dma_wait3A_90 = arith.constant 0 : i32
      %dma_wait3A_91 = tpu.memref_slice %arg3[%dma_wait3A_89, %dma_wait3A_90] : memref<100000x32xf32, #tpu.memory_space<hbm>> -> memref<100000x32xf32, #tpu.memory_space<hbm>>
      tpu.wait_indirect_dma semaphore(%arg14 : memref<!tpu.dma_semaphore, #tpu.memory_space<semaphore_mem>>) src(%dma_wait3A_91 : memref<100000x32xf32, #tpu.memory_space<hbm>>) dst(%dma_wait3A_85 : memref<128x32xf32, #tpu.memory_space<vmem>>)
      %dma_wait3A_92 = arith.constant 1 : i32
      %dma_wait3A_93 = arith.constant 128 : i32
      %dma_wait3A_94 = arith.constant 0 : i32
      %dma_wait3A_95 = tpu.memref_slice %arg12[%dma_wait3A_93, %dma_wait3A_94] : memref<640x32xf32, #tpu.memory_space<vmem>> -> memref<128x32xf32, #tpu.memory_space<vmem>>
      %dma_wait3A_96 = arith.constant 0 : i32
      %dma_wait3A_97 = tpu.memref_slice %arg10[%dma_wait3A_92, %dma_wait3A_96] : memref<5x128xi32, #tpu.memory_space<vmem>> -> memref<1x128xi32, #tpu.memory_space<vmem>>
      %dma_wait3A_98 = tpu.memref_squeeze %dma_wait3A_97 : memref<1x128xi32, #tpu.memory_space<vmem>> -> memref<128xi32, #tpu.memory_space<vmem>>
      %dma_wait3A_99 = arith.constant 0 : i32
      %dma_wait3A_100 = arith.constant 0 : i32
      %dma_wait3A_101 = tpu.memref_slice %arg3[%dma_wait3A_99, %dma_wait3A_100] : memref<100000x32xf32, #tpu.memory_space<hbm>> -> memref<100000x32xf32, #tpu.memory_space<hbm>>
      tpu.wait_indirect_dma semaphore(%arg14 : memref<!tpu.dma_semaphore, #tpu.memory_space<semaphore_mem>>) src(%dma_wait3A_101 : memref<100000x32xf32, #tpu.memory_space<hbm>>) dst(%dma_wait3A_95 : memref<128x32xf32, #tpu.memory_space<vmem>>)
      %dma_wait3A_102 = arith.constant 2 : i32
      %dma_wait3A_103 = arith.constant 256 : i32
      %dma_wait3A_104 = arith.constant 0 : i32
      %dma_wait3A_105 = tpu.memref_slice %arg12[%dma_wait3A_103, %dma_wait3A_104] : memref<640x32xf32, #tpu.memory_space<vmem>> -> memref<128x32xf32, #tpu.memory_space<vmem>>
      %dma_wait3A_106 = arith.constant 0 : i32
      %dma_wait3A_107 = tpu.memref_slice %arg10[%dma_wait3A_102, %dma_wait3A_106] : memref<5x128xi32, #tpu.memory_space<vmem>> -> memref<1x128xi32, #tpu.memory_space<vmem>>
      %dma_wait3A_108 = tpu.memref_squeeze %dma_wait3A_107 : memref<1x128xi32, #tpu.memory_space<vmem>> -> memref<128xi32, #tpu.memory_space<vmem>>
      %dma_wait3A_109 = arith.constant 0 : i32
      %dma_wait3A_110 = arith.constant 0 : i32
      %dma_wait3A_111 = tpu.memref_slice %arg3[%dma_wait3A_109, %dma_wait3A_110] : memref<100000x32xf32, #tpu.memory_space<hbm>> -> memref<100000x32xf32, #tpu.memory_space<hbm>>
      tpu.wait_indirect_dma semaphore(%arg14 : memref<!tpu.dma_semaphore, #tpu.memory_space<semaphore_mem>>) src(%dma_wait3A_111 : memref<100000x32xf32, #tpu.memory_space<hbm>>) dst(%dma_wait3A_105 : memref<128x32xf32, #tpu.memory_space<vmem>>)
      %dma_wait3A_112 = arith.constant 3 : i32
      %dma_wait3A_113 = arith.constant 384 : i32
      %dma_wait3A_114 = arith.constant 0 : i32
      %dma_wait3A_115 = tpu.memref_slice %arg12[%dma_wait3A_113, %dma_wait3A_114] : memref<640x32xf32, #tpu.memory_space<vmem>> -> memref<128x32xf32, #tpu.memory_space<vmem>>
      %dma_wait3A_116 = arith.constant 0 : i32
      %dma_wait3A_117 = tpu.memref_slice %arg10[%dma_wait3A_112, %dma_wait3A_116] : memref<5x128xi32, #tpu.memory_space<vmem>> -> memref<1x128xi32, #tpu.memory_space<vmem>>
      %dma_wait3A_118 = tpu.memref_squeeze %dma_wait3A_117 : memref<1x128xi32, #tpu.memory_space<vmem>> -> memref<128xi32, #tpu.memory_space<vmem>>
      %dma_wait3A_119 = arith.constant 0 : i32
      %dma_wait3A_120 = arith.constant 0 : i32
      %dma_wait3A_121 = tpu.memref_slice %arg3[%dma_wait3A_119, %dma_wait3A_120] : memref<100000x32xf32, #tpu.memory_space<hbm>> -> memref<100000x32xf32, #tpu.memory_space<hbm>>
      tpu.wait_indirect_dma semaphore(%arg14 : memref<!tpu.dma_semaphore, #tpu.memory_space<semaphore_mem>>) src(%dma_wait3A_121 : memref<100000x32xf32, #tpu.memory_space<hbm>>) dst(%dma_wait3A_115 : memref<128x32xf32, #tpu.memory_space<vmem>>)
      %dma_wait3A_122 = arith.constant 4 : i32
      %dma_wait3A_123 = arith.constant 512 : i32
      %dma_wait3A_124 = arith.constant 0 : i32
      %dma_wait3A_125 = tpu.memref_slice %arg12[%dma_wait3A_123, %dma_wait3A_124] : memref<640x32xf32, #tpu.memory_space<vmem>> -> memref<128x32xf32, #tpu.memory_space<vmem>>
      %dma_wait3A_126 = arith.constant 0 : i32
      %dma_wait3A_127 = tpu.memref_slice %arg10[%dma_wait3A_122, %dma_wait3A_126] : memref<5x128xi32, #tpu.memory_space<vmem>> -> memref<1x128xi32, #tpu.memory_space<vmem>>
      %dma_wait3A_128 = tpu.memref_squeeze %dma_wait3A_127 : memref<1x128xi32, #tpu.memory_space<vmem>> -> memref<128xi32, #tpu.memory_space<vmem>>
      %dma_wait3A_129 = arith.constant 0 : i32
      %dma_wait3A_130 = arith.constant 0 : i32
      %dma_wait3A_131 = tpu.memref_slice %arg3[%dma_wait3A_129, %dma_wait3A_130] : memref<100000x32xf32, #tpu.memory_space<hbm>> -> memref<100000x32xf32, #tpu.memory_space<hbm>>
      tpu.wait_indirect_dma semaphore(%arg14 : memref<!tpu.dma_semaphore, #tpu.memory_space<semaphore_mem>>) src(%dma_wait3A_131 : memref<100000x32xf32, #tpu.memory_space<hbm>>) dst(%dma_wait3A_125 : memref<128x32xf32, #tpu.memory_space<vmem>>)
      %dma_start3A_132 = arith.constant 0 : i32
      %dma_start3A_133 = arith.constant 0 : i32
      %dma_start3A_134 = arith.constant 0 : i32
      %dma_start3A_135 = tpu.memref_slice %arg12[%dma_start3A_133, %dma_start3A_134] : memref<640x32xf32, #tpu.memory_space<vmem>> -> memref<128x32xf32, #tpu.memory_space<vmem>>
      %dma_start3A_136 = arith.constant 0 : i32
      %dma_start3A_137 = tpu.memref_slice %arg11[%dma_start3A_132, %dma_start3A_136] : memref<5x128xi32, #tpu.memory_space<vmem>> -> memref<1x128xi32, #tpu.memory_space<vmem>>
      %dma_start3A_138 = tpu.memref_squeeze %dma_start3A_137 : memref<1x128xi32, #tpu.memory_space<vmem>> -> memref<128xi32, #tpu.memory_space<vmem>>
      %dma_start3A_139 = arith.constant 0 : i32
      %dma_start3A_140 = arith.constant 0 : i32
      %dma_start3A_141 = tpu.memref_slice %arg13[%dma_start3A_139, %dma_start3A_140] : memref<50048x32xf32, #tpu.memory_space<vmem_shared>> -> memref<50048x32xf32, #tpu.memory_space<vmem_shared>>
      tpu.enqueue_indirect_dma source(%dma_start3A_135 : memref<128x32xf32, #tpu.memory_space<vmem>>) target(%dma_start3A_141 : memref<50048x32xf32, #tpu.memory_space<vmem_shared>>) offsets(%dma_start3A_138 : memref<128xi32, #tpu.memory_space<vmem>>) semaphore(%arg14 : memref<!tpu.dma_semaphore, #tpu.memory_space<semaphore_mem>>) {add = true}
      %dma_start3A_142 = arith.constant 1 : i32
      %dma_start3A_143 = arith.constant 128 : i32
      %dma_start3A_144 = arith.constant 0 : i32
      %dma_start3A_145 = tpu.memref_slice %arg12[%dma_start3A_143, %dma_start3A_144] : memref<640x32xf32, #tpu.memory_space<vmem>> -> memref<128x32xf32, #tpu.memory_space<vmem>>
      %dma_start3A_146 = arith.constant 0 : i32
      %dma_start3A_147 = tpu.memref_slice %arg11[%dma_start3A_142, %dma_start3A_146] : memref<5x128xi32, #tpu.memory_space<vmem>> -> memref<1x128xi32, #tpu.memory_space<vmem>>
      %dma_start3A_148 = tpu.memref_squeeze %dma_start3A_147 : memref<1x128xi32, #tpu.memory_space<vmem>> -> memref<128xi32, #tpu.memory_space<vmem>>
      %dma_start3A_149 = arith.constant 0 : i32
      %dma_start3A_150 = arith.constant 0 : i32
      %dma_start3A_151 = tpu.memref_slice %arg13[%dma_start3A_149, %dma_start3A_150] : memref<50048x32xf32, #tpu.memory_space<vmem_shared>> -> memref<50048x32xf32, #tpu.memory_space<vmem_shared>>
      tpu.enqueue_indirect_dma source(%dma_start3A_145 : memref<128x32xf32, #tpu.memory_space<vmem>>) target(%dma_start3A_151 : memref<50048x32xf32, #tpu.memory_space<vmem_shared>>) offsets(%dma_start3A_148 : memref<128xi32, #tpu.memory_space<vmem>>) semaphore(%arg14 : memref<!tpu.dma_semaphore, #tpu.memory_space<semaphore_mem>>) {add = true}
      %dma_start3A_152 = arith.constant 2 : i32
      %dma_start3A_153 = arith.constant 256 : i32
      %dma_start3A_154 = arith.constant 0 : i32
      %dma_start3A_155 = tpu.memref_slice %arg12[%dma_start3A_153, %dma_start3A_154] : memref<640x32xf32, #tpu.memory_space<vmem>> -> memref<128x32xf32, #tpu.memory_space<vmem>>
      %dma_start3A_156 = arith.constant 0 : i32
      %dma_start3A_157 = tpu.memref_slice %arg11[%dma_start3A_152, %dma_start3A_156] : memref<5x128xi32, #tpu.memory_space<vmem>> -> memref<1x128xi32, #tpu.memory_space<vmem>>
      %dma_start3A_158 = tpu.memref_squeeze %dma_start3A_157 : memref<1x128xi32, #tpu.memory_space<vmem>> -> memref<128xi32, #tpu.memory_space<vmem>>
      %dma_start3A_159 = arith.constant 0 : i32
      %dma_start3A_160 = arith.constant 0 : i32
      %dma_start3A_161 = tpu.memref_slice %arg13[%dma_start3A_159, %dma_start3A_160] : memref<50048x32xf32, #tpu.memory_space<vmem_shared>> -> memref<50048x32xf32, #tpu.memory_space<vmem_shared>>
      tpu.enqueue_indirect_dma source(%dma_start3A_155 : memref<128x32xf32, #tpu.memory_space<vmem>>) target(%dma_start3A_161 : memref<50048x32xf32, #tpu.memory_space<vmem_shared>>) offsets(%dma_start3A_158 : memref<128xi32, #tpu.memory_space<vmem>>) semaphore(%arg14 : memref<!tpu.dma_semaphore, #tpu.memory_space<semaphore_mem>>) {add = true}
      %dma_start3A_162 = arith.constant 3 : i32
      %dma_start3A_163 = arith.constant 384 : i32
      %dma_start3A_164 = arith.constant 0 : i32
      %dma_start3A_165 = tpu.memref_slice %arg12[%dma_start3A_163, %dma_start3A_164] : memref<640x32xf32, #tpu.memory_space<vmem>> -> memref<128x32xf32, #tpu.memory_space<vmem>>
      %dma_start3A_166 = arith.constant 0 : i32
      %dma_start3A_167 = tpu.memref_slice %arg11[%dma_start3A_162, %dma_start3A_166] : memref<5x128xi32, #tpu.memory_space<vmem>> -> memref<1x128xi32, #tpu.memory_space<vmem>>
      %dma_start3A_168 = tpu.memref_squeeze %dma_start3A_167 : memref<1x128xi32, #tpu.memory_space<vmem>> -> memref<128xi32, #tpu.memory_space<vmem>>
      %dma_start3A_169 = arith.constant 0 : i32
      %dma_start3A_170 = arith.constant 0 : i32
      %dma_start3A_171 = tpu.memref_slice %arg13[%dma_start3A_169, %dma_start3A_170] : memref<50048x32xf32, #tpu.memory_space<vmem_shared>> -> memref<50048x32xf32, #tpu.memory_space<vmem_shared>>
      tpu.enqueue_indirect_dma source(%dma_start3A_165 : memref<128x32xf32, #tpu.memory_space<vmem>>) target(%dma_start3A_171 : memref<50048x32xf32, #tpu.memory_space<vmem_shared>>) offsets(%dma_start3A_168 : memref<128xi32, #tpu.memory_space<vmem>>) semaphore(%arg14 : memref<!tpu.dma_semaphore, #tpu.memory_space<semaphore_mem>>) {add = true}
      %dma_start3A_172 = arith.constant 4 : i32
      %dma_start3A_173 = arith.constant 512 : i32
      %dma_start3A_174 = arith.constant 0 : i32
      %dma_start3A_175 = tpu.memref_slice %arg12[%dma_start3A_173, %dma_start3A_174] : memref<640x32xf32, #tpu.memory_space<vmem>> -> memref<128x32xf32, #tpu.memory_space<vmem>>
      %dma_start3A_176 = arith.constant 0 : i32
      %dma_start3A_177 = tpu.memref_slice %arg11[%dma_start3A_172, %dma_start3A_176] : memref<5x128xi32, #tpu.memory_space<vmem>> -> memref<1x128xi32, #tpu.memory_space<vmem>>
      %dma_start3A_178 = tpu.memref_squeeze %dma_start3A_177 : memref<1x128xi32, #tpu.memory_space<vmem>> -> memref<128xi32, #tpu.memory_space<vmem>>
      %dma_start3A_179 = arith.constant 0 : i32
      %dma_start3A_180 = arith.constant 0 : i32
      %dma_start3A_181 = tpu.memref_slice %arg13[%dma_start3A_179, %dma_start3A_180] : memref<50048x32xf32, #tpu.memory_space<vmem_shared>> -> memref<50048x32xf32, #tpu.memory_space<vmem_shared>>
      tpu.enqueue_indirect_dma source(%dma_start3A_175 : memref<128x32xf32, #tpu.memory_space<vmem>>) target(%dma_start3A_181 : memref<50048x32xf32, #tpu.memory_space<vmem_shared>>) offsets(%dma_start3A_178 : memref<128xi32, #tpu.memory_space<vmem>>) semaphore(%arg14 : memref<!tpu.dma_semaphore, #tpu.memory_space<semaphore_mem>>) {add = true}
      %dma_wait3A_182 = arith.constant 0 : i32
      %dma_wait3A_183 = arith.constant 0 : i32
      %dma_wait3A_184 = arith.constant 0 : i32
      %dma_wait3A_185 = tpu.memref_slice %arg12[%dma_wait3A_183, %dma_wait3A_184] : memref<640x32xf32, #tpu.memory_space<vmem>> -> memref<128x32xf32, #tpu.memory_space<vmem>>
      %dma_wait3A_186 = arith.constant 0 : i32
      %dma_wait3A_187 = tpu.memref_slice %arg11[%dma_wait3A_182, %dma_wait3A_186] : memref<5x128xi32, #tpu.memory_space<vmem>> -> memref<1x128xi32, #tpu.memory_space<vmem>>
      %dma_wait3A_188 = tpu.memref_squeeze %dma_wait3A_187 : memref<1x128xi32, #tpu.memory_space<vmem>> -> memref<128xi32, #tpu.memory_space<vmem>>
      %dma_wait3A_189 = arith.constant 0 : i32
      %dma_wait3A_190 = arith.constant 0 : i32
      %dma_wait3A_191 = tpu.memref_slice %arg13[%dma_wait3A_189, %dma_wait3A_190] : memref<50048x32xf32, #tpu.memory_space<vmem_shared>> -> memref<50048x32xf32, #tpu.memory_space<vmem_shared>>
      tpu.wait_indirect_dma semaphore(%arg14 : memref<!tpu.dma_semaphore, #tpu.memory_space<semaphore_mem>>) src(%dma_wait3A_185 : memref<128x32xf32, #tpu.memory_space<vmem>>) dst(%dma_wait3A_191 : memref<50048x32xf32, #tpu.memory_space<vmem_shared>>)
      %dma_wait3A_192 = arith.constant 1 : i32
      %dma_wait3A_193 = arith.constant 128 : i32
      %dma_wait3A_194 = arith.constant 0 : i32
      %dma_wait3A_195 = tpu.memref_slice %arg12[%dma_wait3A_193, %dma_wait3A_194] : memref<640x32xf32, #tpu.memory_space<vmem>> -> memref<128x32xf32, #tpu.memory_space<vmem>>
      %dma_wait3A_196 = arith.constant 0 : i32
      %dma_wait3A_197 = tpu.memref_slice %arg11[%dma_wait3A_192, %dma_wait3A_196] : memref<5x128xi32, #tpu.memory_space<vmem>> -> memref<1x128xi32, #tpu.memory_space<vmem>>
      %dma_wait3A_198 = tpu.memref_squeeze %dma_wait3A_197 : memref<1x128xi32, #tpu.memory_space<vmem>> -> memref<128xi32, #tpu.memory_space<vmem>>
      %dma_wait3A_199 = arith.constant 0 : i32
      %dma_wait3A_200 = arith.constant 0 : i32
      %dma_wait3A_201 = tpu.memref_slice %arg13[%dma_wait3A_199, %dma_wait3A_200] : memref<50048x32xf32, #tpu.memory_space<vmem_shared>> -> memref<50048x32xf32, #tpu.memory_space<vmem_shared>>
      tpu.wait_indirect_dma semaphore(%arg14 : memref<!tpu.dma_semaphore, #tpu.memory_space<semaphore_mem>>) src(%dma_wait3A_195 : memref<128x32xf32, #tpu.memory_space<vmem>>) dst(%dma_wait3A_201 : memref<50048x32xf32, #tpu.memory_space<vmem_shared>>)
      %dma_wait3A_202 = arith.constant 2 : i32
      %dma_wait3A_203 = arith.constant 256 : i32
      %dma_wait3A_204 = arith.constant 0 : i32
      %dma_wait3A_205 = tpu.memref_slice %arg12[%dma_wait3A_203, %dma_wait3A_204] : memref<640x32xf32, #tpu.memory_space<vmem>> -> memref<128x32xf32, #tpu.memory_space<vmem>>
      %dma_wait3A_206 = arith.constant 0 : i32
      %dma_wait3A_207 = tpu.memref_slice %arg11[%dma_wait3A_202, %dma_wait3A_206] : memref<5x128xi32, #tpu.memory_space<vmem>> -> memref<1x128xi32, #tpu.memory_space<vmem>>
      %dma_wait3A_208 = tpu.memref_squeeze %dma_wait3A_207 : memref<1x128xi32, #tpu.memory_space<vmem>> -> memref<128xi32, #tpu.memory_space<vmem>>
      %dma_wait3A_209 = arith.constant 0 : i32
      %dma_wait3A_210 = arith.constant 0 : i32
      %dma_wait3A_211 = tpu.memref_slice %arg13[%dma_wait3A_209, %dma_wait3A_210] : memref<50048x32xf32, #tpu.memory_space<vmem_shared>> -> memref<50048x32xf32, #tpu.memory_space<vmem_shared>>
      tpu.wait_indirect_dma semaphore(%arg14 : memref<!tpu.dma_semaphore, #tpu.memory_space<semaphore_mem>>) src(%dma_wait3A_205 : memref<128x32xf32, #tpu.memory_space<vmem>>) dst(%dma_wait3A_211 : memref<50048x32xf32, #tpu.memory_space<vmem_shared>>)
      %dma_wait3A_212 = arith.constant 3 : i32
      %dma_wait3A_213 = arith.constant 384 : i32
      %dma_wait3A_214 = arith.constant 0 : i32
      %dma_wait3A_215 = tpu.memref_slice %arg12[%dma_wait3A_213, %dma_wait3A_214] : memref<640x32xf32, #tpu.memory_space<vmem>> -> memref<128x32xf32, #tpu.memory_space<vmem>>
      %dma_wait3A_216 = arith.constant 0 : i32
      %dma_wait3A_217 = tpu.memref_slice %arg11[%dma_wait3A_212, %dma_wait3A_216] : memref<5x128xi32, #tpu.memory_space<vmem>> -> memref<1x128xi32, #tpu.memory_space<vmem>>
      %dma_wait3A_218 = tpu.memref_squeeze %dma_wait3A_217 : memref<1x128xi32, #tpu.memory_space<vmem>> -> memref<128xi32, #tpu.memory_space<vmem>>
      %dma_wait3A_219 = arith.constant 0 : i32
      %dma_wait3A_220 = arith.constant 0 : i32
      %dma_wait3A_221 = tpu.memref_slice %arg13[%dma_wait3A_219, %dma_wait3A_220] : memref<50048x32xf32, #tpu.memory_space<vmem_shared>> -> memref<50048x32xf32, #tpu.memory_space<vmem_shared>>
      tpu.wait_indirect_dma semaphore(%arg14 : memref<!tpu.dma_semaphore, #tpu.memory_space<semaphore_mem>>) src(%dma_wait3A_215 : memref<128x32xf32, #tpu.memory_space<vmem>>) dst(%dma_wait3A_221 : memref<50048x32xf32, #tpu.memory_space<vmem_shared>>)
      %dma_wait3A_222 = arith.constant 4 : i32
      %dma_wait3A_223 = arith.constant 512 : i32
      %dma_wait3A_224 = arith.constant 0 : i32
      %dma_wait3A_225 = tpu.memref_slice %arg12[%dma_wait3A_223, %dma_wait3A_224] : memref<640x32xf32, #tpu.memory_space<vmem>> -> memref<128x32xf32, #tpu.memory_space<vmem>>
      %dma_wait3A_226 = arith.constant 0 : i32
      %dma_wait3A_227 = tpu.memref_slice %arg11[%dma_wait3A_222, %dma_wait3A_226] : memref<5x128xi32, #tpu.memory_space<vmem>> -> memref<1x128xi32, #tpu.memory_space<vmem>>
      %dma_wait3A_228 = tpu.memref_squeeze %dma_wait3A_227 : memref<1x128xi32, #tpu.memory_space<vmem>> -> memref<128xi32, #tpu.memory_space<vmem>>
      %dma_wait3A_229 = arith.constant 0 : i32
      %dma_wait3A_230 = arith.constant 0 : i32
      %dma_wait3A_231 = tpu.memref_slice %arg13[%dma_wait3A_229, %dma_wait3A_230] : memref<50048x32xf32, #tpu.memory_space<vmem_shared>> -> memref<50048x32xf32, #tpu.memory_space<vmem_shared>>
      tpu.wait_indirect_dma semaphore(%arg14 : memref<!tpu.dma_semaphore, #tpu.memory_space<semaphore_mem>>) src(%dma_wait3A_225 : memref<128x32xf32, #tpu.memory_space<vmem>>) dst(%dma_wait3A_231 : memref<50048x32xf32, #tpu.memory_space<vmem_shared>>)
    }
    %scan3A_25 = arith.constant 80 : i32
    %barrier3A_26 = arith.constant 0 : index
    tpu.barrier barrier_id(%barrier3A_26)
    %mul3A_27 = arith.constant 3128 : i32
    %mul3A_28 = arith.muli %arg1, %mul3A_27 : i32
    %mul3A_29 = arith.constant 3128 : i32
    %mul3A_30 = arith.muli %arg1, %mul3A_29 : i32
    "tpu.region"() ({
      %run_scoped3A = tpu.sem_alloc : memref<!tpu.dma_semaphore, #tpu.memory_space<semaphore_mem>>
      %dma_start3A = arith.constant 0 : i32
      %dma_start3A_31 = arith.constant 0 : i32
      %dma_start3A_32 = tpu.memref_slice %arg9[%arg0, %dma_start3A, %dma_start3A_31] : memref<2x50048x32xf32, #tpu.memory_space<hbm>> -> memref<1x50048x32xf32, #tpu.memory_space<hbm>>
      %dma_start3A_33 = tpu.memref_squeeze %dma_start3A_32 : memref<1x50048x32xf32, #tpu.memory_space<hbm>> -> memref<50048x32xf32, #tpu.memory_space<hbm>>
      %dma_start3A_34 = arith.constant 0 : i32
      %dma_start3A_35 = tpu.memref_slice %dma_start3A_33[%mul3A_30, %dma_start3A_34] : memref<50048x32xf32, #tpu.memory_space<hbm>> -> memref<3128x32xf32, #tpu.memory_space<hbm>>
      %dma_start3A_36 = arith.constant 0 : i32
      %dma_start3A_37 = tpu.memref_slice %arg13[%mul3A_28, %dma_start3A_36] : memref<50048x32xf32, #tpu.memory_space<vmem_shared>> -> memref<3128x32xf32, #tpu.memory_space<vmem_shared>>
      tpu.enqueue_dma source(%dma_start3A_37 : memref<3128x32xf32, #tpu.memory_space<vmem_shared>>) target(%dma_start3A_35 : memref<3128x32xf32, #tpu.memory_space<hbm>>) target_semaphore(%run_scoped3A : memref<!tpu.dma_semaphore, #tpu.memory_space<semaphore_mem>>)
      %dma_wait3A = arith.constant 0 : i32
      %dma_wait3A_38 = arith.constant 0 : i32
      %dma_wait3A_39 = tpu.memref_slice %arg9[%arg0, %dma_wait3A, %dma_wait3A_38] : memref<2x50048x32xf32, #tpu.memory_space<hbm>> -> memref<1x50048x32xf32, #tpu.memory_space<hbm>>
      %dma_wait3A_40 = tpu.memref_squeeze %dma_wait3A_39 : memref<1x50048x32xf32, #tpu.memory_space<hbm>> -> memref<50048x32xf32, #tpu.memory_space<hbm>>
      %dma_wait3A_41 = arith.constant 0 : i32
      %dma_wait3A_42 = tpu.memref_slice %dma_wait3A_40[%mul3A_30, %dma_wait3A_41] : memref<50048x32xf32, #tpu.memory_space<hbm>> -> memref<3128x32xf32, #tpu.memory_space<hbm>>
      %dma_wait3A_43 = arith.constant 0 : i32
      %dma_wait3A_44 = tpu.memref_slice %arg13[%mul3A_28, %dma_wait3A_43] : memref<50048x32xf32, #tpu.memory_space<vmem_shared>> -> memref<3128x32xf32, #tpu.memory_space<vmem_shared>>
      tpu.wait_dma2 semaphore(%run_scoped3A : memref<!tpu.dma_semaphore, #tpu.memory_space<semaphore_mem>>) src(%dma_wait3A_44 : memref<3128x32xf32, #tpu.memory_space<vmem_shared>>) dst(%dma_wait3A_42 : memref<3128x32xf32, #tpu.memory_space<hbm>>)
      tpu.yield
    }) : () -> ()
    return
  }
}

#map = affine_map<(d0, d1) -> (0, 0)>
#map1 = affine_map<(d0, d1) -> (0, 0, 0)>
module attributes {stable_mosaic.version = 14 : i64} {
  func.func @_phase1_body(%arg0: i32, %arg1: i32, %arg2: memref<100000x32xf32, #tpu.memory_space<hbm>>, %arg3: memref<100000x32xf32, #tpu.memory_space<hbm>>, %arg4: memref<2x6400x128xi32, #tpu.memory_space<hbm>>, %arg5: memref<2x6400x128xi32, #tpu.memory_space<hbm>>, %arg6: memref<2x6400x128xi32, #tpu.memory_space<hbm>>, %arg7: memref<3128x32xf32, #tpu.memory_space<hbm>>, %arg8: memref<128x32xf32, #tpu.memory_space<hbm>>, %arg9: memref<2x50048x32xf32, #tpu.memory_space<hbm>>, %arg10: memref<2x50048x32xf32, #tpu.memory_space<hbm>>, %arg11: memref<2x50048x32xf32, #tpu.memory_space<hbm>>, %arg12: memref<128x32xf32, #tpu.memory_space<vmem>>, %arg13: memref<5x128xi32, #tpu.memory_space<vmem>>, %arg14: memref<5x128xi32, #tpu.memory_space<vmem>>, %arg15: memref<640x32xf32, #tpu.memory_space<vmem>>, %arg16: memref<50048x32xf32, #tpu.memory_space<vmem_shared>>, %arg17: memref<!tpu.dma_semaphore, #tpu.memory_space<semaphore_mem>>) attributes {dimension_semantics = [#tpu.dimension_semantics<core_parallel>, #tpu.dimension_semantics<subcore_parallel>], iteration_bounds = array<i64: 2, 16>, scalar_prefetch = 0 : i64, scratch_operands = 6 : i64, tpu.core_type = #tpu.core_type<sc_vector_subcore>, window_params = [{transform_indices = #map}, {transform_indices = #map}, {transform_indices = #map1}, {transform_indices = #map1}, {transform_indices = #map1}, {transform_indices = #map}, {transform_indices = #map}, {transform_indices = #map1}, {transform_indices = #map1}, {transform_indices = #map1}]} {
    %mul3A = arith.constant 3128 : i32
    %mul3A_0 = arith.muli %arg1, %mul3A : i32
    "tpu.region"() ({
      %run_scoped3A = tpu.sem_alloc : memref<!tpu.dma_semaphore, #tpu.memory_space<semaphore_mem>>
      %dma_start3A = arith.constant 0 : i32
      %dma_start3A_47 = tpu.memref_slice %arg16[%mul3A_0, %dma_start3A] : memref<50048x32xf32, #tpu.memory_space<vmem_shared>> -> memref<3128x32xf32, #tpu.memory_space<vmem_shared>>
      tpu.enqueue_dma source(%arg7 : memref<3128x32xf32, #tpu.memory_space<hbm>>) target(%dma_start3A_47 : memref<3128x32xf32, #tpu.memory_space<vmem_shared>>) target_semaphore(%run_scoped3A : memref<!tpu.dma_semaphore, #tpu.memory_space<semaphore_mem>>)
      %dma_wait3A = arith.constant 0 : i32
      %dma_wait3A_48 = tpu.memref_slice %arg16[%mul3A_0, %dma_wait3A] : memref<50048x32xf32, #tpu.memory_space<vmem_shared>> -> memref<3128x32xf32, #tpu.memory_space<vmem_shared>>
      tpu.wait_dma2 semaphore(%run_scoped3A : memref<!tpu.dma_semaphore, #tpu.memory_space<semaphore_mem>>) src(%arg7 : memref<3128x32xf32, #tpu.memory_space<hbm>>) dst(%dma_wait3A_48 : memref<3128x32xf32, #tpu.memory_space<vmem_shared>>)
      tpu.yield
    }) : () -> ()
    "tpu.region"() ({
      %run_scoped3A = tpu.sem_alloc : memref<!tpu.dma_semaphore, #tpu.memory_space<semaphore_mem>>
      tpu.enqueue_dma source(%arg8 : memref<128x32xf32, #tpu.memory_space<hbm>>) target(%arg12 : memref<128x32xf32, #tpu.memory_space<vmem>>) target_semaphore(%run_scoped3A : memref<!tpu.dma_semaphore, #tpu.memory_space<semaphore_mem>>)
      tpu.wait_dma2 semaphore(%run_scoped3A : memref<!tpu.dma_semaphore, #tpu.memory_space<semaphore_mem>>) src(%arg8 : memref<128x32xf32, #tpu.memory_space<hbm>>) dst(%arg12 : memref<128x32xf32, #tpu.memory_space<vmem>>)
      tpu.yield
    }) : () -> ()
    %barrier3A = arith.constant 0 : index
    tpu.barrier barrier_id(%barrier3A)
    %mul3A_1 = arith.constant 400 : i32
    %mul3A_2 = arith.muli %arg1, %mul3A_1 : i32
    %scan3A = arith.constant 0 : i32
    %scan3A_3 = arith.constant 0 : i32
    %scan3A_4 = arith.constant 80 : i32
    %scan3A_5 = arith.addi %scan3A_3, %scan3A_4 : i32
    %scan3A_6 = arith.constant 1 : i32
    scf.for %scan3A_47 = %scan3A_3 to %scan3A_5 step %scan3A_6  : i32 {
      %mul3A_48 = arith.constant 5 : i32
      %mul3A_49 = arith.muli %scan3A_47, %mul3A_48 : i32
      %add3A = arith.addi %mul3A_2, %mul3A_49 : i32
      "tpu.region"() ({
        %run_scoped3A = tpu.sem_alloc : memref<!tpu.dma_semaphore, #tpu.memory_space<semaphore_mem>>
        %dma_start3A_118 = arith.constant 0 : i32
        %dma_start3A_119 = tpu.memref_slice %arg6[%arg0, %add3A, %dma_start3A_118] : memref<2x6400x128xi32, #tpu.memory_space<hbm>> -> memref<1x5x128xi32, #tpu.memory_space<hbm>>
        %dma_start3A_120 = tpu.memref_squeeze %dma_start3A_119 : memref<1x5x128xi32, #tpu.memory_space<hbm>> -> memref<5x128xi32, #tpu.memory_space<hbm>>
        %dma_start3A_121 = arith.constant 0 : i32
        %dma_start3A_122 = tpu.memref_slice %arg6[%arg0, %add3A, %dma_start3A_121] : memref<2x6400x128xi32, #tpu.memory_space<hbm>> -> memref<1x5x128xi32, #tpu.memory_space<hbm>>
        %dma_start3A_123 = tpu.memref_squeeze %dma_start3A_122 : memref<1x5x128xi32, #tpu.memory_space<hbm>> -> memref<5x128xi32, #tpu.memory_space<hbm>>
        tpu.enqueue_dma source(%dma_start3A_123 : memref<5x128xi32, #tpu.memory_space<hbm>>) target(%arg14 : memref<5x128xi32, #tpu.memory_space<vmem>>) target_semaphore(%run_scoped3A : memref<!tpu.dma_semaphore, #tpu.memory_space<semaphore_mem>>)
        %dma_wait3A_124 = arith.constant 0 : i32
        %dma_wait3A_125 = tpu.memref_slice %arg6[%arg0, %add3A, %dma_wait3A_124] : memref<2x6400x128xi32, #tpu.memory_space<hbm>> -> memref<1x5x128xi32, #tpu.memory_space<hbm>>
        %dma_wait3A_126 = tpu.memref_squeeze %dma_wait3A_125 : memref<1x5x128xi32, #tpu.memory_space<hbm>> -> memref<5x128xi32, #tpu.memory_space<hbm>>
        %dma_wait3A_127 = arith.constant 0 : i32
        %dma_wait3A_128 = tpu.memref_slice %arg6[%arg0, %add3A, %dma_wait3A_127] : memref<2x6400x128xi32, #tpu.memory_space<hbm>> -> memref<1x5x128xi32, #tpu.memory_space<hbm>>
        %dma_wait3A_129 = tpu.memref_squeeze %dma_wait3A_128 : memref<1x5x128xi32, #tpu.memory_space<hbm>> -> memref<5x128xi32, #tpu.memory_space<hbm>>
        tpu.wait_dma2 semaphore(%run_scoped3A : memref<!tpu.dma_semaphore, #tpu.memory_space<semaphore_mem>>) src(%dma_wait3A_129 : memref<5x128xi32, #tpu.memory_space<hbm>>) dst(%arg14 : memref<5x128xi32, #tpu.memory_space<vmem>>)
        tpu.yield
      }) : () -> ()
      %dma_start3A = arith.constant 0 : i32
      %dma_start3A_50 = arith.constant 0 : i32
      %dma_start3A_51 = tpu.memref_slice %arg14[%dma_start3A, %dma_start3A_50] : memref<5x128xi32, #tpu.memory_space<vmem>> -> memref<1x128xi32, #tpu.memory_space<vmem>>
      %dma_start3A_52 = tpu.memref_squeeze %dma_start3A_51 : memref<1x128xi32, #tpu.memory_space<vmem>> -> memref<128xi32, #tpu.memory_space<vmem>>
      %dma_start3A_53 = arith.constant 0 : i32
      %dma_start3A_54 = arith.constant 0 : i32
      %dma_start3A_55 = tpu.memref_slice %arg16[%dma_start3A_53, %dma_start3A_54] : memref<50048x32xf32, #tpu.memory_space<vmem_shared>> -> memref<50048x32xf32, #tpu.memory_space<vmem_shared>>
      tpu.enqueue_indirect_dma source(%arg12 : memref<128x32xf32, #tpu.memory_space<vmem>>) target(%dma_start3A_55 : memref<50048x32xf32, #tpu.memory_space<vmem_shared>>) offsets(%dma_start3A_52 : memref<128xi32, #tpu.memory_space<vmem>>) semaphore(%arg17 : memref<!tpu.dma_semaphore, #tpu.memory_space<semaphore_mem>>) {add = true}
      %dma_start3A_56 = arith.constant 1 : i32
      %dma_start3A_57 = arith.constant 0 : i32
      %dma_start3A_58 = tpu.memref_slice %arg14[%dma_start3A_56, %dma_start3A_57] : memref<5x128xi32, #tpu.memory_space<vmem>> -> memref<1x128xi32, #tpu.memory_space<vmem>>
      %dma_start3A_59 = tpu.memref_squeeze %dma_start3A_58 : memref<1x128xi32, #tpu.memory_space<vmem>> -> memref<128xi32, #tpu.memory_space<vmem>>
      %dma_start3A_60 = arith.constant 0 : i32
      %dma_start3A_61 = arith.constant 0 : i32
      %dma_start3A_62 = tpu.memref_slice %arg16[%dma_start3A_60, %dma_start3A_61] : memref<50048x32xf32, #tpu.memory_space<vmem_shared>> -> memref<50048x32xf32, #tpu.memory_space<vmem_shared>>
      tpu.enqueue_indirect_dma source(%arg12 : memref<128x32xf32, #tpu.memory_space<vmem>>) target(%dma_start3A_62 : memref<50048x32xf32, #tpu.memory_space<vmem_shared>>) offsets(%dma_start3A_59 : memref<128xi32, #tpu.memory_space<vmem>>) semaphore(%arg17 : memref<!tpu.dma_semaphore, #tpu.memory_space<semaphore_mem>>) {add = true}
      %dma_start3A_63 = arith.constant 2 : i32
      %dma_start3A_64 = arith.constant 0 : i32
      %dma_start3A_65 = tpu.memref_slice %arg14[%dma_start3A_63, %dma_start3A_64] : memref<5x128xi32, #tpu.memory_space<vmem>> -> memref<1x128xi32, #tpu.memory_space<vmem>>
      %dma_start3A_66 = tpu.memref_squeeze %dma_start3A_65 : memref<1x128xi32, #tpu.memory_space<vmem>> -> memref<128xi32, #tpu.memory_space<vmem>>
      %dma_start3A_67 = arith.constant 0 : i32
      %dma_start3A_68 = arith.constant 0 : i32
      %dma_start3A_69 = tpu.memref_slice %arg16[%dma_start3A_67, %dma_start3A_68] : memref<50048x32xf32, #tpu.memory_space<vmem_shared>> -> memref<50048x32xf32, #tpu.memory_space<vmem_shared>>
      tpu.enqueue_indirect_dma source(%arg12 : memref<128x32xf32, #tpu.memory_space<vmem>>) target(%dma_start3A_69 : memref<50048x32xf32, #tpu.memory_space<vmem_shared>>) offsets(%dma_start3A_66 : memref<128xi32, #tpu.memory_space<vmem>>) semaphore(%arg17 : memref<!tpu.dma_semaphore, #tpu.memory_space<semaphore_mem>>) {add = true}
      %dma_start3A_70 = arith.constant 3 : i32
      %dma_start3A_71 = arith.constant 0 : i32
      %dma_start3A_72 = tpu.memref_slice %arg14[%dma_start3A_70, %dma_start3A_71] : memref<5x128xi32, #tpu.memory_space<vmem>> -> memref<1x128xi32, #tpu.memory_space<vmem>>
      %dma_start3A_73 = tpu.memref_squeeze %dma_start3A_72 : memref<1x128xi32, #tpu.memory_space<vmem>> -> memref<128xi32, #tpu.memory_space<vmem>>
      %dma_start3A_74 = arith.constant 0 : i32
      %dma_start3A_75 = arith.constant 0 : i32
      %dma_start3A_76 = tpu.memref_slice %arg16[%dma_start3A_74, %dma_start3A_75] : memref<50048x32xf32, #tpu.memory_space<vmem_shared>> -> memref<50048x32xf32, #tpu.memory_space<vmem_shared>>
      tpu.enqueue_indirect_dma source(%arg12 : memref<128x32xf32, #tpu.memory_space<vmem>>) target(%dma_start3A_76 : memref<50048x32xf32, #tpu.memory_space<vmem_shared>>) offsets(%dma_start3A_73 : memref<128xi32, #tpu.memory_space<vmem>>) semaphore(%arg17 : memref<!tpu.dma_semaphore, #tpu.memory_space<semaphore_mem>>) {add = true}
      %dma_start3A_77 = arith.constant 4 : i32
      %dma_start3A_78 = arith.constant 0 : i32
      %dma_start3A_79 = tpu.memref_slice %arg14[%dma_start3A_77, %dma_start3A_78] : memref<5x128xi32, #tpu.memory_space<vmem>> -> memref<1x128xi32, #tpu.memory_space<vmem>>
      %dma_start3A_80 = tpu.memref_squeeze %dma_start3A_79 : memref<1x128xi32, #tpu.memory_space<vmem>> -> memref<128xi32, #tpu.memory_space<vmem>>
      %dma_start3A_81 = arith.constant 0 : i32
      %dma_start3A_82 = arith.constant 0 : i32
      %dma_start3A_83 = tpu.memref_slice %arg16[%dma_start3A_81, %dma_start3A_82] : memref<50048x32xf32, #tpu.memory_space<vmem_shared>> -> memref<50048x32xf32, #tpu.memory_space<vmem_shared>>
      tpu.enqueue_indirect_dma source(%arg12 : memref<128x32xf32, #tpu.memory_space<vmem>>) target(%dma_start3A_83 : memref<50048x32xf32, #tpu.memory_space<vmem_shared>>) offsets(%dma_start3A_80 : memref<128xi32, #tpu.memory_space<vmem>>) semaphore(%arg17 : memref<!tpu.dma_semaphore, #tpu.memory_space<semaphore_mem>>) {add = true}
      %dma_wait3A = arith.constant 0 : i32
      %dma_wait3A_84 = arith.constant 0 : i32
      %dma_wait3A_85 = tpu.memref_slice %arg14[%dma_wait3A, %dma_wait3A_84] : memref<5x128xi32, #tpu.memory_space<vmem>> -> memref<1x128xi32, #tpu.memory_space<vmem>>
      %dma_wait3A_86 = tpu.memref_squeeze %dma_wait3A_85 : memref<1x128xi32, #tpu.memory_space<vmem>> -> memref<128xi32, #tpu.memory_space<vmem>>
      %dma_wait3A_87 = arith.constant 0 : i32
      %dma_wait3A_88 = arith.constant 0 : i32
      %dma_wait3A_89 = tpu.memref_slice %arg16[%dma_wait3A_87, %dma_wait3A_88] : memref<50048x32xf32, #tpu.memory_space<vmem_shared>> -> memref<50048x32xf32, #tpu.memory_space<vmem_shared>>
      tpu.wait_indirect_dma semaphore(%arg17 : memref<!tpu.dma_semaphore, #tpu.memory_space<semaphore_mem>>) src(%arg12 : memref<128x32xf32, #tpu.memory_space<vmem>>) dst(%dma_wait3A_89 : memref<50048x32xf32, #tpu.memory_space<vmem_shared>>)
      %dma_wait3A_90 = arith.constant 1 : i32
      %dma_wait3A_91 = arith.constant 0 : i32
      %dma_wait3A_92 = tpu.memref_slice %arg14[%dma_wait3A_90, %dma_wait3A_91] : memref<5x128xi32, #tpu.memory_space<vmem>> -> memref<1x128xi32, #tpu.memory_space<vmem>>
      %dma_wait3A_93 = tpu.memref_squeeze %dma_wait3A_92 : memref<1x128xi32, #tpu.memory_space<vmem>> -> memref<128xi32, #tpu.memory_space<vmem>>
      %dma_wait3A_94 = arith.constant 0 : i32
      %dma_wait3A_95 = arith.constant 0 : i32
      %dma_wait3A_96 = tpu.memref_slice %arg16[%dma_wait3A_94, %dma_wait3A_95] : memref<50048x32xf32, #tpu.memory_space<vmem_shared>> -> memref<50048x32xf32, #tpu.memory_space<vmem_shared>>
      tpu.wait_indirect_dma semaphore(%arg17 : memref<!tpu.dma_semaphore, #tpu.memory_space<semaphore_mem>>) src(%arg12 : memref<128x32xf32, #tpu.memory_space<vmem>>) dst(%dma_wait3A_96 : memref<50048x32xf32, #tpu.memory_space<vmem_shared>>)
      %dma_wait3A_97 = arith.constant 2 : i32
      %dma_wait3A_98 = arith.constant 0 : i32
      %dma_wait3A_99 = tpu.memref_slice %arg14[%dma_wait3A_97, %dma_wait3A_98] : memref<5x128xi32, #tpu.memory_space<vmem>> -> memref<1x128xi32, #tpu.memory_space<vmem>>
      %dma_wait3A_100 = tpu.memref_squeeze %dma_wait3A_99 : memref<1x128xi32, #tpu.memory_space<vmem>> -> memref<128xi32, #tpu.memory_space<vmem>>
      %dma_wait3A_101 = arith.constant 0 : i32
      %dma_wait3A_102 = arith.constant 0 : i32
      %dma_wait3A_103 = tpu.memref_slice %arg16[%dma_wait3A_101, %dma_wait3A_102] : memref<50048x32xf32, #tpu.memory_space<vmem_shared>> -> memref<50048x32xf32, #tpu.memory_space<vmem_shared>>
      tpu.wait_indirect_dma semaphore(%arg17 : memref<!tpu.dma_semaphore, #tpu.memory_space<semaphore_mem>>) src(%arg12 : memref<128x32xf32, #tpu.memory_space<vmem>>) dst(%dma_wait3A_103 : memref<50048x32xf32, #tpu.memory_space<vmem_shared>>)
      %dma_wait3A_104 = arith.constant 3 : i32
      %dma_wait3A_105 = arith.constant 0 : i32
      %dma_wait3A_106 = tpu.memref_slice %arg14[%dma_wait3A_104, %dma_wait3A_105] : memref<5x128xi32, #tpu.memory_space<vmem>> -> memref<1x128xi32, #tpu.memory_space<vmem>>
      %dma_wait3A_107 = tpu.memref_squeeze %dma_wait3A_106 : memref<1x128xi32, #tpu.memory_space<vmem>> -> memref<128xi32, #tpu.memory_space<vmem>>
      %dma_wait3A_108 = arith.constant 0 : i32
      %dma_wait3A_109 = arith.constant 0 : i32
      %dma_wait3A_110 = tpu.memref_slice %arg16[%dma_wait3A_108, %dma_wait3A_109] : memref<50048x32xf32, #tpu.memory_space<vmem_shared>> -> memref<50048x32xf32, #tpu.memory_space<vmem_shared>>
      tpu.wait_indirect_dma semaphore(%arg17 : memref<!tpu.dma_semaphore, #tpu.memory_space<semaphore_mem>>) src(%arg12 : memref<128x32xf32, #tpu.memory_space<vmem>>) dst(%dma_wait3A_110 : memref<50048x32xf32, #tpu.memory_space<vmem_shared>>)
      %dma_wait3A_111 = arith.constant 4 : i32
      %dma_wait3A_112 = arith.constant 0 : i32
      %dma_wait3A_113 = tpu.memref_slice %arg14[%dma_wait3A_111, %dma_wait3A_112] : memref<5x128xi32, #tpu.memory_space<vmem>> -> memref<1x128xi32, #tpu.memory_space<vmem>>
      %dma_wait3A_114 = tpu.memref_squeeze %dma_wait3A_113 : memref<1x128xi32, #tpu.memory_space<vmem>> -> memref<128xi32, #tpu.memory_space<vmem>>
      %dma_wait3A_115 = arith.constant 0 : i32
      %dma_wait3A_116 = arith.constant 0 : i32
      %dma_wait3A_117 = tpu.memref_slice %arg16[%dma_wait3A_115, %dma_wait3A_116] : memref<50048x32xf32, #tpu.memory_space<vmem_shared>> -> memref<50048x32xf32, #tpu.memory_space<vmem_shared>>
      tpu.wait_indirect_dma semaphore(%arg17 : memref<!tpu.dma_semaphore, #tpu.memory_space<semaphore_mem>>) src(%arg12 : memref<128x32xf32, #tpu.memory_space<vmem>>) dst(%dma_wait3A_117 : memref<50048x32xf32, #tpu.memory_space<vmem_shared>>)
    }
    %scan3A_7 = arith.constant 80 : i32
    %barrier3A_8 = arith.constant 0 : index
    tpu.barrier barrier_id(%barrier3A_8)
    %mul3A_9 = arith.constant 3128 : i32
    %mul3A_10 = arith.muli %arg1, %mul3A_9 : i32
    %mul3A_11 = arith.constant 3128 : i32
    %mul3A_12 = arith.muli %arg1, %mul3A_11 : i32
    "tpu.region"() ({
      %run_scoped3A = tpu.sem_alloc : memref<!tpu.dma_semaphore, #tpu.memory_space<semaphore_mem>>
      %dma_start3A = arith.constant 0 : i32
      %dma_start3A_47 = tpu.memref_slice %arg9[%arg0, %mul3A_12, %dma_start3A] : memref<2x50048x32xf32, #tpu.memory_space<hbm>> -> memref<1x3128x32xf32, #tpu.memory_space<hbm>>
      %dma_start3A_48 = tpu.memref_squeeze %dma_start3A_47 : memref<1x3128x32xf32, #tpu.memory_space<hbm>> -> memref<3128x32xf32, #tpu.memory_space<hbm>>
      %dma_start3A_49 = arith.constant 0 : i32
      %dma_start3A_50 = tpu.memref_slice %arg16[%mul3A_10, %dma_start3A_49] : memref<50048x32xf32, #tpu.memory_space<vmem_shared>> -> memref<3128x32xf32, #tpu.memory_space<vmem_shared>>
      tpu.enqueue_dma source(%dma_start3A_50 : memref<3128x32xf32, #tpu.memory_space<vmem_shared>>) target(%dma_start3A_48 : memref<3128x32xf32, #tpu.memory_space<hbm>>) target_semaphore(%run_scoped3A : memref<!tpu.dma_semaphore, #tpu.memory_space<semaphore_mem>>)
      %dma_wait3A = arith.constant 0 : i32
      %dma_wait3A_51 = tpu.memref_slice %arg9[%arg0, %mul3A_12, %dma_wait3A] : memref<2x50048x32xf32, #tpu.memory_space<hbm>> -> memref<1x3128x32xf32, #tpu.memory_space<hbm>>
      %dma_wait3A_52 = tpu.memref_squeeze %dma_wait3A_51 : memref<1x3128x32xf32, #tpu.memory_space<hbm>> -> memref<3128x32xf32, #tpu.memory_space<hbm>>
      %dma_wait3A_53 = arith.constant 0 : i32
      %dma_wait3A_54 = tpu.memref_slice %arg16[%mul3A_10, %dma_wait3A_53] : memref<50048x32xf32, #tpu.memory_space<vmem_shared>> -> memref<3128x32xf32, #tpu.memory_space<vmem_shared>>
      tpu.wait_dma2 semaphore(%run_scoped3A : memref<!tpu.dma_semaphore, #tpu.memory_space<semaphore_mem>>) src(%dma_wait3A_54 : memref<3128x32xf32, #tpu.memory_space<vmem_shared>>) dst(%dma_wait3A_52 : memref<3128x32xf32, #tpu.memory_space<hbm>>)
      tpu.yield
    }) : () -> ()
    %mul3A_13 = arith.constant 3128 : i32
    %mul3A_14 = arith.muli %arg1, %mul3A_13 : i32
    "tpu.region"() ({
      %run_scoped3A = tpu.sem_alloc : memref<!tpu.dma_semaphore, #tpu.memory_space<semaphore_mem>>
      %dma_start3A = arith.constant 0 : i32
      %dma_start3A_47 = tpu.memref_slice %arg16[%mul3A_14, %dma_start3A] : memref<50048x32xf32, #tpu.memory_space<vmem_shared>> -> memref<3128x32xf32, #tpu.memory_space<vmem_shared>>
      tpu.enqueue_dma source(%arg7 : memref<3128x32xf32, #tpu.memory_space<hbm>>) target(%dma_start3A_47 : memref<3128x32xf32, #tpu.memory_space<vmem_shared>>) target_semaphore(%run_scoped3A : memref<!tpu.dma_semaphore, #tpu.memory_space<semaphore_mem>>)
      %dma_wait3A = arith.constant 0 : i32
      %dma_wait3A_48 = tpu.memref_slice %arg16[%mul3A_14, %dma_wait3A] : memref<50048x32xf32, #tpu.memory_space<vmem_shared>> -> memref<3128x32xf32, #tpu.memory_space<vmem_shared>>
      tpu.wait_dma2 semaphore(%run_scoped3A : memref<!tpu.dma_semaphore, #tpu.memory_space<semaphore_mem>>) src(%arg7 : memref<3128x32xf32, #tpu.memory_space<hbm>>) dst(%dma_wait3A_48 : memref<3128x32xf32, #tpu.memory_space<vmem_shared>>)
      tpu.yield
    }) : () -> ()
    %barrier3A_15 = arith.constant 0 : index
    tpu.barrier barrier_id(%barrier3A_15)
    %mul3A_16 = arith.constant 400 : i32
    %mul3A_17 = arith.muli %arg1, %mul3A_16 : i32
    %scan3A_18 = arith.constant 0 : i32
    %scan3A_19 = arith.constant 0 : i32
    %scan3A_20 = arith.constant 0 : i32
    %scan3A_21 = arith.constant 80 : i32
    %scan3A_22 = arith.addi %scan3A_20, %scan3A_21 : i32
    %scan3A_23 = arith.constant 1 : i32
    scf.for %scan3A_47 = %scan3A_20 to %scan3A_22 step %scan3A_23  : i32 {
      %mul3A_48 = arith.constant 5 : i32
      %mul3A_49 = arith.muli %scan3A_47, %mul3A_48 : i32
      %add3A = arith.addi %mul3A_17, %mul3A_49 : i32
      "tpu.region"() ({
        %run_scoped3A = tpu.sem_alloc : memref<!tpu.dma_semaphore, #tpu.memory_space<semaphore_mem>>
        %dma_start3A_248 = arith.constant 0 : i32
        %dma_start3A_249 = arith.constant 0 : i32
        %dma_start3A_250 = tpu.memref_slice %arg4[%arg0, %dma_start3A_248, %dma_start3A_249] : memref<2x6400x128xi32, #tpu.memory_space<hbm>> -> memref<1x6400x128xi32, #tpu.memory_space<hbm>>
        %dma_start3A_251 = tpu.memref_squeeze %dma_start3A_250 : memref<1x6400x128xi32, #tpu.memory_space<hbm>> -> memref<6400x128xi32, #tpu.memory_space<hbm>>
        %dma_start3A_252 = arith.constant 0 : i32
        %dma_start3A_253 = tpu.memref_slice %dma_start3A_251[%add3A, %dma_start3A_252] : memref<6400x128xi32, #tpu.memory_space<hbm>> -> memref<5x128xi32, #tpu.memory_space<hbm>>
        %dma_start3A_254 = arith.constant 0 : i32
        %dma_start3A_255 = arith.constant 0 : i32
        %dma_start3A_256 = tpu.memref_slice %arg4[%arg0, %dma_start3A_254, %dma_start3A_255] : memref<2x6400x128xi32, #tpu.memory_space<hbm>> -> memref<1x6400x128xi32, #tpu.memory_space<hbm>>
        %dma_start3A_257 = tpu.memref_squeeze %dma_start3A_256 : memref<1x6400x128xi32, #tpu.memory_space<hbm>> -> memref<6400x128xi32, #tpu.memory_space<hbm>>
        %dma_start3A_258 = arith.constant 0 : i32
        %dma_start3A_259 = tpu.memref_slice %dma_start3A_257[%add3A, %dma_start3A_258] : memref<6400x128xi32, #tpu.memory_space<hbm>> -> memref<5x128xi32, #tpu.memory_space<hbm>>
        tpu.enqueue_dma source(%dma_start3A_259 : memref<5x128xi32, #tpu.memory_space<hbm>>) target(%arg13 : memref<5x128xi32, #tpu.memory_space<vmem>>) target_semaphore(%run_scoped3A : memref<!tpu.dma_semaphore, #tpu.memory_space<semaphore_mem>>)
        %dma_wait3A_260 = arith.constant 0 : i32
        %dma_wait3A_261 = arith.constant 0 : i32
        %dma_wait3A_262 = tpu.memref_slice %arg4[%arg0, %dma_wait3A_260, %dma_wait3A_261] : memref<2x6400x128xi32, #tpu.memory_space<hbm>> -> memref<1x6400x128xi32, #tpu.memory_space<hbm>>
        %dma_wait3A_263 = tpu.memref_squeeze %dma_wait3A_262 : memref<1x6400x128xi32, #tpu.memory_space<hbm>> -> memref<6400x128xi32, #tpu.memory_space<hbm>>
        %dma_wait3A_264 = arith.constant 0 : i32
        %dma_wait3A_265 = tpu.memref_slice %dma_wait3A_263[%add3A, %dma_wait3A_264] : memref<6400x128xi32, #tpu.memory_space<hbm>> -> memref<5x128xi32, #tpu.memory_space<hbm>>
        %dma_wait3A_266 = arith.constant 0 : i32
        %dma_wait3A_267 = arith.constant 0 : i32
        %dma_wait3A_268 = tpu.memref_slice %arg4[%arg0, %dma_wait3A_266, %dma_wait3A_267] : memref<2x6400x128xi32, #tpu.memory_space<hbm>> -> memref<1x6400x128xi32, #tpu.memory_space<hbm>>
        %dma_wait3A_269 = tpu.memref_squeeze %dma_wait3A_268 : memref<1x6400x128xi32, #tpu.memory_space<hbm>> -> memref<6400x128xi32, #tpu.memory_space<hbm>>
        %dma_wait3A_270 = arith.constant 0 : i32
        %dma_wait3A_271 = tpu.memref_slice %dma_wait3A_269[%add3A, %dma_wait3A_270] : memref<6400x128xi32, #tpu.memory_space<hbm>> -> memref<5x128xi32, #tpu.memory_space<hbm>>
        tpu.wait_dma2 semaphore(%run_scoped3A : memref<!tpu.dma_semaphore, #tpu.memory_space<semaphore_mem>>) src(%dma_wait3A_271 : memref<5x128xi32, #tpu.memory_space<hbm>>) dst(%arg13 : memref<5x128xi32, #tpu.memory_space<vmem>>)
        tpu.yield
      }) : () -> ()
      "tpu.region"() ({
        %run_scoped3A = tpu.sem_alloc : memref<!tpu.dma_semaphore, #tpu.memory_space<semaphore_mem>>
        %dma_start3A_248 = arith.constant 0 : i32
        %dma_start3A_249 = arith.constant 0 : i32
        %dma_start3A_250 = tpu.memref_slice %arg6[%scan3A_19, %dma_start3A_248, %dma_start3A_249] : memref<2x6400x128xi32, #tpu.memory_space<hbm>> -> memref<1x6400x128xi32, #tpu.memory_space<hbm>>
        %dma_start3A_251 = tpu.memref_squeeze %dma_start3A_250 : memref<1x6400x128xi32, #tpu.memory_space<hbm>> -> memref<6400x128xi32, #tpu.memory_space<hbm>>
        %dma_start3A_252 = arith.constant 0 : i32
        %dma_start3A_253 = tpu.memref_slice %dma_start3A_251[%add3A, %dma_start3A_252] : memref<6400x128xi32, #tpu.memory_space<hbm>> -> memref<5x128xi32, #tpu.memory_space<hbm>>
        %dma_start3A_254 = arith.constant 0 : i32
        %dma_start3A_255 = arith.constant 0 : i32
        %dma_start3A_256 = tpu.memref_slice %arg6[%scan3A_19, %dma_start3A_254, %dma_start3A_255] : memref<2x6400x128xi32, #tpu.memory_space<hbm>> -> memref<1x6400x128xi32, #tpu.memory_space<hbm>>
        %dma_start3A_257 = tpu.memref_squeeze %dma_start3A_256 : memref<1x6400x128xi32, #tpu.memory_space<hbm>> -> memref<6400x128xi32, #tpu.memory_space<hbm>>
        %dma_start3A_258 = arith.constant 0 : i32
        %dma_start3A_259 = tpu.memref_slice %dma_start3A_257[%add3A, %dma_start3A_258] : memref<6400x128xi32, #tpu.memory_space<hbm>> -> memref<5x128xi32, #tpu.memory_space<hbm>>
        tpu.enqueue_dma source(%dma_start3A_259 : memref<5x128xi32, #tpu.memory_space<hbm>>) target(%arg14 : memref<5x128xi32, #tpu.memory_space<vmem>>) target_semaphore(%run_scoped3A : memref<!tpu.dma_semaphore, #tpu.memory_space<semaphore_mem>>)
        %dma_wait3A_260 = arith.constant 0 : i32
        %dma_wait3A_261 = arith.constant 0 : i32
        %dma_wait3A_262 = tpu.memref_slice %arg6[%scan3A_19, %dma_wait3A_260, %dma_wait3A_261] : memref<2x6400x128xi32, #tpu.memory_space<hbm>> -> memref<1x6400x128xi32, #tpu.memory_space<hbm>>
        %dma_wait3A_263 = tpu.memref_squeeze %dma_wait3A_262 : memref<1x6400x128xi32, #tpu.memory_space<hbm>> -> memref<6400x128xi32, #tpu.memory_space<hbm>>
        %dma_wait3A_264 = arith.constant 0 : i32
        %dma_wait3A_265 = tpu.memref_slice %dma_wait3A_263[%add3A, %dma_wait3A_264] : memref<6400x128xi32, #tpu.memory_space<hbm>> -> memref<5x128xi32, #tpu.memory_space<hbm>>
        %dma_wait3A_266 = arith.constant 0 : i32
        %dma_wait3A_267 = arith.constant 0 : i32
        %dma_wait3A_268 = tpu.memref_slice %arg6[%scan3A_19, %dma_wait3A_266, %dma_wait3A_267] : memref<2x6400x128xi32, #tpu.memory_space<hbm>> -> memref<1x6400x128xi32, #tpu.memory_space<hbm>>
        %dma_wait3A_269 = tpu.memref_squeeze %dma_wait3A_268 : memref<1x6400x128xi32, #tpu.memory_space<hbm>> -> memref<6400x128xi32, #tpu.memory_space<hbm>>
        %dma_wait3A_270 = arith.constant 0 : i32
        %dma_wait3A_271 = tpu.memref_slice %dma_wait3A_269[%add3A, %dma_wait3A_270] : memref<6400x128xi32, #tpu.memory_space<hbm>> -> memref<5x128xi32, #tpu.memory_space<hbm>>
        tpu.wait_dma2 semaphore(%run_scoped3A : memref<!tpu.dma_semaphore, #tpu.memory_space<semaphore_mem>>) src(%dma_wait3A_271 : memref<5x128xi32, #tpu.memory_space<hbm>>) dst(%arg14 : memref<5x128xi32, #tpu.memory_space<vmem>>)
        tpu.yield
      }) : () -> ()
      %dma_start3A = arith.constant 0 : i32
      %dma_start3A_50 = arith.constant 0 : i32
      %dma_start3A_51 = arith.constant 0 : i32
      %dma_start3A_52 = tpu.memref_slice %arg15[%dma_start3A_50, %dma_start3A_51] : memref<640x32xf32, #tpu.memory_space<vmem>> -> memref<128x32xf32, #tpu.memory_space<vmem>>
      %dma_start3A_53 = arith.constant 0 : i32
      %dma_start3A_54 = tpu.memref_slice %arg13[%dma_start3A, %dma_start3A_53] : memref<5x128xi32, #tpu.memory_space<vmem>> -> memref<1x128xi32, #tpu.memory_space<vmem>>
      %dma_start3A_55 = tpu.memref_squeeze %dma_start3A_54 : memref<1x128xi32, #tpu.memory_space<vmem>> -> memref<128xi32, #tpu.memory_space<vmem>>
      %dma_start3A_56 = arith.constant 0 : i32
      %dma_start3A_57 = arith.constant 0 : i32
      %dma_start3A_58 = tpu.memref_slice %arg2[%dma_start3A_56, %dma_start3A_57] : memref<100000x32xf32, #tpu.memory_space<hbm>> -> memref<100000x32xf32, #tpu.memory_space<hbm>>
      tpu.enqueue_indirect_dma source(%dma_start3A_58 : memref<100000x32xf32, #tpu.memory_space<hbm>>) target(%dma_start3A_52 : memref<128x32xf32, #tpu.memory_space<vmem>>) offsets(%dma_start3A_55 : memref<128xi32, #tpu.memory_space<vmem>>) semaphore(%arg17 : memref<!tpu.dma_semaphore, #tpu.memory_space<semaphore_mem>>)
      %dma_start3A_59 = arith.constant 1 : i32
      %dma_start3A_60 = arith.constant 128 : i32
      %dma_start3A_61 = arith.constant 0 : i32
      %dma_start3A_62 = tpu.memref_slice %arg15[%dma_start3A_60, %dma_start3A_61] : memref<640x32xf32, #tpu.memory_space<vmem>> -> memref<128x32xf32, #tpu.memory_space<vmem>>
      %dma_start3A_63 = arith.constant 0 : i32
      %dma_start3A_64 = tpu.memref_slice %arg13[%dma_start3A_59, %dma_start3A_63] : memref<5x128xi32, #tpu.memory_space<vmem>> -> memref<1x128xi32, #tpu.memory_space<vmem>>
      %dma_start3A_65 = tpu.memref_squeeze %dma_start3A_64 : memref<1x128xi32, #tpu.memory_space<vmem>> -> memref<128xi32, #tpu.memory_space<vmem>>
      %dma_start3A_66 = arith.constant 0 : i32
      %dma_start3A_67 = arith.constant 0 : i32
      %dma_start3A_68 = tpu.memref_slice %arg2[%dma_start3A_66, %dma_start3A_67] : memref<100000x32xf32, #tpu.memory_space<hbm>> -> memref<100000x32xf32, #tpu.memory_space<hbm>>
      tpu.enqueue_indirect_dma source(%dma_start3A_68 : memref<100000x32xf32, #tpu.memory_space<hbm>>) target(%dma_start3A_62 : memref<128x32xf32, #tpu.memory_space<vmem>>) offsets(%dma_start3A_65 : memref<128xi32, #tpu.memory_space<vmem>>) semaphore(%arg17 : memref<!tpu.dma_semaphore, #tpu.memory_space<semaphore_mem>>)
      %dma_start3A_69 = arith.constant 2 : i32
      %dma_start3A_70 = arith.constant 256 : i32
      %dma_start3A_71 = arith.constant 0 : i32
      %dma_start3A_72 = tpu.memref_slice %arg15[%dma_start3A_70, %dma_start3A_71] : memref<640x32xf32, #tpu.memory_space<vmem>> -> memref<128x32xf32, #tpu.memory_space<vmem>>
      %dma_start3A_73 = arith.constant 0 : i32
      %dma_start3A_74 = tpu.memref_slice %arg13[%dma_start3A_69, %dma_start3A_73] : memref<5x128xi32, #tpu.memory_space<vmem>> -> memref<1x128xi32, #tpu.memory_space<vmem>>
      %dma_start3A_75 = tpu.memref_squeeze %dma_start3A_74 : memref<1x128xi32, #tpu.memory_space<vmem>> -> memref<128xi32, #tpu.memory_space<vmem>>
      %dma_start3A_76 = arith.constant 0 : i32
      %dma_start3A_77 = arith.constant 0 : i32
      %dma_start3A_78 = tpu.memref_slice %arg2[%dma_start3A_76, %dma_start3A_77] : memref<100000x32xf32, #tpu.memory_space<hbm>> -> memref<100000x32xf32, #tpu.memory_space<hbm>>
      tpu.enqueue_indirect_dma source(%dma_start3A_78 : memref<100000x32xf32, #tpu.memory_space<hbm>>) target(%dma_start3A_72 : memref<128x32xf32, #tpu.memory_space<vmem>>) offsets(%dma_start3A_75 : memref<128xi32, #tpu.memory_space<vmem>>) semaphore(%arg17 : memref<!tpu.dma_semaphore, #tpu.memory_space<semaphore_mem>>)
      %dma_start3A_79 = arith.constant 3 : i32
      %dma_start3A_80 = arith.constant 384 : i32
      %dma_start3A_81 = arith.constant 0 : i32
      %dma_start3A_82 = tpu.memref_slice %arg15[%dma_start3A_80, %dma_start3A_81] : memref<640x32xf32, #tpu.memory_space<vmem>> -> memref<128x32xf32, #tpu.memory_space<vmem>>
      %dma_start3A_83 = arith.constant 0 : i32
      %dma_start3A_84 = tpu.memref_slice %arg13[%dma_start3A_79, %dma_start3A_83] : memref<5x128xi32, #tpu.memory_space<vmem>> -> memref<1x128xi32, #tpu.memory_space<vmem>>
      %dma_start3A_85 = tpu.memref_squeeze %dma_start3A_84 : memref<1x128xi32, #tpu.memory_space<vmem>> -> memref<128xi32, #tpu.memory_space<vmem>>
      %dma_start3A_86 = arith.constant 0 : i32
      %dma_start3A_87 = arith.constant 0 : i32
      %dma_start3A_88 = tpu.memref_slice %arg2[%dma_start3A_86, %dma_start3A_87] : memref<100000x32xf32, #tpu.memory_space<hbm>> -> memref<100000x32xf32, #tpu.memory_space<hbm>>
      tpu.enqueue_indirect_dma source(%dma_start3A_88 : memref<100000x32xf32, #tpu.memory_space<hbm>>) target(%dma_start3A_82 : memref<128x32xf32, #tpu.memory_space<vmem>>) offsets(%dma_start3A_85 : memref<128xi32, #tpu.memory_space<vmem>>) semaphore(%arg17 : memref<!tpu.dma_semaphore, #tpu.memory_space<semaphore_mem>>)
      %dma_start3A_89 = arith.constant 4 : i32
      %dma_start3A_90 = arith.constant 512 : i32
      %dma_start3A_91 = arith.constant 0 : i32
      %dma_start3A_92 = tpu.memref_slice %arg15[%dma_start3A_90, %dma_start3A_91] : memref<640x32xf32, #tpu.memory_space<vmem>> -> memref<128x32xf32, #tpu.memory_space<vmem>>
      %dma_start3A_93 = arith.constant 0 : i32
      %dma_start3A_94 = tpu.memref_slice %arg13[%dma_start3A_89, %dma_start3A_93] : memref<5x128xi32, #tpu.memory_space<vmem>> -> memref<1x128xi32, #tpu.memory_space<vmem>>
      %dma_start3A_95 = tpu.memref_squeeze %dma_start3A_94 : memref<1x128xi32, #tpu.memory_space<vmem>> -> memref<128xi32, #tpu.memory_space<vmem>>
      %dma_start3A_96 = arith.constant 0 : i32
      %dma_start3A_97 = arith.constant 0 : i32
      %dma_start3A_98 = tpu.memref_slice %arg2[%dma_start3A_96, %dma_start3A_97] : memref<100000x32xf32, #tpu.memory_space<hbm>> -> memref<100000x32xf32, #tpu.memory_space<hbm>>
      tpu.enqueue_indirect_dma source(%dma_start3A_98 : memref<100000x32xf32, #tpu.memory_space<hbm>>) target(%dma_start3A_92 : memref<128x32xf32, #tpu.memory_space<vmem>>) offsets(%dma_start3A_95 : memref<128xi32, #tpu.memory_space<vmem>>) semaphore(%arg17 : memref<!tpu.dma_semaphore, #tpu.memory_space<semaphore_mem>>)
      %dma_wait3A = arith.constant 0 : i32
      %dma_wait3A_99 = arith.constant 0 : i32
      %dma_wait3A_100 = arith.constant 0 : i32
      %dma_wait3A_101 = tpu.memref_slice %arg15[%dma_wait3A_99, %dma_wait3A_100] : memref<640x32xf32, #tpu.memory_space<vmem>> -> memref<128x32xf32, #tpu.memory_space<vmem>>
      %dma_wait3A_102 = arith.constant 0 : i32
      %dma_wait3A_103 = tpu.memref_slice %arg13[%dma_wait3A, %dma_wait3A_102] : memref<5x128xi32, #tpu.memory_space<vmem>> -> memref<1x128xi32, #tpu.memory_space<vmem>>
      %dma_wait3A_104 = tpu.memref_squeeze %dma_wait3A_103 : memref<1x128xi32, #tpu.memory_space<vmem>> -> memref<128xi32, #tpu.memory_space<vmem>>
      %dma_wait3A_105 = arith.constant 0 : i32
      %dma_wait3A_106 = arith.constant 0 : i32
      %dma_wait3A_107 = tpu.memref_slice %arg2[%dma_wait3A_105, %dma_wait3A_106] : memref<100000x32xf32, #tpu.memory_space<hbm>> -> memref<100000x32xf32, #tpu.memory_space<hbm>>
      tpu.wait_indirect_dma semaphore(%arg17 : memref<!tpu.dma_semaphore, #tpu.memory_space<semaphore_mem>>) src(%dma_wait3A_107 : memref<100000x32xf32, #tpu.memory_space<hbm>>) dst(%dma_wait3A_101 : memref<128x32xf32, #tpu.memory_space<vmem>>)
      %dma_wait3A_108 = arith.constant 1 : i32
      %dma_wait3A_109 = arith.constant 128 : i32
      %dma_wait3A_110 = arith.constant 0 : i32
      %dma_wait3A_111 = tpu.memref_slice %arg15[%dma_wait3A_109, %dma_wait3A_110] : memref<640x32xf32, #tpu.memory_space<vmem>> -> memref<128x32xf32, #tpu.memory_space<vmem>>
      %dma_wait3A_112 = arith.constant 0 : i32
      %dma_wait3A_113 = tpu.memref_slice %arg13[%dma_wait3A_108, %dma_wait3A_112] : memref<5x128xi32, #tpu.memory_space<vmem>> -> memref<1x128xi32, #tpu.memory_space<vmem>>
      %dma_wait3A_114 = tpu.memref_squeeze %dma_wait3A_113 : memref<1x128xi32, #tpu.memory_space<vmem>> -> memref<128xi32, #tpu.memory_space<vmem>>
      %dma_wait3A_115 = arith.constant 0 : i32
      %dma_wait3A_116 = arith.constant 0 : i32
      %dma_wait3A_117 = tpu.memref_slice %arg2[%dma_wait3A_115, %dma_wait3A_116] : memref<100000x32xf32, #tpu.memory_space<hbm>> -> memref<100000x32xf32, #tpu.memory_space<hbm>>
      tpu.wait_indirect_dma semaphore(%arg17 : memref<!tpu.dma_semaphore, #tpu.memory_space<semaphore_mem>>) src(%dma_wait3A_117 : memref<100000x32xf32, #tpu.memory_space<hbm>>) dst(%dma_wait3A_111 : memref<128x32xf32, #tpu.memory_space<vmem>>)
      %dma_wait3A_118 = arith.constant 2 : i32
      %dma_wait3A_119 = arith.constant 256 : i32
      %dma_wait3A_120 = arith.constant 0 : i32
      %dma_wait3A_121 = tpu.memref_slice %arg15[%dma_wait3A_119, %dma_wait3A_120] : memref<640x32xf32, #tpu.memory_space<vmem>> -> memref<128x32xf32, #tpu.memory_space<vmem>>
      %dma_wait3A_122 = arith.constant 0 : i32
      %dma_wait3A_123 = tpu.memref_slice %arg13[%dma_wait3A_118, %dma_wait3A_122] : memref<5x128xi32, #tpu.memory_space<vmem>> -> memref<1x128xi32, #tpu.memory_space<vmem>>
      %dma_wait3A_124 = tpu.memref_squeeze %dma_wait3A_123 : memref<1x128xi32, #tpu.memory_space<vmem>> -> memref<128xi32, #tpu.memory_space<vmem>>
      %dma_wait3A_125 = arith.constant 0 : i32
      %dma_wait3A_126 = arith.constant 0 : i32
      %dma_wait3A_127 = tpu.memref_slice %arg2[%dma_wait3A_125, %dma_wait3A_126] : memref<100000x32xf32, #tpu.memory_space<hbm>> -> memref<100000x32xf32, #tpu.memory_space<hbm>>
      tpu.wait_indirect_dma semaphore(%arg17 : memref<!tpu.dma_semaphore, #tpu.memory_space<semaphore_mem>>) src(%dma_wait3A_127 : memref<100000x32xf32, #tpu.memory_space<hbm>>) dst(%dma_wait3A_121 : memref<128x32xf32, #tpu.memory_space<vmem>>)
      %dma_wait3A_128 = arith.constant 3 : i32
      %dma_wait3A_129 = arith.constant 384 : i32
      %dma_wait3A_130 = arith.constant 0 : i32
      %dma_wait3A_131 = tpu.memref_slice %arg15[%dma_wait3A_129, %dma_wait3A_130] : memref<640x32xf32, #tpu.memory_space<vmem>> -> memref<128x32xf32, #tpu.memory_space<vmem>>
      %dma_wait3A_132 = arith.constant 0 : i32
      %dma_wait3A_133 = tpu.memref_slice %arg13[%dma_wait3A_128, %dma_wait3A_132] : memref<5x128xi32, #tpu.memory_space<vmem>> -> memref<1x128xi32, #tpu.memory_space<vmem>>
      %dma_wait3A_134 = tpu.memref_squeeze %dma_wait3A_133 : memref<1x128xi32, #tpu.memory_space<vmem>> -> memref<128xi32, #tpu.memory_space<vmem>>
      %dma_wait3A_135 = arith.constant 0 : i32
      %dma_wait3A_136 = arith.constant 0 : i32
      %dma_wait3A_137 = tpu.memref_slice %arg2[%dma_wait3A_135, %dma_wait3A_136] : memref<100000x32xf32, #tpu.memory_space<hbm>> -> memref<100000x32xf32, #tpu.memory_space<hbm>>
      tpu.wait_indirect_dma semaphore(%arg17 : memref<!tpu.dma_semaphore, #tpu.memory_space<semaphore_mem>>) src(%dma_wait3A_137 : memref<100000x32xf32, #tpu.memory_space<hbm>>) dst(%dma_wait3A_131 : memref<128x32xf32, #tpu.memory_space<vmem>>)
      %dma_wait3A_138 = arith.constant 4 : i32
      %dma_wait3A_139 = arith.constant 512 : i32
      %dma_wait3A_140 = arith.constant 0 : i32
      %dma_wait3A_141 = tpu.memref_slice %arg15[%dma_wait3A_139, %dma_wait3A_140] : memref<640x32xf32, #tpu.memory_space<vmem>> -> memref<128x32xf32, #tpu.memory_space<vmem>>
      %dma_wait3A_142 = arith.constant 0 : i32
      %dma_wait3A_143 = tpu.memref_slice %arg13[%dma_wait3A_138, %dma_wait3A_142] : memref<5x128xi32, #tpu.memory_space<vmem>> -> memref<1x128xi32, #tpu.memory_space<vmem>>
      %dma_wait3A_144 = tpu.memref_squeeze %dma_wait3A_143 : memref<1x128xi32, #tpu.memory_space<vmem>> -> memref<128xi32, #tpu.memory_space<vmem>>
      %dma_wait3A_145 = arith.constant 0 : i32
      %dma_wait3A_146 = arith.constant 0 : i32
      %dma_wait3A_147 = tpu.memref_slice %arg2[%dma_wait3A_145, %dma_wait3A_146] : memref<100000x32xf32, #tpu.memory_space<hbm>> -> memref<100000x32xf32, #tpu.memory_space<hbm>>
      tpu.wait_indirect_dma semaphore(%arg17 : memref<!tpu.dma_semaphore, #tpu.memory_space<semaphore_mem>>) src(%dma_wait3A_147 : memref<100000x32xf32, #tpu.memory_space<hbm>>) dst(%dma_wait3A_141 : memref<128x32xf32, #tpu.memory_space<vmem>>)
      %dma_start3A_148 = arith.constant 0 : i32
      %dma_start3A_149 = arith.constant 0 : i32
      %dma_start3A_150 = arith.constant 0 : i32
      %dma_start3A_151 = tpu.memref_slice %arg15[%dma_start3A_149, %dma_start3A_150] : memref<640x32xf32, #tpu.memory_space<vmem>> -> memref<128x32xf32, #tpu.memory_space<vmem>>
      %dma_start3A_152 = arith.constant 0 : i32
      %dma_start3A_153 = tpu.memref_slice %arg14[%dma_start3A_148, %dma_start3A_152] : memref<5x128xi32, #tpu.memory_space<vmem>> -> memref<1x128xi32, #tpu.memory_space<vmem>>
      %dma_start3A_154 = tpu.memref_squeeze %dma_start3A_153 : memref<1x128xi32, #tpu.memory_space<vmem>> -> memref<128xi32, #tpu.memory_space<vmem>>
      %dma_start3A_155 = arith.constant 0 : i32
      %dma_start3A_156 = arith.constant 0 : i32
      %dma_start3A_157 = tpu.memref_slice %arg16[%dma_start3A_155, %dma_start3A_156] : memref<50048x32xf32, #tpu.memory_space<vmem_shared>> -> memref<50048x32xf32, #tpu.memory_space<vmem_shared>>
      tpu.enqueue_indirect_dma source(%dma_start3A_151 : memref<128x32xf32, #tpu.memory_space<vmem>>) target(%dma_start3A_157 : memref<50048x32xf32, #tpu.memory_space<vmem_shared>>) offsets(%dma_start3A_154 : memref<128xi32, #tpu.memory_space<vmem>>) semaphore(%arg17 : memref<!tpu.dma_semaphore, #tpu.memory_space<semaphore_mem>>) {add = true}
      %dma_start3A_158 = arith.constant 1 : i32
      %dma_start3A_159 = arith.constant 128 : i32
      %dma_start3A_160 = arith.constant 0 : i32
      %dma_start3A_161 = tpu.memref_slice %arg15[%dma_start3A_159, %dma_start3A_160] : memref<640x32xf32, #tpu.memory_space<vmem>> -> memref<128x32xf32, #tpu.memory_space<vmem>>
      %dma_start3A_162 = arith.constant 0 : i32
      %dma_start3A_163 = tpu.memref_slice %arg14[%dma_start3A_158, %dma_start3A_162] : memref<5x128xi32, #tpu.memory_space<vmem>> -> memref<1x128xi32, #tpu.memory_space<vmem>>
      %dma_start3A_164 = tpu.memref_squeeze %dma_start3A_163 : memref<1x128xi32, #tpu.memory_space<vmem>> -> memref<128xi32, #tpu.memory_space<vmem>>
      %dma_start3A_165 = arith.constant 0 : i32
      %dma_start3A_166 = arith.constant 0 : i32
      %dma_start3A_167 = tpu.memref_slice %arg16[%dma_start3A_165, %dma_start3A_166] : memref<50048x32xf32, #tpu.memory_space<vmem_shared>> -> memref<50048x32xf32, #tpu.memory_space<vmem_shared>>
      tpu.enqueue_indirect_dma source(%dma_start3A_161 : memref<128x32xf32, #tpu.memory_space<vmem>>) target(%dma_start3A_167 : memref<50048x32xf32, #tpu.memory_space<vmem_shared>>) offsets(%dma_start3A_164 : memref<128xi32, #tpu.memory_space<vmem>>) semaphore(%arg17 : memref<!tpu.dma_semaphore, #tpu.memory_space<semaphore_mem>>) {add = true}
      %dma_start3A_168 = arith.constant 2 : i32
      %dma_start3A_169 = arith.constant 256 : i32
      %dma_start3A_170 = arith.constant 0 : i32
      %dma_start3A_171 = tpu.memref_slice %arg15[%dma_start3A_169, %dma_start3A_170] : memref<640x32xf32, #tpu.memory_space<vmem>> -> memref<128x32xf32, #tpu.memory_space<vmem>>
      %dma_start3A_172 = arith.constant 0 : i32
      %dma_start3A_173 = tpu.memref_slice %arg14[%dma_start3A_168, %dma_start3A_172] : memref<5x128xi32, #tpu.memory_space<vmem>> -> memref<1x128xi32, #tpu.memory_space<vmem>>
      %dma_start3A_174 = tpu.memref_squeeze %dma_start3A_173 : memref<1x128xi32, #tpu.memory_space<vmem>> -> memref<128xi32, #tpu.memory_space<vmem>>
      %dma_start3A_175 = arith.constant 0 : i32
      %dma_start3A_176 = arith.constant 0 : i32
      %dma_start3A_177 = tpu.memref_slice %arg16[%dma_start3A_175, %dma_start3A_176] : memref<50048x32xf32, #tpu.memory_space<vmem_shared>> -> memref<50048x32xf32, #tpu.memory_space<vmem_shared>>
      tpu.enqueue_indirect_dma source(%dma_start3A_171 : memref<128x32xf32, #tpu.memory_space<vmem>>) target(%dma_start3A_177 : memref<50048x32xf32, #tpu.memory_space<vmem_shared>>) offsets(%dma_start3A_174 : memref<128xi32, #tpu.memory_space<vmem>>) semaphore(%arg17 : memref<!tpu.dma_semaphore, #tpu.memory_space<semaphore_mem>>) {add = true}
      %dma_start3A_178 = arith.constant 3 : i32
      %dma_start3A_179 = arith.constant 384 : i32
      %dma_start3A_180 = arith.constant 0 : i32
      %dma_start3A_181 = tpu.memref_slice %arg15[%dma_start3A_179, %dma_start3A_180] : memref<640x32xf32, #tpu.memory_space<vmem>> -> memref<128x32xf32, #tpu.memory_space<vmem>>
      %dma_start3A_182 = arith.constant 0 : i32
      %dma_start3A_183 = tpu.memref_slice %arg14[%dma_start3A_178, %dma_start3A_182] : memref<5x128xi32, #tpu.memory_space<vmem>> -> memref<1x128xi32, #tpu.memory_space<vmem>>
      %dma_start3A_184 = tpu.memref_squeeze %dma_start3A_183 : memref<1x128xi32, #tpu.memory_space<vmem>> -> memref<128xi32, #tpu.memory_space<vmem>>
      %dma_start3A_185 = arith.constant 0 : i32
      %dma_start3A_186 = arith.constant 0 : i32
      %dma_start3A_187 = tpu.memref_slice %arg16[%dma_start3A_185, %dma_start3A_186] : memref<50048x32xf32, #tpu.memory_space<vmem_shared>> -> memref<50048x32xf32, #tpu.memory_space<vmem_shared>>
      tpu.enqueue_indirect_dma source(%dma_start3A_181 : memref<128x32xf32, #tpu.memory_space<vmem>>) target(%dma_start3A_187 : memref<50048x32xf32, #tpu.memory_space<vmem_shared>>) offsets(%dma_start3A_184 : memref<128xi32, #tpu.memory_space<vmem>>) semaphore(%arg17 : memref<!tpu.dma_semaphore, #tpu.memory_space<semaphore_mem>>) {add = true}
      %dma_start3A_188 = arith.constant 4 : i32
      %dma_start3A_189 = arith.constant 512 : i32
      %dma_start3A_190 = arith.constant 0 : i32
      %dma_start3A_191 = tpu.memref_slice %arg15[%dma_start3A_189, %dma_start3A_190] : memref<640x32xf32, #tpu.memory_space<vmem>> -> memref<128x32xf32, #tpu.memory_space<vmem>>
      %dma_start3A_192 = arith.constant 0 : i32
      %dma_start3A_193 = tpu.memref_slice %arg14[%dma_start3A_188, %dma_start3A_192] : memref<5x128xi32, #tpu.memory_space<vmem>> -> memref<1x128xi32, #tpu.memory_space<vmem>>
      %dma_start3A_194 = tpu.memref_squeeze %dma_start3A_193 : memref<1x128xi32, #tpu.memory_space<vmem>> -> memref<128xi32, #tpu.memory_space<vmem>>
      %dma_start3A_195 = arith.constant 0 : i32
      %dma_start3A_196 = arith.constant 0 : i32
      %dma_start3A_197 = tpu.memref_slice %arg16[%dma_start3A_195, %dma_start3A_196] : memref<50048x32xf32, #tpu.memory_space<vmem_shared>> -> memref<50048x32xf32, #tpu.memory_space<vmem_shared>>
      tpu.enqueue_indirect_dma source(%dma_start3A_191 : memref<128x32xf32, #tpu.memory_space<vmem>>) target(%dma_start3A_197 : memref<50048x32xf32, #tpu.memory_space<vmem_shared>>) offsets(%dma_start3A_194 : memref<128xi32, #tpu.memory_space<vmem>>) semaphore(%arg17 : memref<!tpu.dma_semaphore, #tpu.memory_space<semaphore_mem>>) {add = true}
      %dma_wait3A_198 = arith.constant 0 : i32
      %dma_wait3A_199 = arith.constant 0 : i32
      %dma_wait3A_200 = arith.constant 0 : i32
      %dma_wait3A_201 = tpu.memref_slice %arg15[%dma_wait3A_199, %dma_wait3A_200] : memref<640x32xf32, #tpu.memory_space<vmem>> -> memref<128x32xf32, #tpu.memory_space<vmem>>
      %dma_wait3A_202 = arith.constant 0 : i32
      %dma_wait3A_203 = tpu.memref_slice %arg14[%dma_wait3A_198, %dma_wait3A_202] : memref<5x128xi32, #tpu.memory_space<vmem>> -> memref<1x128xi32, #tpu.memory_space<vmem>>
      %dma_wait3A_204 = tpu.memref_squeeze %dma_wait3A_203 : memref<1x128xi32, #tpu.memory_space<vmem>> -> memref<128xi32, #tpu.memory_space<vmem>>
      %dma_wait3A_205 = arith.constant 0 : i32
      %dma_wait3A_206 = arith.constant 0 : i32
      %dma_wait3A_207 = tpu.memref_slice %arg16[%dma_wait3A_205, %dma_wait3A_206] : memref<50048x32xf32, #tpu.memory_space<vmem_shared>> -> memref<50048x32xf32, #tpu.memory_space<vmem_shared>>
      tpu.wait_indirect_dma semaphore(%arg17 : memref<!tpu.dma_semaphore, #tpu.memory_space<semaphore_mem>>) src(%dma_wait3A_201 : memref<128x32xf32, #tpu.memory_space<vmem>>) dst(%dma_wait3A_207 : memref<50048x32xf32, #tpu.memory_space<vmem_shared>>)
      %dma_wait3A_208 = arith.constant 1 : i32
      %dma_wait3A_209 = arith.constant 128 : i32
      %dma_wait3A_210 = arith.constant 0 : i32
      %dma_wait3A_211 = tpu.memref_slice %arg15[%dma_wait3A_209, %dma_wait3A_210] : memref<640x32xf32, #tpu.memory_space<vmem>> -> memref<128x32xf32, #tpu.memory_space<vmem>>
      %dma_wait3A_212 = arith.constant 0 : i32
      %dma_wait3A_213 = tpu.memref_slice %arg14[%dma_wait3A_208, %dma_wait3A_212] : memref<5x128xi32, #tpu.memory_space<vmem>> -> memref<1x128xi32, #tpu.memory_space<vmem>>
      %dma_wait3A_214 = tpu.memref_squeeze %dma_wait3A_213 : memref<1x128xi32, #tpu.memory_space<vmem>> -> memref<128xi32, #tpu.memory_space<vmem>>
      %dma_wait3A_215 = arith.constant 0 : i32
      %dma_wait3A_216 = arith.constant 0 : i32
      %dma_wait3A_217 = tpu.memref_slice %arg16[%dma_wait3A_215, %dma_wait3A_216] : memref<50048x32xf32, #tpu.memory_space<vmem_shared>> -> memref<50048x32xf32, #tpu.memory_space<vmem_shared>>
      tpu.wait_indirect_dma semaphore(%arg17 : memref<!tpu.dma_semaphore, #tpu.memory_space<semaphore_mem>>) src(%dma_wait3A_211 : memref<128x32xf32, #tpu.memory_space<vmem>>) dst(%dma_wait3A_217 : memref<50048x32xf32, #tpu.memory_space<vmem_shared>>)
      %dma_wait3A_218 = arith.constant 2 : i32
      %dma_wait3A_219 = arith.constant 256 : i32
      %dma_wait3A_220 = arith.constant 0 : i32
      %dma_wait3A_221 = tpu.memref_slice %arg15[%dma_wait3A_219, %dma_wait3A_220] : memref<640x32xf32, #tpu.memory_space<vmem>> -> memref<128x32xf32, #tpu.memory_space<vmem>>
      %dma_wait3A_222 = arith.constant 0 : i32
      %dma_wait3A_223 = tpu.memref_slice %arg14[%dma_wait3A_218, %dma_wait3A_222] : memref<5x128xi32, #tpu.memory_space<vmem>> -> memref<1x128xi32, #tpu.memory_space<vmem>>
      %dma_wait3A_224 = tpu.memref_squeeze %dma_wait3A_223 : memref<1x128xi32, #tpu.memory_space<vmem>> -> memref<128xi32, #tpu.memory_space<vmem>>
      %dma_wait3A_225 = arith.constant 0 : i32
      %dma_wait3A_226 = arith.constant 0 : i32
      %dma_wait3A_227 = tpu.memref_slice %arg16[%dma_wait3A_225, %dma_wait3A_226] : memref<50048x32xf32, #tpu.memory_space<vmem_shared>> -> memref<50048x32xf32, #tpu.memory_space<vmem_shared>>
      tpu.wait_indirect_dma semaphore(%arg17 : memref<!tpu.dma_semaphore, #tpu.memory_space<semaphore_mem>>) src(%dma_wait3A_221 : memref<128x32xf32, #tpu.memory_space<vmem>>) dst(%dma_wait3A_227 : memref<50048x32xf32, #tpu.memory_space<vmem_shared>>)
      %dma_wait3A_228 = arith.constant 3 : i32
      %dma_wait3A_229 = arith.constant 384 : i32
      %dma_wait3A_230 = arith.constant 0 : i32
      %dma_wait3A_231 = tpu.memref_slice %arg15[%dma_wait3A_229, %dma_wait3A_230] : memref<640x32xf32, #tpu.memory_space<vmem>> -> memref<128x32xf32, #tpu.memory_space<vmem>>
      %dma_wait3A_232 = arith.constant 0 : i32
      %dma_wait3A_233 = tpu.memref_slice %arg14[%dma_wait3A_228, %dma_wait3A_232] : memref<5x128xi32, #tpu.memory_space<vmem>> -> memref<1x128xi32, #tpu.memory_space<vmem>>
      %dma_wait3A_234 = tpu.memref_squeeze %dma_wait3A_233 : memref<1x128xi32, #tpu.memory_space<vmem>> -> memref<128xi32, #tpu.memory_space<vmem>>
      %dma_wait3A_235 = arith.constant 0 : i32
      %dma_wait3A_236 = arith.constant 0 : i32
      %dma_wait3A_237 = tpu.memref_slice %arg16[%dma_wait3A_235, %dma_wait3A_236] : memref<50048x32xf32, #tpu.memory_space<vmem_shared>> -> memref<50048x32xf32, #tpu.memory_space<vmem_shared>>
      tpu.wait_indirect_dma semaphore(%arg17 : memref<!tpu.dma_semaphore, #tpu.memory_space<semaphore_mem>>) src(%dma_wait3A_231 : memref<128x32xf32, #tpu.memory_space<vmem>>) dst(%dma_wait3A_237 : memref<50048x32xf32, #tpu.memory_space<vmem_shared>>)
      %dma_wait3A_238 = arith.constant 4 : i32
      %dma_wait3A_239 = arith.constant 512 : i32
      %dma_wait3A_240 = arith.constant 0 : i32
      %dma_wait3A_241 = tpu.memref_slice %arg15[%dma_wait3A_239, %dma_wait3A_240] : memref<640x32xf32, #tpu.memory_space<vmem>> -> memref<128x32xf32, #tpu.memory_space<vmem>>
      %dma_wait3A_242 = arith.constant 0 : i32
      %dma_wait3A_243 = tpu.memref_slice %arg14[%dma_wait3A_238, %dma_wait3A_242] : memref<5x128xi32, #tpu.memory_space<vmem>> -> memref<1x128xi32, #tpu.memory_space<vmem>>
      %dma_wait3A_244 = tpu.memref_squeeze %dma_wait3A_243 : memref<1x128xi32, #tpu.memory_space<vmem>> -> memref<128xi32, #tpu.memory_space<vmem>>
      %dma_wait3A_245 = arith.constant 0 : i32
      %dma_wait3A_246 = arith.constant 0 : i32
      %dma_wait3A_247 = tpu.memref_slice %arg16[%dma_wait3A_245, %dma_wait3A_246] : memref<50048x32xf32, #tpu.memory_space<vmem_shared>> -> memref<50048x32xf32, #tpu.memory_space<vmem_shared>>
      tpu.wait_indirect_dma semaphore(%arg17 : memref<!tpu.dma_semaphore, #tpu.memory_space<semaphore_mem>>) src(%dma_wait3A_241 : memref<128x32xf32, #tpu.memory_space<vmem>>) dst(%dma_wait3A_247 : memref<50048x32xf32, #tpu.memory_space<vmem_shared>>)
    }
    %scan3A_24 = arith.constant 80 : i32
    %barrier3A_25 = arith.constant 0 : index
    tpu.barrier barrier_id(%barrier3A_25)
    %mul3A_26 = arith.constant 3128 : i32
    %mul3A_27 = arith.muli %arg1, %mul3A_26 : i32
    %mul3A_28 = arith.constant 3128 : i32
    %mul3A_29 = arith.muli %arg1, %mul3A_28 : i32
    "tpu.region"() ({
      %run_scoped3A = tpu.sem_alloc : memref<!tpu.dma_semaphore, #tpu.memory_space<semaphore_mem>>
      %dma_start3A = arith.constant 0 : i32
      %dma_start3A_47 = arith.constant 0 : i32
      %dma_start3A_48 = tpu.memref_slice %arg10[%arg0, %dma_start3A, %dma_start3A_47] : memref<2x50048x32xf32, #tpu.memory_space<hbm>> -> memref<1x50048x32xf32, #tpu.memory_space<hbm>>
      %dma_start3A_49 = tpu.memref_squeeze %dma_start3A_48 : memref<1x50048x32xf32, #tpu.memory_space<hbm>> -> memref<50048x32xf32, #tpu.memory_space<hbm>>
      %dma_start3A_50 = arith.constant 0 : i32
      %dma_start3A_51 = tpu.memref_slice %dma_start3A_49[%mul3A_29, %dma_start3A_50] : memref<50048x32xf32, #tpu.memory_space<hbm>> -> memref<3128x32xf32, #tpu.memory_space<hbm>>
      %dma_start3A_52 = arith.constant 0 : i32
      %dma_start3A_53 = tpu.memref_slice %arg16[%mul3A_27, %dma_start3A_52] : memref<50048x32xf32, #tpu.memory_space<vmem_shared>> -> memref<3128x32xf32, #tpu.memory_space<vmem_shared>>
      tpu.enqueue_dma source(%dma_start3A_53 : memref<3128x32xf32, #tpu.memory_space<vmem_shared>>) target(%dma_start3A_51 : memref<3128x32xf32, #tpu.memory_space<hbm>>) target_semaphore(%run_scoped3A : memref<!tpu.dma_semaphore, #tpu.memory_space<semaphore_mem>>)
      %dma_wait3A = arith.constant 0 : i32
      %dma_wait3A_54 = arith.constant 0 : i32
      %dma_wait3A_55 = tpu.memref_slice %arg10[%arg0, %dma_wait3A, %dma_wait3A_54] : memref<2x50048x32xf32, #tpu.memory_space<hbm>> -> memref<1x50048x32xf32, #tpu.memory_space<hbm>>
      %dma_wait3A_56 = tpu.memref_squeeze %dma_wait3A_55 : memref<1x50048x32xf32, #tpu.memory_space<hbm>> -> memref<50048x32xf32, #tpu.memory_space<hbm>>
      %dma_wait3A_57 = arith.constant 0 : i32
      %dma_wait3A_58 = tpu.memref_slice %dma_wait3A_56[%mul3A_29, %dma_wait3A_57] : memref<50048x32xf32, #tpu.memory_space<hbm>> -> memref<3128x32xf32, #tpu.memory_space<hbm>>
      %dma_wait3A_59 = arith.constant 0 : i32
      %dma_wait3A_60 = tpu.memref_slice %arg16[%mul3A_27, %dma_wait3A_59] : memref<50048x32xf32, #tpu.memory_space<vmem_shared>> -> memref<3128x32xf32, #tpu.memory_space<vmem_shared>>
      tpu.wait_dma2 semaphore(%run_scoped3A : memref<!tpu.dma_semaphore, #tpu.memory_space<semaphore_mem>>) src(%dma_wait3A_60 : memref<3128x32xf32, #tpu.memory_space<vmem_shared>>) dst(%dma_wait3A_58 : memref<3128x32xf32, #tpu.memory_space<hbm>>)
      tpu.yield
    }) : () -> ()
    %mul3A_30 = arith.constant 3128 : i32
    %mul3A_31 = arith.muli %arg1, %mul3A_30 : i32
    "tpu.region"() ({
      %run_scoped3A = tpu.sem_alloc : memref<!tpu.dma_semaphore, #tpu.memory_space<semaphore_mem>>
      %dma_start3A = arith.constant 0 : i32
      %dma_start3A_47 = tpu.memref_slice %arg16[%mul3A_31, %dma_start3A] : memref<50048x32xf32, #tpu.memory_space<vmem_shared>> -> memref<3128x32xf32, #tpu.memory_space<vmem_shared>>
      tpu.enqueue_dma source(%arg7 : memref<3128x32xf32, #tpu.memory_space<hbm>>) target(%dma_start3A_47 : memref<3128x32xf32, #tpu.memory_space<vmem_shared>>) target_semaphore(%run_scoped3A : memref<!tpu.dma_semaphore, #tpu.memory_space<semaphore_mem>>)
      %dma_wait3A = arith.constant 0 : i32
      %dma_wait3A_48 = tpu.memref_slice %arg16[%mul3A_31, %dma_wait3A] : memref<50048x32xf32, #tpu.memory_space<vmem_shared>> -> memref<3128x32xf32, #tpu.memory_space<vmem_shared>>
      tpu.wait_dma2 semaphore(%run_scoped3A : memref<!tpu.dma_semaphore, #tpu.memory_space<semaphore_mem>>) src(%arg7 : memref<3128x32xf32, #tpu.memory_space<hbm>>) dst(%dma_wait3A_48 : memref<3128x32xf32, #tpu.memory_space<vmem_shared>>)
      tpu.yield
    }) : () -> ()
    %barrier3A_32 = arith.constant 0 : index
    tpu.barrier barrier_id(%barrier3A_32)
    %mul3A_33 = arith.constant 400 : i32
    %mul3A_34 = arith.muli %arg1, %mul3A_33 : i32
    %scan3A_35 = arith.constant 0 : i32
    %scan3A_36 = arith.constant 1 : i32
    %scan3A_37 = arith.constant 0 : i32
    %scan3A_38 = arith.constant 80 : i32
    %scan3A_39 = arith.addi %scan3A_37, %scan3A_38 : i32
    %scan3A_40 = arith.constant 1 : i32
    scf.for %scan3A_47 = %scan3A_37 to %scan3A_39 step %scan3A_40  : i32 {
      %mul3A_48 = arith.constant 5 : i32
      %mul3A_49 = arith.muli %scan3A_47, %mul3A_48 : i32
      %add3A = arith.addi %mul3A_34, %mul3A_49 : i32
      "tpu.region"() ({
        %run_scoped3A = tpu.sem_alloc : memref<!tpu.dma_semaphore, #tpu.memory_space<semaphore_mem>>
        %dma_start3A_248 = arith.constant 0 : i32
        %dma_start3A_249 = arith.constant 0 : i32
        %dma_start3A_250 = tpu.memref_slice %arg5[%arg0, %dma_start3A_248, %dma_start3A_249] : memref<2x6400x128xi32, #tpu.memory_space<hbm>> -> memref<1x6400x128xi32, #tpu.memory_space<hbm>>
        %dma_start3A_251 = tpu.memref_squeeze %dma_start3A_250 : memref<1x6400x128xi32, #tpu.memory_space<hbm>> -> memref<6400x128xi32, #tpu.memory_space<hbm>>
        %dma_start3A_252 = arith.constant 0 : i32
        %dma_start3A_253 = tpu.memref_slice %dma_start3A_251[%add3A, %dma_start3A_252] : memref<6400x128xi32, #tpu.memory_space<hbm>> -> memref<5x128xi32, #tpu.memory_space<hbm>>
        %dma_start3A_254 = arith.constant 0 : i32
        %dma_start3A_255 = arith.constant 0 : i32
        %dma_start3A_256 = tpu.memref_slice %arg5[%arg0, %dma_start3A_254, %dma_start3A_255] : memref<2x6400x128xi32, #tpu.memory_space<hbm>> -> memref<1x6400x128xi32, #tpu.memory_space<hbm>>
        %dma_start3A_257 = tpu.memref_squeeze %dma_start3A_256 : memref<1x6400x128xi32, #tpu.memory_space<hbm>> -> memref<6400x128xi32, #tpu.memory_space<hbm>>
        %dma_start3A_258 = arith.constant 0 : i32
        %dma_start3A_259 = tpu.memref_slice %dma_start3A_257[%add3A, %dma_start3A_258] : memref<6400x128xi32, #tpu.memory_space<hbm>> -> memref<5x128xi32, #tpu.memory_space<hbm>>
        tpu.enqueue_dma source(%dma_start3A_259 : memref<5x128xi32, #tpu.memory_space<hbm>>) target(%arg13 : memref<5x128xi32, #tpu.memory_space<vmem>>) target_semaphore(%run_scoped3A : memref<!tpu.dma_semaphore, #tpu.memory_space<semaphore_mem>>)
        %dma_wait3A_260 = arith.constant 0 : i32
        %dma_wait3A_261 = arith.constant 0 : i32
        %dma_wait3A_262 = tpu.memref_slice %arg5[%arg0, %dma_wait3A_260, %dma_wait3A_261] : memref<2x6400x128xi32, #tpu.memory_space<hbm>> -> memref<1x6400x128xi32, #tpu.memory_space<hbm>>
        %dma_wait3A_263 = tpu.memref_squeeze %dma_wait3A_262 : memref<1x6400x128xi32, #tpu.memory_space<hbm>> -> memref<6400x128xi32, #tpu.memory_space<hbm>>
        %dma_wait3A_264 = arith.constant 0 : i32
        %dma_wait3A_265 = tpu.memref_slice %dma_wait3A_263[%add3A, %dma_wait3A_264] : memref<6400x128xi32, #tpu.memory_space<hbm>> -> memref<5x128xi32, #tpu.memory_space<hbm>>
        %dma_wait3A_266 = arith.constant 0 : i32
        %dma_wait3A_267 = arith.constant 0 : i32
        %dma_wait3A_268 = tpu.memref_slice %arg5[%arg0, %dma_wait3A_266, %dma_wait3A_267] : memref<2x6400x128xi32, #tpu.memory_space<hbm>> -> memref<1x6400x128xi32, #tpu.memory_space<hbm>>
        %dma_wait3A_269 = tpu.memref_squeeze %dma_wait3A_268 : memref<1x6400x128xi32, #tpu.memory_space<hbm>> -> memref<6400x128xi32, #tpu.memory_space<hbm>>
        %dma_wait3A_270 = arith.constant 0 : i32
        %dma_wait3A_271 = tpu.memref_slice %dma_wait3A_269[%add3A, %dma_wait3A_270] : memref<6400x128xi32, #tpu.memory_space<hbm>> -> memref<5x128xi32, #tpu.memory_space<hbm>>
        tpu.wait_dma2 semaphore(%run_scoped3A : memref<!tpu.dma_semaphore, #tpu.memory_space<semaphore_mem>>) src(%dma_wait3A_271 : memref<5x128xi32, #tpu.memory_space<hbm>>) dst(%arg13 : memref<5x128xi32, #tpu.memory_space<vmem>>)
        tpu.yield
      }) : () -> ()
      "tpu.region"() ({
        %run_scoped3A = tpu.sem_alloc : memref<!tpu.dma_semaphore, #tpu.memory_space<semaphore_mem>>
        %dma_start3A_248 = arith.constant 0 : i32
        %dma_start3A_249 = arith.constant 0 : i32
        %dma_start3A_250 = tpu.memref_slice %arg6[%scan3A_36, %dma_start3A_248, %dma_start3A_249] : memref<2x6400x128xi32, #tpu.memory_space<hbm>> -> memref<1x6400x128xi32, #tpu.memory_space<hbm>>
        %dma_start3A_251 = tpu.memref_squeeze %dma_start3A_250 : memref<1x6400x128xi32, #tpu.memory_space<hbm>> -> memref<6400x128xi32, #tpu.memory_space<hbm>>
        %dma_start3A_252 = arith.constant 0 : i32
        %dma_start3A_253 = tpu.memref_slice %dma_start3A_251[%add3A, %dma_start3A_252] : memref<6400x128xi32, #tpu.memory_space<hbm>> -> memref<5x128xi32, #tpu.memory_space<hbm>>
        %dma_start3A_254 = arith.constant 0 : i32
        %dma_start3A_255 = arith.constant 0 : i32
        %dma_start3A_256 = tpu.memref_slice %arg6[%scan3A_36, %dma_start3A_254, %dma_start3A_255] : memref<2x6400x128xi32, #tpu.memory_space<hbm>> -> memref<1x6400x128xi32, #tpu.memory_space<hbm>>
        %dma_start3A_257 = tpu.memref_squeeze %dma_start3A_256 : memref<1x6400x128xi32, #tpu.memory_space<hbm>> -> memref<6400x128xi32, #tpu.memory_space<hbm>>
        %dma_start3A_258 = arith.constant 0 : i32
        %dma_start3A_259 = tpu.memref_slice %dma_start3A_257[%add3A, %dma_start3A_258] : memref<6400x128xi32, #tpu.memory_space<hbm>> -> memref<5x128xi32, #tpu.memory_space<hbm>>
        tpu.enqueue_dma source(%dma_start3A_259 : memref<5x128xi32, #tpu.memory_space<hbm>>) target(%arg14 : memref<5x128xi32, #tpu.memory_space<vmem>>) target_semaphore(%run_scoped3A : memref<!tpu.dma_semaphore, #tpu.memory_space<semaphore_mem>>)
        %dma_wait3A_260 = arith.constant 0 : i32
        %dma_wait3A_261 = arith.constant 0 : i32
        %dma_wait3A_262 = tpu.memref_slice %arg6[%scan3A_36, %dma_wait3A_260, %dma_wait3A_261] : memref<2x6400x128xi32, #tpu.memory_space<hbm>> -> memref<1x6400x128xi32, #tpu.memory_space<hbm>>
        %dma_wait3A_263 = tpu.memref_squeeze %dma_wait3A_262 : memref<1x6400x128xi32, #tpu.memory_space<hbm>> -> memref<6400x128xi32, #tpu.memory_space<hbm>>
        %dma_wait3A_264 = arith.constant 0 : i32
        %dma_wait3A_265 = tpu.memref_slice %dma_wait3A_263[%add3A, %dma_wait3A_264] : memref<6400x128xi32, #tpu.memory_space<hbm>> -> memref<5x128xi32, #tpu.memory_space<hbm>>
        %dma_wait3A_266 = arith.constant 0 : i32
        %dma_wait3A_267 = arith.constant 0 : i32
        %dma_wait3A_268 = tpu.memref_slice %arg6[%scan3A_36, %dma_wait3A_266, %dma_wait3A_267] : memref<2x6400x128xi32, #tpu.memory_space<hbm>> -> memref<1x6400x128xi32, #tpu.memory_space<hbm>>
        %dma_wait3A_269 = tpu.memref_squeeze %dma_wait3A_268 : memref<1x6400x128xi32, #tpu.memory_space<hbm>> -> memref<6400x128xi32, #tpu.memory_space<hbm>>
        %dma_wait3A_270 = arith.constant 0 : i32
        %dma_wait3A_271 = tpu.memref_slice %dma_wait3A_269[%add3A, %dma_wait3A_270] : memref<6400x128xi32, #tpu.memory_space<hbm>> -> memref<5x128xi32, #tpu.memory_space<hbm>>
        tpu.wait_dma2 semaphore(%run_scoped3A : memref<!tpu.dma_semaphore, #tpu.memory_space<semaphore_mem>>) src(%dma_wait3A_271 : memref<5x128xi32, #tpu.memory_space<hbm>>) dst(%arg14 : memref<5x128xi32, #tpu.memory_space<vmem>>)
        tpu.yield
      }) : () -> ()
      %dma_start3A = arith.constant 0 : i32
      %dma_start3A_50 = arith.constant 0 : i32
      %dma_start3A_51 = arith.constant 0 : i32
      %dma_start3A_52 = tpu.memref_slice %arg15[%dma_start3A_50, %dma_start3A_51] : memref<640x32xf32, #tpu.memory_space<vmem>> -> memref<128x32xf32, #tpu.memory_space<vmem>>
      %dma_start3A_53 = arith.constant 0 : i32
      %dma_start3A_54 = tpu.memref_slice %arg13[%dma_start3A, %dma_start3A_53] : memref<5x128xi32, #tpu.memory_space<vmem>> -> memref<1x128xi32, #tpu.memory_space<vmem>>
      %dma_start3A_55 = tpu.memref_squeeze %dma_start3A_54 : memref<1x128xi32, #tpu.memory_space<vmem>> -> memref<128xi32, #tpu.memory_space<vmem>>
      %dma_start3A_56 = arith.constant 0 : i32
      %dma_start3A_57 = arith.constant 0 : i32
      %dma_start3A_58 = tpu.memref_slice %arg3[%dma_start3A_56, %dma_start3A_57] : memref<100000x32xf32, #tpu.memory_space<hbm>> -> memref<100000x32xf32, #tpu.memory_space<hbm>>
      tpu.enqueue_indirect_dma source(%dma_start3A_58 : memref<100000x32xf32, #tpu.memory_space<hbm>>) target(%dma_start3A_52 : memref<128x32xf32, #tpu.memory_space<vmem>>) offsets(%dma_start3A_55 : memref<128xi32, #tpu.memory_space<vmem>>) semaphore(%arg17 : memref<!tpu.dma_semaphore, #tpu.memory_space<semaphore_mem>>)
      %dma_start3A_59 = arith.constant 1 : i32
      %dma_start3A_60 = arith.constant 128 : i32
      %dma_start3A_61 = arith.constant 0 : i32
      %dma_start3A_62 = tpu.memref_slice %arg15[%dma_start3A_60, %dma_start3A_61] : memref<640x32xf32, #tpu.memory_space<vmem>> -> memref<128x32xf32, #tpu.memory_space<vmem>>
      %dma_start3A_63 = arith.constant 0 : i32
      %dma_start3A_64 = tpu.memref_slice %arg13[%dma_start3A_59, %dma_start3A_63] : memref<5x128xi32, #tpu.memory_space<vmem>> -> memref<1x128xi32, #tpu.memory_space<vmem>>
      %dma_start3A_65 = tpu.memref_squeeze %dma_start3A_64 : memref<1x128xi32, #tpu.memory_space<vmem>> -> memref<128xi32, #tpu.memory_space<vmem>>
      %dma_start3A_66 = arith.constant 0 : i32
      %dma_start3A_67 = arith.constant 0 : i32
      %dma_start3A_68 = tpu.memref_slice %arg3[%dma_start3A_66, %dma_start3A_67] : memref<100000x32xf32, #tpu.memory_space<hbm>> -> memref<100000x32xf32, #tpu.memory_space<hbm>>
      tpu.enqueue_indirect_dma source(%dma_start3A_68 : memref<100000x32xf32, #tpu.memory_space<hbm>>) target(%dma_start3A_62 : memref<128x32xf32, #tpu.memory_space<vmem>>) offsets(%dma_start3A_65 : memref<128xi32, #tpu.memory_space<vmem>>) semaphore(%arg17 : memref<!tpu.dma_semaphore, #tpu.memory_space<semaphore_mem>>)
      %dma_start3A_69 = arith.constant 2 : i32
      %dma_start3A_70 = arith.constant 256 : i32
      %dma_start3A_71 = arith.constant 0 : i32
      %dma_start3A_72 = tpu.memref_slice %arg15[%dma_start3A_70, %dma_start3A_71] : memref<640x32xf32, #tpu.memory_space<vmem>> -> memref<128x32xf32, #tpu.memory_space<vmem>>
      %dma_start3A_73 = arith.constant 0 : i32
      %dma_start3A_74 = tpu.memref_slice %arg13[%dma_start3A_69, %dma_start3A_73] : memref<5x128xi32, #tpu.memory_space<vmem>> -> memref<1x128xi32, #tpu.memory_space<vmem>>
      %dma_start3A_75 = tpu.memref_squeeze %dma_start3A_74 : memref<1x128xi32, #tpu.memory_space<vmem>> -> memref<128xi32, #tpu.memory_space<vmem>>
      %dma_start3A_76 = arith.constant 0 : i32
      %dma_start3A_77 = arith.constant 0 : i32
      %dma_start3A_78 = tpu.memref_slice %arg3[%dma_start3A_76, %dma_start3A_77] : memref<100000x32xf32, #tpu.memory_space<hbm>> -> memref<100000x32xf32, #tpu.memory_space<hbm>>
      tpu.enqueue_indirect_dma source(%dma_start3A_78 : memref<100000x32xf32, #tpu.memory_space<hbm>>) target(%dma_start3A_72 : memref<128x32xf32, #tpu.memory_space<vmem>>) offsets(%dma_start3A_75 : memref<128xi32, #tpu.memory_space<vmem>>) semaphore(%arg17 : memref<!tpu.dma_semaphore, #tpu.memory_space<semaphore_mem>>)
      %dma_start3A_79 = arith.constant 3 : i32
      %dma_start3A_80 = arith.constant 384 : i32
      %dma_start3A_81 = arith.constant 0 : i32
      %dma_start3A_82 = tpu.memref_slice %arg15[%dma_start3A_80, %dma_start3A_81] : memref<640x32xf32, #tpu.memory_space<vmem>> -> memref<128x32xf32, #tpu.memory_space<vmem>>
      %dma_start3A_83 = arith.constant 0 : i32
      %dma_start3A_84 = tpu.memref_slice %arg13[%dma_start3A_79, %dma_start3A_83] : memref<5x128xi32, #tpu.memory_space<vmem>> -> memref<1x128xi32, #tpu.memory_space<vmem>>
      %dma_start3A_85 = tpu.memref_squeeze %dma_start3A_84 : memref<1x128xi32, #tpu.memory_space<vmem>> -> memref<128xi32, #tpu.memory_space<vmem>>
      %dma_start3A_86 = arith.constant 0 : i32
      %dma_start3A_87 = arith.constant 0 : i32
      %dma_start3A_88 = tpu.memref_slice %arg3[%dma_start3A_86, %dma_start3A_87] : memref<100000x32xf32, #tpu.memory_space<hbm>> -> memref<100000x32xf32, #tpu.memory_space<hbm>>
      tpu.enqueue_indirect_dma source(%dma_start3A_88 : memref<100000x32xf32, #tpu.memory_space<hbm>>) target(%dma_start3A_82 : memref<128x32xf32, #tpu.memory_space<vmem>>) offsets(%dma_start3A_85 : memref<128xi32, #tpu.memory_space<vmem>>) semaphore(%arg17 : memref<!tpu.dma_semaphore, #tpu.memory_space<semaphore_mem>>)
      %dma_start3A_89 = arith.constant 4 : i32
      %dma_start3A_90 = arith.constant 512 : i32
      %dma_start3A_91 = arith.constant 0 : i32
      %dma_start3A_92 = tpu.memref_slice %arg15[%dma_start3A_90, %dma_start3A_91] : memref<640x32xf32, #tpu.memory_space<vmem>> -> memref<128x32xf32, #tpu.memory_space<vmem>>
      %dma_start3A_93 = arith.constant 0 : i32
      %dma_start3A_94 = tpu.memref_slice %arg13[%dma_start3A_89, %dma_start3A_93] : memref<5x128xi32, #tpu.memory_space<vmem>> -> memref<1x128xi32, #tpu.memory_space<vmem>>
      %dma_start3A_95 = tpu.memref_squeeze %dma_start3A_94 : memref<1x128xi32, #tpu.memory_space<vmem>> -> memref<128xi32, #tpu.memory_space<vmem>>
      %dma_start3A_96 = arith.constant 0 : i32
      %dma_start3A_97 = arith.constant 0 : i32
      %dma_start3A_98 = tpu.memref_slice %arg3[%dma_start3A_96, %dma_start3A_97] : memref<100000x32xf32, #tpu.memory_space<hbm>> -> memref<100000x32xf32, #tpu.memory_space<hbm>>
      tpu.enqueue_indirect_dma source(%dma_start3A_98 : memref<100000x32xf32, #tpu.memory_space<hbm>>) target(%dma_start3A_92 : memref<128x32xf32, #tpu.memory_space<vmem>>) offsets(%dma_start3A_95 : memref<128xi32, #tpu.memory_space<vmem>>) semaphore(%arg17 : memref<!tpu.dma_semaphore, #tpu.memory_space<semaphore_mem>>)
      %dma_wait3A = arith.constant 0 : i32
      %dma_wait3A_99 = arith.constant 0 : i32
      %dma_wait3A_100 = arith.constant 0 : i32
      %dma_wait3A_101 = tpu.memref_slice %arg15[%dma_wait3A_99, %dma_wait3A_100] : memref<640x32xf32, #tpu.memory_space<vmem>> -> memref<128x32xf32, #tpu.memory_space<vmem>>
      %dma_wait3A_102 = arith.constant 0 : i32
      %dma_wait3A_103 = tpu.memref_slice %arg13[%dma_wait3A, %dma_wait3A_102] : memref<5x128xi32, #tpu.memory_space<vmem>> -> memref<1x128xi32, #tpu.memory_space<vmem>>
      %dma_wait3A_104 = tpu.memref_squeeze %dma_wait3A_103 : memref<1x128xi32, #tpu.memory_space<vmem>> -> memref<128xi32, #tpu.memory_space<vmem>>
      %dma_wait3A_105 = arith.constant 0 : i32
      %dma_wait3A_106 = arith.constant 0 : i32
      %dma_wait3A_107 = tpu.memref_slice %arg3[%dma_wait3A_105, %dma_wait3A_106] : memref<100000x32xf32, #tpu.memory_space<hbm>> -> memref<100000x32xf32, #tpu.memory_space<hbm>>
      tpu.wait_indirect_dma semaphore(%arg17 : memref<!tpu.dma_semaphore, #tpu.memory_space<semaphore_mem>>) src(%dma_wait3A_107 : memref<100000x32xf32, #tpu.memory_space<hbm>>) dst(%dma_wait3A_101 : memref<128x32xf32, #tpu.memory_space<vmem>>)
      %dma_wait3A_108 = arith.constant 1 : i32
      %dma_wait3A_109 = arith.constant 128 : i32
      %dma_wait3A_110 = arith.constant 0 : i32
      %dma_wait3A_111 = tpu.memref_slice %arg15[%dma_wait3A_109, %dma_wait3A_110] : memref<640x32xf32, #tpu.memory_space<vmem>> -> memref<128x32xf32, #tpu.memory_space<vmem>>
      %dma_wait3A_112 = arith.constant 0 : i32
      %dma_wait3A_113 = tpu.memref_slice %arg13[%dma_wait3A_108, %dma_wait3A_112] : memref<5x128xi32, #tpu.memory_space<vmem>> -> memref<1x128xi32, #tpu.memory_space<vmem>>
      %dma_wait3A_114 = tpu.memref_squeeze %dma_wait3A_113 : memref<1x128xi32, #tpu.memory_space<vmem>> -> memref<128xi32, #tpu.memory_space<vmem>>
      %dma_wait3A_115 = arith.constant 0 : i32
      %dma_wait3A_116 = arith.constant 0 : i32
      %dma_wait3A_117 = tpu.memref_slice %arg3[%dma_wait3A_115, %dma_wait3A_116] : memref<100000x32xf32, #tpu.memory_space<hbm>> -> memref<100000x32xf32, #tpu.memory_space<hbm>>
      tpu.wait_indirect_dma semaphore(%arg17 : memref<!tpu.dma_semaphore, #tpu.memory_space<semaphore_mem>>) src(%dma_wait3A_117 : memref<100000x32xf32, #tpu.memory_space<hbm>>) dst(%dma_wait3A_111 : memref<128x32xf32, #tpu.memory_space<vmem>>)
      %dma_wait3A_118 = arith.constant 2 : i32
      %dma_wait3A_119 = arith.constant 256 : i32
      %dma_wait3A_120 = arith.constant 0 : i32
      %dma_wait3A_121 = tpu.memref_slice %arg15[%dma_wait3A_119, %dma_wait3A_120] : memref<640x32xf32, #tpu.memory_space<vmem>> -> memref<128x32xf32, #tpu.memory_space<vmem>>
      %dma_wait3A_122 = arith.constant 0 : i32
      %dma_wait3A_123 = tpu.memref_slice %arg13[%dma_wait3A_118, %dma_wait3A_122] : memref<5x128xi32, #tpu.memory_space<vmem>> -> memref<1x128xi32, #tpu.memory_space<vmem>>
      %dma_wait3A_124 = tpu.memref_squeeze %dma_wait3A_123 : memref<1x128xi32, #tpu.memory_space<vmem>> -> memref<128xi32, #tpu.memory_space<vmem>>
      %dma_wait3A_125 = arith.constant 0 : i32
      %dma_wait3A_126 = arith.constant 0 : i32
      %dma_wait3A_127 = tpu.memref_slice %arg3[%dma_wait3A_125, %dma_wait3A_126] : memref<100000x32xf32, #tpu.memory_space<hbm>> -> memref<100000x32xf32, #tpu.memory_space<hbm>>
      tpu.wait_indirect_dma semaphore(%arg17 : memref<!tpu.dma_semaphore, #tpu.memory_space<semaphore_mem>>) src(%dma_wait3A_127 : memref<100000x32xf32, #tpu.memory_space<hbm>>) dst(%dma_wait3A_121 : memref<128x32xf32, #tpu.memory_space<vmem>>)
      %dma_wait3A_128 = arith.constant 3 : i32
      %dma_wait3A_129 = arith.constant 384 : i32
      %dma_wait3A_130 = arith.constant 0 : i32
      %dma_wait3A_131 = tpu.memref_slice %arg15[%dma_wait3A_129, %dma_wait3A_130] : memref<640x32xf32, #tpu.memory_space<vmem>> -> memref<128x32xf32, #tpu.memory_space<vmem>>
      %dma_wait3A_132 = arith.constant 0 : i32
      %dma_wait3A_133 = tpu.memref_slice %arg13[%dma_wait3A_128, %dma_wait3A_132] : memref<5x128xi32, #tpu.memory_space<vmem>> -> memref<1x128xi32, #tpu.memory_space<vmem>>
      %dma_wait3A_134 = tpu.memref_squeeze %dma_wait3A_133 : memref<1x128xi32, #tpu.memory_space<vmem>> -> memref<128xi32, #tpu.memory_space<vmem>>
      %dma_wait3A_135 = arith.constant 0 : i32
      %dma_wait3A_136 = arith.constant 0 : i32
      %dma_wait3A_137 = tpu.memref_slice %arg3[%dma_wait3A_135, %dma_wait3A_136] : memref<100000x32xf32, #tpu.memory_space<hbm>> -> memref<100000x32xf32, #tpu.memory_space<hbm>>
      tpu.wait_indirect_dma semaphore(%arg17 : memref<!tpu.dma_semaphore, #tpu.memory_space<semaphore_mem>>) src(%dma_wait3A_137 : memref<100000x32xf32, #tpu.memory_space<hbm>>) dst(%dma_wait3A_131 : memref<128x32xf32, #tpu.memory_space<vmem>>)
      %dma_wait3A_138 = arith.constant 4 : i32
      %dma_wait3A_139 = arith.constant 512 : i32
      %dma_wait3A_140 = arith.constant 0 : i32
      %dma_wait3A_141 = tpu.memref_slice %arg15[%dma_wait3A_139, %dma_wait3A_140] : memref<640x32xf32, #tpu.memory_space<vmem>> -> memref<128x32xf32, #tpu.memory_space<vmem>>
      %dma_wait3A_142 = arith.constant 0 : i32
      %dma_wait3A_143 = tpu.memref_slice %arg13[%dma_wait3A_138, %dma_wait3A_142] : memref<5x128xi32, #tpu.memory_space<vmem>> -> memref<1x128xi32, #tpu.memory_space<vmem>>
      %dma_wait3A_144 = tpu.memref_squeeze %dma_wait3A_143 : memref<1x128xi32, #tpu.memory_space<vmem>> -> memref<128xi32, #tpu.memory_space<vmem>>
      %dma_wait3A_145 = arith.constant 0 : i32
      %dma_wait3A_146 = arith.constant 0 : i32
      %dma_wait3A_147 = tpu.memref_slice %arg3[%dma_wait3A_145, %dma_wait3A_146] : memref<100000x32xf32, #tpu.memory_space<hbm>> -> memref<100000x32xf32, #tpu.memory_space<hbm>>
      tpu.wait_indirect_dma semaphore(%arg17 : memref<!tpu.dma_semaphore, #tpu.memory_space<semaphore_mem>>) src(%dma_wait3A_147 : memref<100000x32xf32, #tpu.memory_space<hbm>>) dst(%dma_wait3A_141 : memref<128x32xf32, #tpu.memory_space<vmem>>)
      %dma_start3A_148 = arith.constant 0 : i32
      %dma_start3A_149 = arith.constant 0 : i32
      %dma_start3A_150 = arith.constant 0 : i32
      %dma_start3A_151 = tpu.memref_slice %arg15[%dma_start3A_149, %dma_start3A_150] : memref<640x32xf32, #tpu.memory_space<vmem>> -> memref<128x32xf32, #tpu.memory_space<vmem>>
      %dma_start3A_152 = arith.constant 0 : i32
      %dma_start3A_153 = tpu.memref_slice %arg14[%dma_start3A_148, %dma_start3A_152] : memref<5x128xi32, #tpu.memory_space<vmem>> -> memref<1x128xi32, #tpu.memory_space<vmem>>
      %dma_start3A_154 = tpu.memref_squeeze %dma_start3A_153 : memref<1x128xi32, #tpu.memory_space<vmem>> -> memref<128xi32, #tpu.memory_space<vmem>>
      %dma_start3A_155 = arith.constant 0 : i32
      %dma_start3A_156 = arith.constant 0 : i32
      %dma_start3A_157 = tpu.memref_slice %arg16[%dma_start3A_155, %dma_start3A_156] : memref<50048x32xf32, #tpu.memory_space<vmem_shared>> -> memref<50048x32xf32, #tpu.memory_space<vmem_shared>>
      tpu.enqueue_indirect_dma source(%dma_start3A_151 : memref<128x32xf32, #tpu.memory_space<vmem>>) target(%dma_start3A_157 : memref<50048x32xf32, #tpu.memory_space<vmem_shared>>) offsets(%dma_start3A_154 : memref<128xi32, #tpu.memory_space<vmem>>) semaphore(%arg17 : memref<!tpu.dma_semaphore, #tpu.memory_space<semaphore_mem>>) {add = true}
      %dma_start3A_158 = arith.constant 1 : i32
      %dma_start3A_159 = arith.constant 128 : i32
      %dma_start3A_160 = arith.constant 0 : i32
      %dma_start3A_161 = tpu.memref_slice %arg15[%dma_start3A_159, %dma_start3A_160] : memref<640x32xf32, #tpu.memory_space<vmem>> -> memref<128x32xf32, #tpu.memory_space<vmem>>
      %dma_start3A_162 = arith.constant 0 : i32
      %dma_start3A_163 = tpu.memref_slice %arg14[%dma_start3A_158, %dma_start3A_162] : memref<5x128xi32, #tpu.memory_space<vmem>> -> memref<1x128xi32, #tpu.memory_space<vmem>>
      %dma_start3A_164 = tpu.memref_squeeze %dma_start3A_163 : memref<1x128xi32, #tpu.memory_space<vmem>> -> memref<128xi32, #tpu.memory_space<vmem>>
      %dma_start3A_165 = arith.constant 0 : i32
      %dma_start3A_166 = arith.constant 0 : i32
      %dma_start3A_167 = tpu.memref_slice %arg16[%dma_start3A_165, %dma_start3A_166] : memref<50048x32xf32, #tpu.memory_space<vmem_shared>> -> memref<50048x32xf32, #tpu.memory_space<vmem_shared>>
      tpu.enqueue_indirect_dma source(%dma_start3A_161 : memref<128x32xf32, #tpu.memory_space<vmem>>) target(%dma_start3A_167 : memref<50048x32xf32, #tpu.memory_space<vmem_shared>>) offsets(%dma_start3A_164 : memref<128xi32, #tpu.memory_space<vmem>>) semaphore(%arg17 : memref<!tpu.dma_semaphore, #tpu.memory_space<semaphore_mem>>) {add = true}
      %dma_start3A_168 = arith.constant 2 : i32
      %dma_start3A_169 = arith.constant 256 : i32
      %dma_start3A_170 = arith.constant 0 : i32
      %dma_start3A_171 = tpu.memref_slice %arg15[%dma_start3A_169, %dma_start3A_170] : memref<640x32xf32, #tpu.memory_space<vmem>> -> memref<128x32xf32, #tpu.memory_space<vmem>>
      %dma_start3A_172 = arith.constant 0 : i32
      %dma_start3A_173 = tpu.memref_slice %arg14[%dma_start3A_168, %dma_start3A_172] : memref<5x128xi32, #tpu.memory_space<vmem>> -> memref<1x128xi32, #tpu.memory_space<vmem>>
      %dma_start3A_174 = tpu.memref_squeeze %dma_start3A_173 : memref<1x128xi32, #tpu.memory_space<vmem>> -> memref<128xi32, #tpu.memory_space<vmem>>
      %dma_start3A_175 = arith.constant 0 : i32
      %dma_start3A_176 = arith.constant 0 : i32
      %dma_start3A_177 = tpu.memref_slice %arg16[%dma_start3A_175, %dma_start3A_176] : memref<50048x32xf32, #tpu.memory_space<vmem_shared>> -> memref<50048x32xf32, #tpu.memory_space<vmem_shared>>
      tpu.enqueue_indirect_dma source(%dma_start3A_171 : memref<128x32xf32, #tpu.memory_space<vmem>>) target(%dma_start3A_177 : memref<50048x32xf32, #tpu.memory_space<vmem_shared>>) offsets(%dma_start3A_174 : memref<128xi32, #tpu.memory_space<vmem>>) semaphore(%arg17 : memref<!tpu.dma_semaphore, #tpu.memory_space<semaphore_mem>>) {add = true}
      %dma_start3A_178 = arith.constant 3 : i32
      %dma_start3A_179 = arith.constant 384 : i32
      %dma_start3A_180 = arith.constant 0 : i32
      %dma_start3A_181 = tpu.memref_slice %arg15[%dma_start3A_179, %dma_start3A_180] : memref<640x32xf32, #tpu.memory_space<vmem>> -> memref<128x32xf32, #tpu.memory_space<vmem>>
      %dma_start3A_182 = arith.constant 0 : i32
      %dma_start3A_183 = tpu.memref_slice %arg14[%dma_start3A_178, %dma_start3A_182] : memref<5x128xi32, #tpu.memory_space<vmem>> -> memref<1x128xi32, #tpu.memory_space<vmem>>
      %dma_start3A_184 = tpu.memref_squeeze %dma_start3A_183 : memref<1x128xi32, #tpu.memory_space<vmem>> -> memref<128xi32, #tpu.memory_space<vmem>>
      %dma_start3A_185 = arith.constant 0 : i32
      %dma_start3A_186 = arith.constant 0 : i32
      %dma_start3A_187 = tpu.memref_slice %arg16[%dma_start3A_185, %dma_start3A_186] : memref<50048x32xf32, #tpu.memory_space<vmem_shared>> -> memref<50048x32xf32, #tpu.memory_space<vmem_shared>>
      tpu.enqueue_indirect_dma source(%dma_start3A_181 : memref<128x32xf32, #tpu.memory_space<vmem>>) target(%dma_start3A_187 : memref<50048x32xf32, #tpu.memory_space<vmem_shared>>) offsets(%dma_start3A_184 : memref<128xi32, #tpu.memory_space<vmem>>) semaphore(%arg17 : memref<!tpu.dma_semaphore, #tpu.memory_space<semaphore_mem>>) {add = true}
      %dma_start3A_188 = arith.constant 4 : i32
      %dma_start3A_189 = arith.constant 512 : i32
      %dma_start3A_190 = arith.constant 0 : i32
      %dma_start3A_191 = tpu.memref_slice %arg15[%dma_start3A_189, %dma_start3A_190] : memref<640x32xf32, #tpu.memory_space<vmem>> -> memref<128x32xf32, #tpu.memory_space<vmem>>
      %dma_start3A_192 = arith.constant 0 : i32
      %dma_start3A_193 = tpu.memref_slice %arg14[%dma_start3A_188, %dma_start3A_192] : memref<5x128xi32, #tpu.memory_space<vmem>> -> memref<1x128xi32, #tpu.memory_space<vmem>>
      %dma_start3A_194 = tpu.memref_squeeze %dma_start3A_193 : memref<1x128xi32, #tpu.memory_space<vmem>> -> memref<128xi32, #tpu.memory_space<vmem>>
      %dma_start3A_195 = arith.constant 0 : i32
      %dma_start3A_196 = arith.constant 0 : i32
      %dma_start3A_197 = tpu.memref_slice %arg16[%dma_start3A_195, %dma_start3A_196] : memref<50048x32xf32, #tpu.memory_space<vmem_shared>> -> memref<50048x32xf32, #tpu.memory_space<vmem_shared>>
      tpu.enqueue_indirect_dma source(%dma_start3A_191 : memref<128x32xf32, #tpu.memory_space<vmem>>) target(%dma_start3A_197 : memref<50048x32xf32, #tpu.memory_space<vmem_shared>>) offsets(%dma_start3A_194 : memref<128xi32, #tpu.memory_space<vmem>>) semaphore(%arg17 : memref<!tpu.dma_semaphore, #tpu.memory_space<semaphore_mem>>) {add = true}
      %dma_wait3A_198 = arith.constant 0 : i32
      %dma_wait3A_199 = arith.constant 0 : i32
      %dma_wait3A_200 = arith.constant 0 : i32
      %dma_wait3A_201 = tpu.memref_slice %arg15[%dma_wait3A_199, %dma_wait3A_200] : memref<640x32xf32, #tpu.memory_space<vmem>> -> memref<128x32xf32, #tpu.memory_space<vmem>>
      %dma_wait3A_202 = arith.constant 0 : i32
      %dma_wait3A_203 = tpu.memref_slice %arg14[%dma_wait3A_198, %dma_wait3A_202] : memref<5x128xi32, #tpu.memory_space<vmem>> -> memref<1x128xi32, #tpu.memory_space<vmem>>
      %dma_wait3A_204 = tpu.memref_squeeze %dma_wait3A_203 : memref<1x128xi32, #tpu.memory_space<vmem>> -> memref<128xi32, #tpu.memory_space<vmem>>
      %dma_wait3A_205 = arith.constant 0 : i32
      %dma_wait3A_206 = arith.constant 0 : i32
      %dma_wait3A_207 = tpu.memref_slice %arg16[%dma_wait3A_205, %dma_wait3A_206] : memref<50048x32xf32, #tpu.memory_space<vmem_shared>> -> memref<50048x32xf32, #tpu.memory_space<vmem_shared>>
      tpu.wait_indirect_dma semaphore(%arg17 : memref<!tpu.dma_semaphore, #tpu.memory_space<semaphore_mem>>) src(%dma_wait3A_201 : memref<128x32xf32, #tpu.memory_space<vmem>>) dst(%dma_wait3A_207 : memref<50048x32xf32, #tpu.memory_space<vmem_shared>>)
      %dma_wait3A_208 = arith.constant 1 : i32
      %dma_wait3A_209 = arith.constant 128 : i32
      %dma_wait3A_210 = arith.constant 0 : i32
      %dma_wait3A_211 = tpu.memref_slice %arg15[%dma_wait3A_209, %dma_wait3A_210] : memref<640x32xf32, #tpu.memory_space<vmem>> -> memref<128x32xf32, #tpu.memory_space<vmem>>
      %dma_wait3A_212 = arith.constant 0 : i32
      %dma_wait3A_213 = tpu.memref_slice %arg14[%dma_wait3A_208, %dma_wait3A_212] : memref<5x128xi32, #tpu.memory_space<vmem>> -> memref<1x128xi32, #tpu.memory_space<vmem>>
      %dma_wait3A_214 = tpu.memref_squeeze %dma_wait3A_213 : memref<1x128xi32, #tpu.memory_space<vmem>> -> memref<128xi32, #tpu.memory_space<vmem>>
      %dma_wait3A_215 = arith.constant 0 : i32
      %dma_wait3A_216 = arith.constant 0 : i32
      %dma_wait3A_217 = tpu.memref_slice %arg16[%dma_wait3A_215, %dma_wait3A_216] : memref<50048x32xf32, #tpu.memory_space<vmem_shared>> -> memref<50048x32xf32, #tpu.memory_space<vmem_shared>>
      tpu.wait_indirect_dma semaphore(%arg17 : memref<!tpu.dma_semaphore, #tpu.memory_space<semaphore_mem>>) src(%dma_wait3A_211 : memref<128x32xf32, #tpu.memory_space<vmem>>) dst(%dma_wait3A_217 : memref<50048x32xf32, #tpu.memory_space<vmem_shared>>)
      %dma_wait3A_218 = arith.constant 2 : i32
      %dma_wait3A_219 = arith.constant 256 : i32
      %dma_wait3A_220 = arith.constant 0 : i32
      %dma_wait3A_221 = tpu.memref_slice %arg15[%dma_wait3A_219, %dma_wait3A_220] : memref<640x32xf32, #tpu.memory_space<vmem>> -> memref<128x32xf32, #tpu.memory_space<vmem>>
      %dma_wait3A_222 = arith.constant 0 : i32
      %dma_wait3A_223 = tpu.memref_slice %arg14[%dma_wait3A_218, %dma_wait3A_222] : memref<5x128xi32, #tpu.memory_space<vmem>> -> memref<1x128xi32, #tpu.memory_space<vmem>>
      %dma_wait3A_224 = tpu.memref_squeeze %dma_wait3A_223 : memref<1x128xi32, #tpu.memory_space<vmem>> -> memref<128xi32, #tpu.memory_space<vmem>>
      %dma_wait3A_225 = arith.constant 0 : i32
      %dma_wait3A_226 = arith.constant 0 : i32
      %dma_wait3A_227 = tpu.memref_slice %arg16[%dma_wait3A_225, %dma_wait3A_226] : memref<50048x32xf32, #tpu.memory_space<vmem_shared>> -> memref<50048x32xf32, #tpu.memory_space<vmem_shared>>
      tpu.wait_indirect_dma semaphore(%arg17 : memref<!tpu.dma_semaphore, #tpu.memory_space<semaphore_mem>>) src(%dma_wait3A_221 : memref<128x32xf32, #tpu.memory_space<vmem>>) dst(%dma_wait3A_227 : memref<50048x32xf32, #tpu.memory_space<vmem_shared>>)
      %dma_wait3A_228 = arith.constant 3 : i32
      %dma_wait3A_229 = arith.constant 384 : i32
      %dma_wait3A_230 = arith.constant 0 : i32
      %dma_wait3A_231 = tpu.memref_slice %arg15[%dma_wait3A_229, %dma_wait3A_230] : memref<640x32xf32, #tpu.memory_space<vmem>> -> memref<128x32xf32, #tpu.memory_space<vmem>>
      %dma_wait3A_232 = arith.constant 0 : i32
      %dma_wait3A_233 = tpu.memref_slice %arg14[%dma_wait3A_228, %dma_wait3A_232] : memref<5x128xi32, #tpu.memory_space<vmem>> -> memref<1x128xi32, #tpu.memory_space<vmem>>
      %dma_wait3A_234 = tpu.memref_squeeze %dma_wait3A_233 : memref<1x128xi32, #tpu.memory_space<vmem>> -> memref<128xi32, #tpu.memory_space<vmem>>
      %dma_wait3A_235 = arith.constant 0 : i32
      %dma_wait3A_236 = arith.constant 0 : i32
      %dma_wait3A_237 = tpu.memref_slice %arg16[%dma_wait3A_235, %dma_wait3A_236] : memref<50048x32xf32, #tpu.memory_space<vmem_shared>> -> memref<50048x32xf32, #tpu.memory_space<vmem_shared>>
      tpu.wait_indirect_dma semaphore(%arg17 : memref<!tpu.dma_semaphore, #tpu.memory_space<semaphore_mem>>) src(%dma_wait3A_231 : memref<128x32xf32, #tpu.memory_space<vmem>>) dst(%dma_wait3A_237 : memref<50048x32xf32, #tpu.memory_space<vmem_shared>>)
      %dma_wait3A_238 = arith.constant 4 : i32
      %dma_wait3A_239 = arith.constant 512 : i32
      %dma_wait3A_240 = arith.constant 0 : i32
      %dma_wait3A_241 = tpu.memref_slice %arg15[%dma_wait3A_239, %dma_wait3A_240] : memref<640x32xf32, #tpu.memory_space<vmem>> -> memref<128x32xf32, #tpu.memory_space<vmem>>
      %dma_wait3A_242 = arith.constant 0 : i32
      %dma_wait3A_243 = tpu.memref_slice %arg14[%dma_wait3A_238, %dma_wait3A_242] : memref<5x128xi32, #tpu.memory_space<vmem>> -> memref<1x128xi32, #tpu.memory_space<vmem>>
      %dma_wait3A_244 = tpu.memref_squeeze %dma_wait3A_243 : memref<1x128xi32, #tpu.memory_space<vmem>> -> memref<128xi32, #tpu.memory_space<vmem>>
      %dma_wait3A_245 = arith.constant 0 : i32
      %dma_wait3A_246 = arith.constant 0 : i32
      %dma_wait3A_247 = tpu.memref_slice %arg16[%dma_wait3A_245, %dma_wait3A_246] : memref<50048x32xf32, #tpu.memory_space<vmem_shared>> -> memref<50048x32xf32, #tpu.memory_space<vmem_shared>>
      tpu.wait_indirect_dma semaphore(%arg17 : memref<!tpu.dma_semaphore, #tpu.memory_space<semaphore_mem>>) src(%dma_wait3A_241 : memref<128x32xf32, #tpu.memory_space<vmem>>) dst(%dma_wait3A_247 : memref<50048x32xf32, #tpu.memory_space<vmem_shared>>)
    }
    %scan3A_41 = arith.constant 80 : i32
    %barrier3A_42 = arith.constant 0 : index
    tpu.barrier barrier_id(%barrier3A_42)
    %mul3A_43 = arith.constant 3128 : i32
    %mul3A_44 = arith.muli %arg1, %mul3A_43 : i32
    %mul3A_45 = arith.constant 3128 : i32
    %mul3A_46 = arith.muli %arg1, %mul3A_45 : i32
    "tpu.region"() ({
      %run_scoped3A = tpu.sem_alloc : memref<!tpu.dma_semaphore, #tpu.memory_space<semaphore_mem>>
      %dma_start3A = arith.constant 0 : i32
      %dma_start3A_47 = arith.constant 0 : i32
      %dma_start3A_48 = tpu.memref_slice %arg11[%arg0, %dma_start3A, %dma_start3A_47] : memref<2x50048x32xf32, #tpu.memory_space<hbm>> -> memref<1x50048x32xf32, #tpu.memory_space<hbm>>
      %dma_start3A_49 = tpu.memref_squeeze %dma_start3A_48 : memref<1x50048x32xf32, #tpu.memory_space<hbm>> -> memref<50048x32xf32, #tpu.memory_space<hbm>>
      %dma_start3A_50 = arith.constant 0 : i32
      %dma_start3A_51 = tpu.memref_slice %dma_start3A_49[%mul3A_46, %dma_start3A_50] : memref<50048x32xf32, #tpu.memory_space<hbm>> -> memref<3128x32xf32, #tpu.memory_space<hbm>>
      %dma_start3A_52 = arith.constant 0 : i32
      %dma_start3A_53 = tpu.memref_slice %arg16[%mul3A_44, %dma_start3A_52] : memref<50048x32xf32, #tpu.memory_space<vmem_shared>> -> memref<3128x32xf32, #tpu.memory_space<vmem_shared>>
      tpu.enqueue_dma source(%dma_start3A_53 : memref<3128x32xf32, #tpu.memory_space<vmem_shared>>) target(%dma_start3A_51 : memref<3128x32xf32, #tpu.memory_space<hbm>>) target_semaphore(%run_scoped3A : memref<!tpu.dma_semaphore, #tpu.memory_space<semaphore_mem>>)
      %dma_wait3A = arith.constant 0 : i32
      %dma_wait3A_54 = arith.constant 0 : i32
      %dma_wait3A_55 = tpu.memref_slice %arg11[%arg0, %dma_wait3A, %dma_wait3A_54] : memref<2x50048x32xf32, #tpu.memory_space<hbm>> -> memref<1x50048x32xf32, #tpu.memory_space<hbm>>
      %dma_wait3A_56 = tpu.memref_squeeze %dma_wait3A_55 : memref<1x50048x32xf32, #tpu.memory_space<hbm>> -> memref<50048x32xf32, #tpu.memory_space<hbm>>
      %dma_wait3A_57 = arith.constant 0 : i32
      %dma_wait3A_58 = tpu.memref_slice %dma_wait3A_56[%mul3A_46, %dma_wait3A_57] : memref<50048x32xf32, #tpu.memory_space<hbm>> -> memref<3128x32xf32, #tpu.memory_space<hbm>>
      %dma_wait3A_59 = arith.constant 0 : i32
      %dma_wait3A_60 = tpu.memref_slice %arg16[%mul3A_44, %dma_wait3A_59] : memref<50048x32xf32, #tpu.memory_space<vmem_shared>> -> memref<3128x32xf32, #tpu.memory_space<vmem_shared>>
      tpu.wait_dma2 semaphore(%run_scoped3A : memref<!tpu.dma_semaphore, #tpu.memory_space<semaphore_mem>>) src(%dma_wait3A_60 : memref<3128x32xf32, #tpu.memory_space<vmem_shared>>) dst(%dma_wait3A_58 : memref<3128x32xf32, #tpu.memory_space<hbm>>)
      tpu.yield
    }) : () -> ()
    return
  }
}

module attributes {stable_mosaic.version = 14 : i64} {
  func.func @_dense1_body(%arg0: i32, %arg1: memref<2x1000x32xf32, #tpu.memory_space<vmem>>, %arg2: memref<2x1000x32xf32, #tpu.memory_space<vmem>>, %arg3: memref<2x1000x32xf32, #tpu.memory_space<vmem>>, %arg4: memref<1000x64xf32, #tpu.memory_space<vmem>>, %arg5: memref<1000x64xf32, #tpu.memory_space<vmem>>, %arg6: memref<64x64xf32, #tpu.memory_space<vmem>>, %arg7: memref<64x64xf32, #tpu.memory_space<vmem>>, %arg8: memref<64x64xf32, #tpu.memory_space<vmem>>, %arg9: memref<64x64xf32, #tpu.memory_space<vmem>>, %arg10: memref<1000x64xf32, #tpu.memory_space<vmem>>, %arg11: memref<1000x64xf32, #tpu.memory_space<vmem>>) attributes {dimension_semantics = [#tpu.dimension_semantics<arbitrary>], iteration_bounds = array<i64: 50>, scalar_prefetch = 0 : i64, scratch_operands = 0 : i64, tpu.core_type = #tpu.core_type<tc>, window_params = [{transform_indices = @transform_0, window_bounds = array<i64: 2, 1000, 32>}, {transform_indices = @transform_1, window_bounds = array<i64: 2, 1000, 32>}, {transform_indices = @transform_2, window_bounds = array<i64: 2, 1000, 32>}, {transform_indices = @transform_3, window_bounds = array<i64: 1000, 64>}, {transform_indices = @transform_4, window_bounds = array<i64: 1000, 64>}, {pipeline_mode = #tpu.pipeline_mode<synchronous>, transform_indices = @transform_5, window_bounds = array<i64: 64, 64>}, {pipeline_mode = #tpu.pipeline_mode<synchronous>, transform_indices = @transform_6, window_bounds = array<i64: 64, 64>}, {pipeline_mode = #tpu.pipeline_mode<synchronous>, transform_indices = @transform_7, window_bounds = array<i64: 64, 64>}, {pipeline_mode = #tpu.pipeline_mode<synchronous>, transform_indices = @transform_8, window_bounds = array<i64: 64, 64>}, {transform_indices = @transform_9, window_bounds = array<i64: 1000, 64>}, {transform_indices = @transform_10, window_bounds = array<i64: 1000, 64>}]} {
    %get3A = arith.constant 0 : index
    %get3A_0 = arith.constant 0 : index
    %get3A_1 = arith.constant 0 : index
    %get3A_2 = vector.load %arg3[%get3A, %get3A_0, %get3A_1] : memref<2x1000x32xf32, #tpu.memory_space<vmem>>, vector<1x1000x1xf32>
    %get3A_3 = vector.shape_cast %get3A_2 : vector<1x1000x1xf32> to vector<1000x1xf32>
    %max3A = arith.constant 1.000000e+00 : f32
    %max3A_4 = vector.broadcast %max3A : f32 to vector<1000x1xf32>
    %max3A_5 = arith.maximumf %get3A_3, %max3A_4 : vector<1000x1xf32>
    %div3A = arith.constant 1.000000e+00 : f32
    %div3A_6 = vector.broadcast %div3A : f32 to vector<1000x1xf32>
    %div3A_7 = arith.divf %div3A_6, %max3A_5 : vector<1000x1xf32>
    %get3A_8 = arith.constant 1 : index
    %get3A_9 = arith.constant 0 : index
    %get3A_10 = arith.constant 0 : index
    %get3A_11 = vector.load %arg3[%get3A_8, %get3A_9, %get3A_10] : memref<2x1000x32xf32, #tpu.memory_space<vmem>>, vector<1x1000x1xf32>
    %get3A_12 = vector.shape_cast %get3A_11 : vector<1x1000x1xf32> to vector<1000x1xf32>
    %max3A_13 = arith.constant 1.000000e+00 : f32
    %max3A_14 = vector.broadcast %max3A_13 : f32 to vector<1000x1xf32>
    %max3A_15 = arith.maximumf %get3A_12, %max3A_14 : vector<1000x1xf32>
    %div3A_16 = arith.constant 1.000000e+00 : f32
    %div3A_17 = vector.broadcast %div3A_16 : f32 to vector<1000x1xf32>
    %div3A_18 = arith.divf %div3A_17, %max3A_15 : vector<1000x1xf32>
    %get3A_19 = arith.constant 0 : index
    %get3A_20 = arith.constant 0 : index
    %get3A_21 = arith.constant 0 : index
    %get3A_22 = vector.load %arg1[%get3A_19, %get3A_20, %get3A_21] : memref<2x1000x32xf32, #tpu.memory_space<vmem>>, vector<1x1000x32xf32>
    %get3A_23 = vector.shape_cast %get3A_22 : vector<1x1000x32xf32> to vector<1000x32xf32>
    %mul3A = vector.broadcast %div3A_7 : vector<1000x1xf32> to vector<1000x32xf32>
    %mul3A_24 = arith.mulf %get3A_23, %mul3A : vector<1000x32xf32>
    %get3A_25 = arith.constant 0 : index
    %get3A_26 = arith.constant 0 : index
    %get3A_27 = vector.load %arg6[%get3A_25, %get3A_26] : memref<64x64xf32, #tpu.memory_space<vmem>>, vector<32x64xf32>
    %dot_general3A = arith.constant dense<0.000000e+00> : vector<1000x64xf32>
    %dot_general3A_28 = tpu.matmul %mul3A_24, %get3A_27, %dot_general3A {dimension_numbers = #tpu.dot_dimension_numbers<[1], [0], [0], [1], [0, 0, 1, 1], [], []>, precision = #tpu.contract_precision<fp32>, transpose_lhs_hint = false} : vector<1000x32xf32>, vector<32x64xf32>, vector<1000x64xf32> -> vector<1000x64xf32>
    %get3A_29 = arith.constant 1 : index
    %get3A_30 = arith.constant 0 : index
    %get3A_31 = arith.constant 0 : index
    %get3A_32 = vector.load %arg1[%get3A_29, %get3A_30, %get3A_31] : memref<2x1000x32xf32, #tpu.memory_space<vmem>>, vector<1x1000x32xf32>
    %get3A_33 = vector.shape_cast %get3A_32 : vector<1x1000x32xf32> to vector<1000x32xf32>
    %mul3A_34 = vector.broadcast %div3A_7 : vector<1000x1xf32> to vector<1000x32xf32>
    %mul3A_35 = arith.mulf %get3A_33, %mul3A_34 : vector<1000x32xf32>
    %get3A_36 = arith.constant 32 : index
    %get3A_37 = arith.constant 0 : index
    %get3A_38 = vector.load %arg6[%get3A_36, %get3A_37] : memref<64x64xf32, #tpu.memory_space<vmem>>, vector<32x64xf32>
    %dot_general3A_39 = arith.constant dense<0.000000e+00> : vector<1000x64xf32>
    %dot_general3A_40 = tpu.matmul %mul3A_35, %get3A_38, %dot_general3A_39 {dimension_numbers = #tpu.dot_dimension_numbers<[1], [0], [0], [1], [0, 0, 1, 1], [], []>, precision = #tpu.contract_precision<fp32>, transpose_lhs_hint = false} : vector<1000x32xf32>, vector<32x64xf32>, vector<1000x64xf32> -> vector<1000x64xf32>
    %add3A = arith.addf %dot_general3A_28, %dot_general3A_40 : vector<1000x64xf32>
    %get3A_41 = arith.constant 0 : index
    %get3A_42 = arith.constant 0 : index
    %get3A_43 = vector.load %arg4[%get3A_41, %get3A_42] : memref<1000x64xf32, #tpu.memory_space<vmem>>, vector<1000x64xf32>
    %get3A_44 = arith.constant 0 : index
    %get3A_45 = arith.constant 0 : index
    %get3A_46 = vector.load %arg7[%get3A_44, %get3A_45] : memref<64x64xf32, #tpu.memory_space<vmem>>, vector<64x64xf32>
    %dot_general3A_47 = arith.constant dense<0.000000e+00> : vector<1000x64xf32>
    %dot_general3A_48 = tpu.matmul %get3A_43, %get3A_46, %dot_general3A_47 {dimension_numbers = #tpu.dot_dimension_numbers<[1], [0], [0], [1], [0, 0, 1, 1], [], []>, precision = #tpu.contract_precision<fp32>, transpose_lhs_hint = false} : vector<1000x64xf32>, vector<64x64xf32>, vector<1000x64xf32> -> vector<1000x64xf32>
    %add3A_49 = arith.addf %add3A, %dot_general3A_48 : vector<1000x64xf32>
    %get3A_50 = arith.constant 0 : index
    %get3A_51 = arith.constant 0 : index
    %get3A_52 = arith.constant 0 : index
    %get3A_53 = vector.load %arg2[%get3A_50, %get3A_51, %get3A_52] : memref<2x1000x32xf32, #tpu.memory_space<vmem>>, vector<1x1000x32xf32>
    %get3A_54 = vector.shape_cast %get3A_53 : vector<1x1000x32xf32> to vector<1000x32xf32>
    %mul3A_55 = vector.broadcast %div3A_18 : vector<1000x1xf32> to vector<1000x32xf32>
    %mul3A_56 = arith.mulf %get3A_54, %mul3A_55 : vector<1000x32xf32>
    %get3A_57 = arith.constant 0 : index
    %get3A_58 = arith.constant 0 : index
    %get3A_59 = vector.load %arg8[%get3A_57, %get3A_58] : memref<64x64xf32, #tpu.memory_space<vmem>>, vector<32x64xf32>
    %dot_general3A_60 = arith.constant dense<0.000000e+00> : vector<1000x64xf32>
    %dot_general3A_61 = tpu.matmul %mul3A_56, %get3A_59, %dot_general3A_60 {dimension_numbers = #tpu.dot_dimension_numbers<[1], [0], [0], [1], [0, 0, 1, 1], [], []>, precision = #tpu.contract_precision<fp32>, transpose_lhs_hint = false} : vector<1000x32xf32>, vector<32x64xf32>, vector<1000x64xf32> -> vector<1000x64xf32>
    %get3A_62 = arith.constant 1 : index
    %get3A_63 = arith.constant 0 : index
    %get3A_64 = arith.constant 0 : index
    %get3A_65 = vector.load %arg2[%get3A_62, %get3A_63, %get3A_64] : memref<2x1000x32xf32, #tpu.memory_space<vmem>>, vector<1x1000x32xf32>
    %get3A_66 = vector.shape_cast %get3A_65 : vector<1x1000x32xf32> to vector<1000x32xf32>
    %mul3A_67 = vector.broadcast %div3A_18 : vector<1000x1xf32> to vector<1000x32xf32>
    %mul3A_68 = arith.mulf %get3A_66, %mul3A_67 : vector<1000x32xf32>
    %get3A_69 = arith.constant 32 : index
    %get3A_70 = arith.constant 0 : index
    %get3A_71 = vector.load %arg8[%get3A_69, %get3A_70] : memref<64x64xf32, #tpu.memory_space<vmem>>, vector<32x64xf32>
    %dot_general3A_72 = arith.constant dense<0.000000e+00> : vector<1000x64xf32>
    %dot_general3A_73 = tpu.matmul %mul3A_68, %get3A_71, %dot_general3A_72 {dimension_numbers = #tpu.dot_dimension_numbers<[1], [0], [0], [1], [0, 0, 1, 1], [], []>, precision = #tpu.contract_precision<fp32>, transpose_lhs_hint = false} : vector<1000x32xf32>, vector<32x64xf32>, vector<1000x64xf32> -> vector<1000x64xf32>
    %add3A_74 = arith.addf %dot_general3A_61, %dot_general3A_73 : vector<1000x64xf32>
    %get3A_75 = arith.constant 0 : index
    %get3A_76 = arith.constant 0 : index
    %get3A_77 = vector.load %arg5[%get3A_75, %get3A_76] : memref<1000x64xf32, #tpu.memory_space<vmem>>, vector<1000x64xf32>
    %get3A_78 = arith.constant 0 : index
    %get3A_79 = arith.constant 0 : index
    %get3A_80 = vector.load %arg9[%get3A_78, %get3A_79] : memref<64x64xf32, #tpu.memory_space<vmem>>, vector<64x64xf32>
    %dot_general3A_81 = arith.constant dense<0.000000e+00> : vector<1000x64xf32>
    %dot_general3A_82 = tpu.matmul %get3A_77, %get3A_80, %dot_general3A_81 {dimension_numbers = #tpu.dot_dimension_numbers<[1], [0], [0], [1], [0, 0, 1, 1], [], []>, precision = #tpu.contract_precision<fp32>, transpose_lhs_hint = false} : vector<1000x64xf32>, vector<64x64xf32>, vector<1000x64xf32> -> vector<1000x64xf32>
    %add3A_83 = arith.addf %add3A_74, %dot_general3A_82 : vector<1000x64xf32>
    %max3A_84 = arith.constant 0.000000e+00 : f32
    %max3A_85 = vector.broadcast %max3A_84 : f32 to vector<1000x64xf32>
    %max3A_86 = arith.maximumf %add3A_49, %max3A_85 : vector<1000x64xf32>
    %swap3A = arith.constant 0 : index
    %swap3A_87 = arith.constant 0 : index
    %swap3A_88 = vector.load %arg10[%swap3A, %swap3A_87] : memref<1000x64xf32, #tpu.memory_space<vmem>>, vector<1000x64xf32>
    tpu.vector_store %arg10[%swap3A, %swap3A_87], %max3A_86 {strides = array<i32>} : memref<1000x64xf32, #tpu.memory_space<vmem>>, vector<1000x64xf32>,
    %max3A_89 = arith.constant 0.000000e+00 : f32
    %max3A_90 = vector.broadcast %max3A_89 : f32 to vector<1000x64xf32>
    %max3A_91 = arith.maximumf %add3A_83, %max3A_90 : vector<1000x64xf32>
    %swap3A_92 = arith.constant 0 : index
    %swap3A_93 = arith.constant 0 : index
    %swap3A_94 = vector.load %arg11[%swap3A_92, %swap3A_93] : memref<1000x64xf32, #tpu.memory_space<vmem>>, vector<1000x64xf32>
    tpu.vector_store %arg11[%swap3A_92, %swap3A_93], %max3A_91 {strides = array<i32>} : memref<1000x64xf32, #tpu.memory_space<vmem>>, vector<1000x64xf32>,
    return
  }
  func.func @transform_0(%arg0: i32) -> (i32, i32, i32) {
    %c0_i32 = arith.constant 0 : i32
    %c0_i32_0 = arith.constant 0 : i32
    %c0_i32_1 = arith.constant 0 : i32
    return %c0_i32, %arg0, %c0_i32_0 : i32, i32, i32
  }
  func.func @transform_1(%arg0: i32) -> (i32, i32, i32) {
    %c0_i32 = arith.constant 0 : i32
    %c0_i32_0 = arith.constant 0 : i32
    %c0_i32_1 = arith.constant 0 : i32
    return %c0_i32, %arg0, %c0_i32_0 : i32, i32, i32
  }
  func.func @transform_2(%arg0: i32) -> (i32, i32, i32) {
    %c0_i32 = arith.constant 0 : i32
    %c0_i32_0 = arith.constant 0 : i32
    %c0_i32_1 = arith.constant 0 : i32
    return %c0_i32, %arg0, %c0_i32_0 : i32, i32, i32
  }
  func.func @transform_3(%arg0: i32) -> (i32, i32) {
    %c0_i32 = arith.constant 0 : i32
    %c0_i32_0 = arith.constant 0 : i32
    return %arg0, %c0_i32 : i32, i32
  }
  func.func @transform_4(%arg0: i32) -> (i32, i32) {
    %c0_i32 = arith.constant 0 : i32
    %c0_i32_0 = arith.constant 0 : i32
    return %arg0, %c0_i32 : i32, i32
  }
  func.func @transform_5(%arg0: i32) -> (i32, i32) {
    %c0_i32 = arith.constant 0 : i32
    %c0_i32_0 = arith.constant 0 : i32
    %c0_i32_1 = arith.constant 0 : i32
    return %c0_i32, %c0_i32_0 : i32, i32
  }
  func.func @transform_6(%arg0: i32) -> (i32, i32) {
    %c0_i32 = arith.constant 0 : i32
    %c0_i32_0 = arith.constant 0 : i32
    %c0_i32_1 = arith.constant 0 : i32
    return %c0_i32, %c0_i32_0 : i32, i32
  }
  func.func @transform_7(%arg0: i32) -> (i32, i32) {
    %c0_i32 = arith.constant 0 : i32
    %c0_i32_0 = arith.constant 0 : i32
    %c0_i32_1 = arith.constant 0 : i32
    return %c0_i32, %c0_i32_0 : i32, i32
  }
  func.func @transform_8(%arg0: i32) -> (i32, i32) {
    %c0_i32 = arith.constant 0 : i32
    %c0_i32_0 = arith.constant 0 : i32
    %c0_i32_1 = arith.constant 0 : i32
    return %c0_i32, %c0_i32_0 : i32, i32
  }
  func.func @transform_9(%arg0: i32) -> (i32, i32) {
    %c0_i32 = arith.constant 0 : i32
    %c0_i32_0 = arith.constant 0 : i32
    return %arg0, %c0_i32 : i32, i32
  }
  func.func @transform_10(%arg0: i32) -> (i32, i32) {
    %c0_i32 = arith.constant 0 : i32
    %c0_i32_0 = arith.constant 0 : i32
    return %arg0, %c0_i32 : i32, i32
  }
}

module attributes {stable_mosaic.version = 14 : i64} {
  func.func @_dense2_body(%arg0: i32, %arg1: memref<2x1000x32xf32, #tpu.memory_space<vmem>>, %arg2: memref<2x1000x32xf32, #tpu.memory_space<vmem>>, %arg3: memref<2x1000x32xf32, #tpu.memory_space<vmem>>, %arg4: memref<1000x64xf32, #tpu.memory_space<vmem>>, %arg5: memref<1000x64xf32, #tpu.memory_space<vmem>>, %arg6: memref<1000x32xf32, #tpu.memory_space<vmem>>, %arg7: memref<1000x32xf32, #tpu.memory_space<vmem>>, %arg8: memref<64x32xf32, #tpu.memory_space<vmem>>, %arg9: memref<64x32xf32, #tpu.memory_space<vmem>>, %arg10: memref<64x32xf32, #tpu.memory_space<vmem>>, %arg11: memref<64x32xf32, #tpu.memory_space<vmem>>, %arg12: memref<64x32xf32, #tpu.memory_space<vmem>>, %arg13: memref<64x32xf32, #tpu.memory_space<vmem>>, %arg14: memref<64x32xf32, #tpu.memory_space<vmem>>, %arg15: memref<64x32xf32, #tpu.memory_space<vmem>>, %arg16: memref<1000x32xf32, #tpu.memory_space<vmem>>, %arg17: memref<1000x32xf32, #tpu.memory_space<vmem>>, %arg18: memref<1000x32xf32, #tpu.memory_space<vmem>>, %arg19: memref<1000x32xf32, #tpu.memory_space<vmem>>, %arg20: memref<1000x32xf32, #tpu.memory_space<vmem>>, %arg21: memref<1000x32xf32, #tpu.memory_space<vmem>>) attributes {dimension_semantics = [#tpu.dimension_semantics<arbitrary>], iteration_bounds = array<i64: 50>, scalar_prefetch = 0 : i64, scratch_operands = 0 : i64, tpu.core_type = #tpu.core_type<tc>, window_params = [{transform_indices = @transform_0, window_bounds = array<i64: 2, 1000, 32>}, {transform_indices = @transform_1, window_bounds = array<i64: 2, 1000, 32>}, {transform_indices = @transform_2, window_bounds = array<i64: 2, 1000, 32>}, {transform_indices = @transform_3, window_bounds = array<i64: 1000, 64>}, {transform_indices = @transform_4, window_bounds = array<i64: 1000, 64>}, {transform_indices = @transform_5, window_bounds = array<i64: 1000, 32>}, {transform_indices = @transform_6, window_bounds = array<i64: 1000, 32>}, {pipeline_mode = #tpu.pipeline_mode<synchronous>, transform_indices = @transform_7, window_bounds = array<i64: 64, 32>}, {pipeline_mode = #tpu.pipeline_mode<synchronous>, transform_indices = @transform_8, window_bounds = array<i64: 64, 32>}, {pipeline_mode = #tpu.pipeline_mode<synchronous>, transform_indices = @transform_9, window_bounds = array<i64: 64, 32>}, {pipeline_mode = #tpu.pipeline_mode<synchronous>, transform_indices = @transform_10, window_bounds = array<i64: 64, 32>}, {pipeline_mode = #tpu.pipeline_mode<synchronous>, transform_indices = @transform_11, window_bounds = array<i64: 64, 32>}, {pipeline_mode = #tpu.pipeline_mode<synchronous>, transform_indices = @transform_12, window_bounds = array<i64: 64, 32>}, {pipeline_mode = #tpu.pipeline_mode<synchronous>, transform_indices = @transform_13, window_bounds = array<i64: 64, 32>}, {pipeline_mode = #tpu.pipeline_mode<synchronous>, transform_indices = @transform_14, window_bounds = array<i64: 64, 32>}, {transform_indices = @transform_15, window_bounds = array<i64: 1000, 32>}, {transform_indices = @transform_16, window_bounds = array<i64: 1000, 32>}, {transform_indices = @transform_17, window_bounds = array<i64: 1000, 32>}, {transform_indices = @transform_18, window_bounds = array<i64: 1000, 32>}, {transform_indices = @transform_19, window_bounds = array<i64: 1000, 32>}, {transform_indices = @transform_20, window_bounds = array<i64: 1000, 32>}]} {
    %get3A = arith.constant 0 : index
    %get3A_0 = arith.constant 0 : index
    %get3A_1 = arith.constant 0 : index
    %get3A_2 = vector.load %arg3[%get3A, %get3A_0, %get3A_1] : memref<2x1000x32xf32, #tpu.memory_space<vmem>>, vector<1x1000x1xf32>
    %get3A_3 = vector.shape_cast %get3A_2 : vector<1x1000x1xf32> to vector<1000x1xf32>
    %max3A = arith.constant 1.000000e+00 : f32
    %max3A_4 = vector.broadcast %max3A : f32 to vector<1000x1xf32>
    %max3A_5 = arith.maximumf %get3A_3, %max3A_4 : vector<1000x1xf32>
    %div3A = arith.constant 1.000000e+00 : f32
    %div3A_6 = vector.broadcast %div3A : f32 to vector<1000x1xf32>
    %div3A_7 = arith.divf %div3A_6, %max3A_5 : vector<1000x1xf32>
    %get3A_8 = arith.constant 1 : index
    %get3A_9 = arith.constant 0 : index
    %get3A_10 = arith.constant 0 : index
    %get3A_11 = vector.load %arg3[%get3A_8, %get3A_9, %get3A_10] : memref<2x1000x32xf32, #tpu.memory_space<vmem>>, vector<1x1000x1xf32>
    %get3A_12 = vector.shape_cast %get3A_11 : vector<1x1000x1xf32> to vector<1000x1xf32>
    %max3A_13 = arith.constant 1.000000e+00 : f32
    %max3A_14 = vector.broadcast %max3A_13 : f32 to vector<1000x1xf32>
    %max3A_15 = arith.maximumf %get3A_12, %max3A_14 : vector<1000x1xf32>
    %div3A_16 = arith.constant 1.000000e+00 : f32
    %div3A_17 = vector.broadcast %div3A_16 : f32 to vector<1000x1xf32>
    %div3A_18 = arith.divf %div3A_17, %max3A_15 : vector<1000x1xf32>
    %get3A_19 = arith.constant 0 : index
    %get3A_20 = arith.constant 0 : index
    %get3A_21 = arith.constant 0 : index
    %get3A_22 = vector.load %arg1[%get3A_19, %get3A_20, %get3A_21] : memref<2x1000x32xf32, #tpu.memory_space<vmem>>, vector<1x1000x32xf32>
    %get3A_23 = vector.shape_cast %get3A_22 : vector<1x1000x32xf32> to vector<1000x32xf32>
    %mul3A = vector.broadcast %div3A_7 : vector<1000x1xf32> to vector<1000x32xf32>
    %mul3A_24 = arith.mulf %get3A_23, %mul3A : vector<1000x32xf32>
    %get3A_25 = arith.constant 1 : index
    %get3A_26 = arith.constant 0 : index
    %get3A_27 = arith.constant 0 : index
    %get3A_28 = vector.load %arg1[%get3A_25, %get3A_26, %get3A_27] : memref<2x1000x32xf32, #tpu.memory_space<vmem>>, vector<1x1000x32xf32>
    %get3A_29 = vector.shape_cast %get3A_28 : vector<1x1000x32xf32> to vector<1000x32xf32>
    %mul3A_30 = vector.broadcast %div3A_7 : vector<1000x1xf32> to vector<1000x32xf32>
    %mul3A_31 = arith.mulf %get3A_29, %mul3A_30 : vector<1000x32xf32>
    %get3A_32 = arith.constant 0 : index
    %get3A_33 = arith.constant 0 : index
    %get3A_34 = arith.constant 0 : index
    %get3A_35 = vector.load %arg2[%get3A_32, %get3A_33, %get3A_34] : memref<2x1000x32xf32, #tpu.memory_space<vmem>>, vector<1x1000x32xf32>
    %get3A_36 = vector.shape_cast %get3A_35 : vector<1x1000x32xf32> to vector<1000x32xf32>
    %mul3A_37 = vector.broadcast %div3A_18 : vector<1000x1xf32> to vector<1000x32xf32>
    %mul3A_38 = arith.mulf %get3A_36, %mul3A_37 : vector<1000x32xf32>
    %get3A_39 = arith.constant 1 : index
    %get3A_40 = arith.constant 0 : index
    %get3A_41 = arith.constant 0 : index
    %get3A_42 = vector.load %arg2[%get3A_39, %get3A_40, %get3A_41] : memref<2x1000x32xf32, #tpu.memory_space<vmem>>, vector<1x1000x32xf32>
    %get3A_43 = vector.shape_cast %get3A_42 : vector<1x1000x32xf32> to vector<1000x32xf32>
    %mul3A_44 = vector.broadcast %div3A_18 : vector<1000x1xf32> to vector<1000x32xf32>
    %mul3A_45 = arith.mulf %get3A_43, %mul3A_44 : vector<1000x32xf32>
    %get3A_46 = arith.constant 0 : index
    %get3A_47 = arith.constant 0 : index
    %get3A_48 = vector.load %arg8[%get3A_46, %get3A_47] : memref<64x32xf32, #tpu.memory_space<vmem>>, vector<32x32xf32>
    %dot_general3A = arith.constant dense<0.000000e+00> : vector<1000x32xf32>
    %dot_general3A_49 = tpu.matmul %mul3A_24, %get3A_48, %dot_general3A {dimension_numbers = #tpu.dot_dimension_numbers<[1], [0], [0], [1], [0, 0, 1, 1], [], []>, precision = #tpu.contract_precision<fp32>, transpose_lhs_hint = false} : vector<1000x32xf32>, vector<32x32xf32>, vector<1000x32xf32> -> vector<1000x32xf32>
    %get3A_50 = arith.constant 32 : index
    %get3A_51 = arith.constant 0 : index
    %get3A_52 = vector.load %arg8[%get3A_50, %get3A_51] : memref<64x32xf32, #tpu.memory_space<vmem>>, vector<32x32xf32>
    %dot_general3A_53 = arith.constant dense<0.000000e+00> : vector<1000x32xf32>
    %dot_general3A_54 = tpu.matmul %mul3A_31, %get3A_52, %dot_general3A_53 {dimension_numbers = #tpu.dot_dimension_numbers<[1], [0], [0], [1], [0, 0, 1, 1], [], []>, precision = #tpu.contract_precision<fp32>, transpose_lhs_hint = false} : vector<1000x32xf32>, vector<32x32xf32>, vector<1000x32xf32> -> vector<1000x32xf32>
    %add3A = arith.addf %dot_general3A_49, %dot_general3A_54 : vector<1000x32xf32>
    %get3A_55 = arith.constant 0 : index
    %get3A_56 = arith.constant 0 : index
    %get3A_57 = vector.load %arg4[%get3A_55, %get3A_56] : memref<1000x64xf32, #tpu.memory_space<vmem>>, vector<1000x64xf32>
    %get3A_58 = arith.constant 0 : index
    %get3A_59 = arith.constant 0 : index
    %get3A_60 = vector.load %arg9[%get3A_58, %get3A_59] : memref<64x32xf32, #tpu.memory_space<vmem>>, vector<64x32xf32>
    %dot_general3A_61 = arith.constant dense<0.000000e+00> : vector<1000x32xf32>
    %dot_general3A_62 = tpu.matmul %get3A_57, %get3A_60, %dot_general3A_61 {dimension_numbers = #tpu.dot_dimension_numbers<[1], [0], [0], [1], [0, 0, 1, 1], [], []>, precision = #tpu.contract_precision<fp32>, transpose_lhs_hint = false} : vector<1000x64xf32>, vector<64x32xf32>, vector<1000x32xf32> -> vector<1000x32xf32>
    %add3A_63 = arith.addf %add3A, %dot_general3A_62 : vector<1000x32xf32>
    %get3A_64 = arith.constant 0 : index
    %get3A_65 = arith.constant 0 : index
    %get3A_66 = vector.load %arg12[%get3A_64, %get3A_65] : memref<64x32xf32, #tpu.memory_space<vmem>>, vector<32x32xf32>
    %dot_general3A_67 = arith.constant dense<0.000000e+00> : vector<1000x32xf32>
    %dot_general3A_68 = tpu.matmul %mul3A_24, %get3A_66, %dot_general3A_67 {dimension_numbers = #tpu.dot_dimension_numbers<[1], [0], [0], [1], [0, 0, 1, 1], [], []>, precision = #tpu.contract_precision<fp32>, transpose_lhs_hint = false} : vector<1000x32xf32>, vector<32x32xf32>, vector<1000x32xf32> -> vector<1000x32xf32>
    %get3A_69 = arith.constant 32 : index
    %get3A_70 = arith.constant 0 : index
    %get3A_71 = vector.load %arg12[%get3A_69, %get3A_70] : memref<64x32xf32, #tpu.memory_space<vmem>>, vector<32x32xf32>
    %dot_general3A_72 = arith.constant dense<0.000000e+00> : vector<1000x32xf32>
    %dot_general3A_73 = tpu.matmul %mul3A_31, %get3A_71, %dot_general3A_72 {dimension_numbers = #tpu.dot_dimension_numbers<[1], [0], [0], [1], [0, 0, 1, 1], [], []>, precision = #tpu.contract_precision<fp32>, transpose_lhs_hint = false} : vector<1000x32xf32>, vector<32x32xf32>, vector<1000x32xf32> -> vector<1000x32xf32>
    %add3A_74 = arith.addf %dot_general3A_68, %dot_general3A_73 : vector<1000x32xf32>
    %get3A_75 = arith.constant 0 : index
    %get3A_76 = arith.constant 0 : index
    %get3A_77 = vector.load %arg4[%get3A_75, %get3A_76] : memref<1000x64xf32, #tpu.memory_space<vmem>>, vector<1000x64xf32>
    %get3A_78 = arith.constant 0 : index
    %get3A_79 = arith.constant 0 : index
    %get3A_80 = vector.load %arg13[%get3A_78, %get3A_79] : memref<64x32xf32, #tpu.memory_space<vmem>>, vector<64x32xf32>
    %dot_general3A_81 = arith.constant dense<0.000000e+00> : vector<1000x32xf32>
    %dot_general3A_82 = tpu.matmul %get3A_77, %get3A_80, %dot_general3A_81 {dimension_numbers = #tpu.dot_dimension_numbers<[1], [0], [0], [1], [0, 0, 1, 1], [], []>, precision = #tpu.contract_precision<fp32>, transpose_lhs_hint = false} : vector<1000x64xf32>, vector<64x32xf32>, vector<1000x32xf32> -> vector<1000x32xf32>
    %add3A_83 = arith.addf %add3A_74, %dot_general3A_82 : vector<1000x32xf32>
    %get3A_84 = arith.constant 0 : index
    %get3A_85 = arith.constant 0 : index
    %get3A_86 = vector.load %arg10[%get3A_84, %get3A_85] : memref<64x32xf32, #tpu.memory_space<vmem>>, vector<32x32xf32>
    %dot_general3A_87 = arith.constant dense<0.000000e+00> : vector<1000x32xf32>
    %dot_general3A_88 = tpu.matmul %mul3A_38, %get3A_86, %dot_general3A_87 {dimension_numbers = #tpu.dot_dimension_numbers<[1], [0], [0], [1], [0, 0, 1, 1], [], []>, precision = #tpu.contract_precision<fp32>, transpose_lhs_hint = false} : vector<1000x32xf32>, vector<32x32xf32>, vector<1000x32xf32> -> vector<1000x32xf32>
    %get3A_89 = arith.constant 32 : index
    %get3A_90 = arith.constant 0 : index
    %get3A_91 = vector.load %arg10[%get3A_89, %get3A_90] : memref<64x32xf32, #tpu.memory_space<vmem>>, vector<32x32xf32>
    %dot_general3A_92 = arith.constant dense<0.000000e+00> : vector<1000x32xf32>
    %dot_general3A_93 = tpu.matmul %mul3A_45, %get3A_91, %dot_general3A_92 {dimension_numbers = #tpu.dot_dimension_numbers<[1], [0], [0], [1], [0, 0, 1, 1], [], []>, precision = #tpu.contract_precision<fp32>, transpose_lhs_hint = false} : vector<1000x32xf32>, vector<32x32xf32>, vector<1000x32xf32> -> vector<1000x32xf32>
    %add3A_94 = arith.addf %dot_general3A_88, %dot_general3A_93 : vector<1000x32xf32>
    %get3A_95 = arith.constant 0 : index
    %get3A_96 = arith.constant 0 : index
    %get3A_97 = vector.load %arg5[%get3A_95, %get3A_96] : memref<1000x64xf32, #tpu.memory_space<vmem>>, vector<1000x64xf32>
    %get3A_98 = arith.constant 0 : index
    %get3A_99 = arith.constant 0 : index
    %get3A_100 = vector.load %arg11[%get3A_98, %get3A_99] : memref<64x32xf32, #tpu.memory_space<vmem>>, vector<64x32xf32>
    %dot_general3A_101 = arith.constant dense<0.000000e+00> : vector<1000x32xf32>
    %dot_general3A_102 = tpu.matmul %get3A_97, %get3A_100, %dot_general3A_101 {dimension_numbers = #tpu.dot_dimension_numbers<[1], [0], [0], [1], [0, 0, 1, 1], [], []>, precision = #tpu.contract_precision<fp32>, transpose_lhs_hint = false} : vector<1000x64xf32>, vector<64x32xf32>, vector<1000x32xf32> -> vector<1000x32xf32>
    %add3A_103 = arith.addf %add3A_94, %dot_general3A_102 : vector<1000x32xf32>
    %get3A_104 = arith.constant 0 : index
    %get3A_105 = arith.constant 0 : index
    %get3A_106 = vector.load %arg14[%get3A_104, %get3A_105] : memref<64x32xf32, #tpu.memory_space<vmem>>, vector<32x32xf32>
    %dot_general3A_107 = arith.constant dense<0.000000e+00> : vector<1000x32xf32>
    %dot_general3A_108 = tpu.matmul %mul3A_38, %get3A_106, %dot_general3A_107 {dimension_numbers = #tpu.dot_dimension_numbers<[1], [0], [0], [1], [0, 0, 1, 1], [], []>, precision = #tpu.contract_precision<fp32>, transpose_lhs_hint = false} : vector<1000x32xf32>, vector<32x32xf32>, vector<1000x32xf32> -> vector<1000x32xf32>
    %get3A_109 = arith.constant 32 : index
    %get3A_110 = arith.constant 0 : index
    %get3A_111 = vector.load %arg14[%get3A_109, %get3A_110] : memref<64x32xf32, #tpu.memory_space<vmem>>, vector<32x32xf32>
    %dot_general3A_112 = arith.constant dense<0.000000e+00> : vector<1000x32xf32>
    %dot_general3A_113 = tpu.matmul %mul3A_45, %get3A_111, %dot_general3A_112 {dimension_numbers = #tpu.dot_dimension_numbers<[1], [0], [0], [1], [0, 0, 1, 1], [], []>, precision = #tpu.contract_precision<fp32>, transpose_lhs_hint = false} : vector<1000x32xf32>, vector<32x32xf32>, vector<1000x32xf32> -> vector<1000x32xf32>
    %add3A_114 = arith.addf %dot_general3A_108, %dot_general3A_113 : vector<1000x32xf32>
    %get3A_115 = arith.constant 0 : index
    %get3A_116 = arith.constant 0 : index
    %get3A_117 = vector.load %arg5[%get3A_115, %get3A_116] : memref<1000x64xf32, #tpu.memory_space<vmem>>, vector<1000x64xf32>
    %get3A_118 = arith.constant 0 : index
    %get3A_119 = arith.constant 0 : index
    %get3A_120 = vector.load %arg15[%get3A_118, %get3A_119] : memref<64x32xf32, #tpu.memory_space<vmem>>, vector<64x32xf32>
    %dot_general3A_121 = arith.constant dense<0.000000e+00> : vector<1000x32xf32>
    %dot_general3A_122 = tpu.matmul %get3A_117, %get3A_120, %dot_general3A_121 {dimension_numbers = #tpu.dot_dimension_numbers<[1], [0], [0], [1], [0, 0, 1, 1], [], []>, precision = #tpu.contract_precision<fp32>, transpose_lhs_hint = false} : vector<1000x64xf32>, vector<64x32xf32>, vector<1000x32xf32> -> vector<1000x32xf32>
    %add3A_123 = arith.addf %add3A_114, %dot_general3A_122 : vector<1000x32xf32>
    %swap3A = arith.constant 0 : index
    %swap3A_124 = arith.constant 0 : index
    %swap3A_125 = vector.load %arg20[%swap3A, %swap3A_124] : memref<1000x32xf32, #tpu.memory_space<vmem>>, vector<1000x32xf32>
    tpu.vector_store %arg20[%swap3A, %swap3A_124], %add3A_63 {strides = array<i32>} : memref<1000x32xf32, #tpu.memory_space<vmem>>, vector<1000x32xf32>,
    %swap3A_126 = arith.constant 0 : index
    %swap3A_127 = arith.constant 0 : index
    %swap3A_128 = vector.load %arg21[%swap3A_126, %swap3A_127] : memref<1000x32xf32, #tpu.memory_space<vmem>>, vector<1000x32xf32>
    tpu.vector_store %arg21[%swap3A_126, %swap3A_127], %add3A_83 {strides = array<i32>} : memref<1000x32xf32, #tpu.memory_space<vmem>>, vector<1000x32xf32>,
    %swap3A_129 = arith.constant 0 : index
    %swap3A_130 = arith.constant 0 : index
    %swap3A_131 = vector.load %arg18[%swap3A_129, %swap3A_130] : memref<1000x32xf32, #tpu.memory_space<vmem>>, vector<1000x32xf32>
    tpu.vector_store %arg18[%swap3A_129, %swap3A_130], %add3A_103 {strides = array<i32>} : memref<1000x32xf32, #tpu.memory_space<vmem>>, vector<1000x32xf32>,
    %swap3A_132 = arith.constant 0 : index
    %swap3A_133 = arith.constant 0 : index
    %swap3A_134 = vector.load %arg19[%swap3A_132, %swap3A_133] : memref<1000x32xf32, #tpu.memory_space<vmem>>, vector<1000x32xf32>
    tpu.vector_store %arg19[%swap3A_132, %swap3A_133], %add3A_123 {strides = array<i32>} : memref<1000x32xf32, #tpu.memory_space<vmem>>, vector<1000x32xf32>,
    %get3A_135 = arith.constant 0 : index
    %get3A_136 = arith.constant 0 : index
    %get3A_137 = vector.load %arg6[%get3A_135, %get3A_136] : memref<1000x32xf32, #tpu.memory_space<vmem>>, vector<1000x32xf32>
    %mul3A_138 = arith.constant 5.000000e-01 : f32
    %mul3A_139 = vector.broadcast %mul3A_138 : f32 to vector<1000x32xf32>
    %mul3A_140 = arith.mulf %mul3A_139, %add3A_83 : vector<1000x32xf32>
    %exp3A = math.exp %mul3A_140 : vector<1000x32xf32>
    %mul3A_141 = arith.mulf %get3A_137, %exp3A : vector<1000x32xf32>
    %add3A_142 = arith.addf %add3A_63, %mul3A_141 : vector<1000x32xf32>
    %swap3A_143 = arith.constant 0 : index
    %swap3A_144 = arith.constant 0 : index
    %swap3A_145 = vector.load %arg17[%swap3A_143, %swap3A_144] : memref<1000x32xf32, #tpu.memory_space<vmem>>, vector<1000x32xf32>
    tpu.vector_store %arg17[%swap3A_143, %swap3A_144], %add3A_142 {strides = array<i32>} : memref<1000x32xf32, #tpu.memory_space<vmem>>, vector<1000x32xf32>,
    %get3A_146 = arith.constant 0 : index
    %get3A_147 = arith.constant 0 : index
    %get3A_148 = vector.load %arg7[%get3A_146, %get3A_147] : memref<1000x32xf32, #tpu.memory_space<vmem>>, vector<1000x32xf32>
    %mul3A_149 = arith.constant 5.000000e-01 : f32
    %mul3A_150 = vector.broadcast %mul3A_149 : f32 to vector<1000x32xf32>
    %mul3A_151 = arith.mulf %mul3A_150, %add3A_123 : vector<1000x32xf32>
    %exp3A_152 = math.exp %mul3A_151 : vector<1000x32xf32>
    %mul3A_153 = arith.mulf %get3A_148, %exp3A_152 : vector<1000x32xf32>
    %add3A_154 = arith.addf %add3A_103, %mul3A_153 : vector<1000x32xf32>
    %swap3A_155 = arith.constant 0 : index
    %swap3A_156 = arith.constant 0 : index
    %swap3A_157 = vector.load %arg16[%swap3A_155, %swap3A_156] : memref<1000x32xf32, #tpu.memory_space<vmem>>, vector<1000x32xf32>
    tpu.vector_store %arg16[%swap3A_155, %swap3A_156], %add3A_154 {strides = array<i32>} : memref<1000x32xf32, #tpu.memory_space<vmem>>, vector<1000x32xf32>,
    return
  }
  func.func @transform_0(%arg0: i32) -> (i32, i32, i32) {
    %c0_i32 = arith.constant 0 : i32
    %c0_i32_0 = arith.constant 0 : i32
    %c0_i32_1 = arith.constant 0 : i32
    return %c0_i32, %arg0, %c0_i32_0 : i32, i32, i32
  }
  func.func @transform_1(%arg0: i32) -> (i32, i32, i32) {
    %c0_i32 = arith.constant 0 : i32
    %c0_i32_0 = arith.constant 0 : i32
    %c0_i32_1 = arith.constant 0 : i32
    return %c0_i32, %arg0, %c0_i32_0 : i32, i32, i32
  }
  func.func @transform_2(%arg0: i32) -> (i32, i32, i32) {
    %c0_i32 = arith.constant 0 : i32
    %c0_i32_0 = arith.constant 0 : i32
    %c0_i32_1 = arith.constant 0 : i32
    return %c0_i32, %arg0, %c0_i32_0 : i32, i32, i32
  }
  func.func @transform_3(%arg0: i32) -> (i32, i32) {
    %c0_i32 = arith.constant 0 : i32
    %c0_i32_0 = arith.constant 0 : i32
    return %arg0, %c0_i32 : i32, i32
  }
  func.func @transform_4(%arg0: i32) -> (i32, i32) {
    %c0_i32 = arith.constant 0 : i32
    %c0_i32_0 = arith.constant 0 : i32
    return %arg0, %c0_i32 : i32, i32
  }
  func.func @transform_5(%arg0: i32) -> (i32, i32) {
    %c0_i32 = arith.constant 0 : i32
    %c0_i32_0 = arith.constant 0 : i32
    return %arg0, %c0_i32 : i32, i32
  }
  func.func @transform_6(%arg0: i32) -> (i32, i32) {
    %c0_i32 = arith.constant 0 : i32
    %c0_i32_0 = arith.constant 0 : i32
    return %arg0, %c0_i32 : i32, i32
  }
  func.func @transform_7(%arg0: i32) -> (i32, i32) {
    %c0_i32 = arith.constant 0 : i32
    %c0_i32_0 = arith.constant 0 : i32
    %c0_i32_1 = arith.constant 0 : i32
    return %c0_i32, %c0_i32_0 : i32, i32
  }
  func.func @transform_8(%arg0: i32) -> (i32, i32) {
    %c0_i32 = arith.constant 0 : i32
    %c0_i32_0 = arith.constant 0 : i32
    %c0_i32_1 = arith.constant 0 : i32
    return %c0_i32, %c0_i32_0 : i32, i32
  }
  func.func @transform_9(%arg0: i32) -> (i32, i32) {
    %c0_i32 = arith.constant 0 : i32
    %c0_i32_0 = arith.constant 0 : i32
    %c0_i32_1 = arith.constant 0 : i32
    return %c0_i32, %c0_i32_0 : i32, i32
  }
  func.func @transform_10(%arg0: i32) -> (i32, i32) {
    %c0_i32 = arith.constant 0 : i32
    %c0_i32_0 = arith.constant 0 : i32
    %c0_i32_1 = arith.constant 0 : i32
    return %c0_i32, %c0_i32_0 : i32, i32
  }
  func.func @transform_11(%arg0: i32) -> (i32, i32) {
    %c0_i32 = arith.constant 0 : i32
    %c0_i32_0 = arith.constant 0 : i32
    %c0_i32_1 = arith.constant 0 : i32
    return %c0_i32, %c0_i32_0 : i32, i32
  }
  func.func @transform_12(%arg0: i32) -> (i32, i32) {
    %c0_i32 = arith.constant 0 : i32
    %c0_i32_0 = arith.constant 0 : i32
    %c0_i32_1 = arith.constant 0 : i32
    return %c0_i32, %c0_i32_0 : i32, i32
  }
  func.func @transform_13(%arg0: i32) -> (i32, i32) {
    %c0_i32 = arith.constant 0 : i32
    %c0_i32_0 = arith.constant 0 : i32
    %c0_i32_1 = arith.constant 0 : i32
    return %c0_i32, %c0_i32_0 : i32, i32
  }
  func.func @transform_14(%arg0: i32) -> (i32, i32) {
    %c0_i32 = arith.constant 0 : i32
    %c0_i32_0 = arith.constant 0 : i32
    %c0_i32_1 = arith.constant 0 : i32
    return %c0_i32, %c0_i32_0 : i32, i32
  }
  func.func @transform_15(%arg0: i32) -> (i32, i32) {
    %c0_i32 = arith.constant 0 : i32
    %c0_i32_0 = arith.constant 0 : i32
    return %arg0, %c0_i32 : i32, i32
  }
  func.func @transform_16(%arg0: i32) -> (i32, i32) {
    %c0_i32 = arith.constant 0 : i32
    %c0_i32_0 = arith.constant 0 : i32
    return %arg0, %c0_i32 : i32, i32
  }
  func.func @transform_17(%arg0: i32) -> (i32, i32) {
    %c0_i32 = arith.constant 0 : i32
    %c0_i32_0 = arith.constant 0 : i32
    return %arg0, %c0_i32 : i32, i32
  }
  func.func @transform_18(%arg0: i32) -> (i32, i32) {
    %c0_i32 = arith.constant 0 : i32
    %c0_i32_0 = arith.constant 0 : i32
    return %arg0, %c0_i32 : i32, i32
  }
  func.func @transform_19(%arg0: i32) -> (i32, i32) {
    %c0_i32 = arith.constant 0 : i32
    %c0_i32_0 = arith.constant 0 : i32
    return %arg0, %c0_i32 : i32, i32
  }
  func.func @transform_20(%arg0: i32) -> (i32, i32) {
    %c0_i32 = arith.constant 0 : i32
    %c0_i32_0 = arith.constant 0 : i32
    return %arg0, %c0_i32 : i32, i32
  }
}

</mosaic_0001>

<sc_bundles>
// kernel: kernel.6.cloned.1.call-start
scs
__scs_entry_jumppad:
0x0: {  	(pc) =	sbr.rel $0x88, $3  }
0x1: {  	(tag) =	ssettag $0x0;
	lr =	simm.s32 $0x1  }
0x2: {  	[smem:$0x3F92] =	sst lr;
	_ =	strace $0xD0000000  }
0x3: {  	_ = 	snop  }
0x4: {  	_ = 	snop  }
0x5: {  	_ = 	snop  }
0x6: {  	_ = 	snop  }
0x7: {  	_ = 	snop  }
__scs_overlays_trampoline_lowered:
0x8: {  	[smem:$0x3FA1] =	sst s0  }
0x9: {  	[smem:$0x3FA2] =	sst s1  }
0xa: {  	[smem:$0x3FA3] =	sst s2  }
0xb: {  	[smem:$0x3FA4] =	sst s3  }
0xc: {  	[smem:$0x3FA5] =	sst s4  }
0xd: {  	[smem:$0x3FA6] =	sst s5  }
0xe: {  	[smem:$0x3FA7] =	sst s6  }
0xf: {  	[smem:$0x3FA8] =	sst s7  }
0x10: {  	[smem:$0x3FA9] =	sst s8  }
0x11: {  	[smem:$0x3FAA] =	sst s9;
	s0 =	simm.s32 @!p0 $0x0  }
0x12: {  	s1 =	sld [smem:$0x3F90];
	s0 =	simm.s32 @p0 $0x1  }
0x13: {  	[smem:$0x3FAB] =	sst s0;
	s0 =	simm.s32 @!p1 $0x0  }
0x14: {  	s2 =	sld [smem:$0x3F8F];
	s0 =	simm.s32 @p1 $0x1  }
0x15: {  	[smem:$0x3FAC] =	sst s0;
	s0 =	simm.s32 @!p2 $0x0  }
0x16: {  	s3 =	sld [smem:$0x3FDB];
	s0 =	simm.s32 @p2 $0x1  }
0x17: {  	s4 =	simm.s32 $0x1BF5;
	[smem:$0x3FAE] =	sst s0  }
0x18: {  	s0 =	sld [smem:$0x3F91];
	_ =	swait.ge [sflag:s4], $0x0  }
0x19: {  	s7 =	sld [smem:$0x3F92]  }
0x1a: {  	s8 =	sadd.s32 $0xFFFFE003, lr  }
0x1b: {  	s9 =	sadd.s32 $0xFFFFFEF7, lr;
	s5 =	simm.s32 $0xFFFFFFFF;
	p2 =	slt.u32 s8, $0xFFFFF086  }
0x1c: {  	p1 =	slt.u32 s9, $0xF7A;
	s5 =	simm.s32 @!p2 $0x0  }
0x1d: {  	s5 =	simm.s32 @p1 $0x1;
	p0 =	seq.s32 s7, s2  }
0x1e: {  	s7 =	smul.u32 @!p0 $0xF7A, s2;
	p2 =	seq.s32 @!p0 s5, $0x0  }
0x1f: {  	s9 =	smul.u32 $0xF7A, s1;
	s8 =	simm.s32 @!p0 $0x1BF5;
	p2 =	por !p2, p0  }
0x20: {  	[sflag:s8] =	ssyncset.s32 @!p0 $0xFFFFF086;
	s6 =	sadd.s32 @!p0 s3, s7;
	s7 =	simm.s32 @!p0 $0x108  }
0x21: {  	s3 =	sadd.s32 s3, s9;
	s6 =	sadd.s32 @!p0 $0x88, s6;
	s7 =	simm.s32 @p2 $0x1082  }
0x22: {  	[simem:s7], [sflag:s8] =	dma.local @!p0 [hbm:s6], $0xF7A  }
0x23: {  	s9 =	sor.u32 $0xD0000000, s2;
	s6 =	simm.s32 $0x108;
	_ =	swait.ge @!p0 [sflag:s8], $0x0  }
0x24: {  	s3 =	sadd.s32 $0x88, s3;
	s6 =	simm.s32 @!p1 $0x1082;
	[sflag:s4] =	ssyncset.s32 $0xFFFFF086  }
0x25: {  	[simem:s6], [sflag:s4] =	dma.local [hbm:s3], $0xF7A  }
0x26: {  	[smem:$0x3F92] =	sst s1;
	(tag) =	ssettag s2;
	_ =	strace s9  }
0x27: {  	s1 =	sld [smem:$0x3FA2]  }
0x28: {  	s2 =	sld [smem:$0x3FA3]  }
0x29: {  	s4 =	sld [smem:$0x3FA5]  }
0x2a: {  	p0 =	seq.s32 s5, $0x0;
	s5 =	sld [smem:$0x3FA6]  }
0x2b: {  	s6 =	sld [smem:$0x3FA7]  }
0x2c: {  	s7 =	sld [smem:$0x3FA8]  }
0x2d: {  	s3 =	simm.s32 $0x108;
	s8 =	sld [smem:$0x3FA9]  }
0x2e: {  	s3 =	simm.s32 @!p0 $0x1082;
	s9 =	sld [smem:$0x3FAA]  }
0x2f: {  	lr =	sadd.s32 s0, s3;
	s0 =	sld [smem:$0x3FA1]  }
0x30: {  	s3 =	sld [smem:$0x3FA4]  }
0x31: {  	[smem:$0x3FAD] =	sst s10  }
0x32: {  	s10 =	sld [smem:$0x3FAB];
	_ =	sdelay $0x3  }
0x33: {  	p0 =	seq.s32 s10, $0x1;
	s10 =	sld [smem:$0x3FAD];
	_ =	sdelay $0x3  }
0x34: {  	[smem:$0x3FAD] =	sst s10  }
0x35: {  	s10 =	sld [smem:$0x3FAC];
	_ =	sdelay $0x3  }
0x36: {  	p1 =	seq.s32 s10, $0x1;
	s10 =	sld [smem:$0x3FAD];
	_ =	sdelay $0x3  }
0x37: {  	[smem:$0x3FAD] =	sst s10  }
0x38: {  	s10 =	sld [smem:$0x3FAE]  }
0x39: {  	_ = 	snop;
	(pc) =	sbr.ind lr, $3  }
0x3a: {  	_ = 	snop  }
0x3b: {  	_ = 	snop  }
0x3c: {  	p2 =	seq.s32 s10, $0x1;
	s10 =	sld [smem:$0x3FAD]  }
0x3d: {  	_ =	shalt  }
0x3e: {  	_ =	shalt  }
0x3f: {  	_ =	shalt  }
0x40: {  	_ =	shalt  }
0x41: {  	_ =	shalt  }
0x42: {  	_ =	shalt  }
0x43: {  	_ =	shalt  }
0x44: {  	_ =	shalt  }
0x45: {  	_ =	shalt  }
0x46: {  	_ =	shalt  }
0x47: {  	_ =	shalt  }
0x48: {  	_ =	shalt  }
0x49: {  	_ =	shalt  }
0x4a: {  	_ =	shalt  }
0x4b: {  	_ =	shalt  }
0x4c: {  	_ =	shalt  }
0x4d: {  	_ =	shalt  }
0x4e: {  	_ =	shalt  }
0x4f: {  	_ =	shalt  }
0x50: {  	_ =	shalt  }
0x51: {  	_ =	shalt  }
0x52: {  	_ =	shalt  }
0x53: {  	_ =	shalt  }
0x54: {  	_ =	shalt  }
0x55: {  	_ =	shalt  }
0x56: {  	_ =	shalt  }
0x57: {  	_ =	shalt  }
0x58: {  	_ =	shalt  }
0x59: {  	_ =	shalt  }
0x5a: {  	_ =	shalt  }
0x5b: {  	_ =	shalt  }
0x5c: {  	_ =	shalt  }
0x5d: {  	_ =	shalt  }
0x5e: {  	_ =	shalt  }
0x5f: {  	_ =	shalt  }
0x60: {  	_ =	shalt  }
0x61: {  	_ =	shalt  }
0x62: {  	_ =	shalt  }
0x63: {  	_ =	shalt  }
0x64: {  	_ =	shalt  }
0x65: {  	_ =	shalt  }
0x66: {  	_ =	shalt  }
0x67: {  	_ =	shalt  }
0x68: {  	_ =	shalt  }
0x69: {  	_ =	shalt  }
0x6a: {  	_ =	shalt  }
0x6b: {  	_ =	shalt  }
0x6c: {  	_ =	shalt  }
0x6d: {  	_ =	shalt  }
0x6e: {  	_ =	shalt  }
0x6f: {  	_ =	shalt  }
0x70: {  	_ =	shalt  }
0x71: {  	_ =	shalt  }
0x72: {  	_ =	shalt  }
0x73: {  	_ =	shalt  }
0x74: {  	_ =	shalt  }
0x75: {  	_ =	shalt  }
0x76: {  	_ =	shalt  }
0x77: {  	_ =	shalt  }
0x78: {  	_ =	shalt  }
0x79: {  	_ =	shalt  }
0x7a: {  	_ =	shalt  }
0x7b: {  	_ =	shalt  }
0x7c: {  	_ =	shalt  }
0x7d: {  	_ =	shalt  }
0x7e: {  	_ =	shalt  }
0x7f: {  	_ =	shalt  }
0x80: {  	_ =	shalt  }
0x81: {  	_ =	shalt  }
0x82: {  	_ =	shalt  }
0x83: {  	_ =	shalt  }
0x84: {  	_ =	shalt  }
0x85: {  	_ =	shalt  }
0x86: {  	_ =	shalt  }
0x87: {  	_ =	shalt  }
.Lfunc_end0:
.L_simem_size_0:
called_computation_lowered:
.L_overlay_start_0:
0x88: {  	s2 =	sld [smem:$0x3FD9]  }
0x89: {  	s3 =	sld [smem:$0x3FFE];
	_ =	sdelay $0x1  }
0x8a: {  	s1 =	srdreg.scid  }
0x8b: {  	s0 =	sand.u32 $0x1, s1  }
0x8c: {  	s14 =	sshll.u32 s0, $0xA;
	s2 =	sadd.s32 s3, s2  }
0x8d: {  	s2 =	sadd.s32 s2, s14  }
0x8e: {  	[smem:$0x3FB9] =	sst s2  }
0x8f: {  	_ = 	snop  }
0x90: {  	s2 =	sld [smem:$0x3FD0];
	_ =	sdelay $0x2  }
0x91: {  	s15 =	simm.s32 $0xA;
	s4 =	simm.s32 $0x10  }
0x92: {  	[smem:s4], [sflag:s15] =	dma.local [hbm:s2], $0x1  }
0x93: {  	_ =	swait.eq [sflag:s15], $0x1  }
0x94: {  	[sflag:s15] =	ssyncset.done $0x0  }
0x95: {  	s16 =	sld [smem:$0x14];
	[sflag:s15] =	ssyncadd.s32 $0xFFFFFFFF  }
0x96: {  	s17 =	sld [smem:$0x15];
	(tm) =	ssettm $0x1  }
0x97: {  	s18 =	sld [smem:$0x3FFB];
	_ =	sdelay $0x3  }
0x98: {  	_ =	strace s18  }
0x99: {  	s4 =	sld [smem:$0x3FFC];
	_ =	sdelay $0x3  }
0x9a: {  	_ =	strace s4  }
0x9b: {  	s4 =	sld [smem:$0x3FFD];
	_ =	sdelay $0x3  }
0x9c: {  	_ =	strace s4  }
0x9d: {  	_ =	strace $0x8FFFFFFF  }
0x9e: {  	s19 =	sld [smem:$0x3FDB];
	_ =	sdelay $0x1  }
0x9f: {  	s5 =	simm.s32 $_scs_section_size  }
0xa0: {  	s6 =	simm.s32 $_size__tile_overlayer_lowered;
	s7 =	simm.s32 $_tile_overlayer_lowered  }
0xa1: {  	s22 =	simm.s32 $0x1BFF;
	s21 =	sshll.u32 s7, $0x1;
	s4 =	sadd.s32 s5, s19  }
0xa2: {  	s8 =	simm.s32 $0x0;
	s20 =	sshll.u32 s6, $0x1;
	s6 =	sadd.s32 s21, s4  }
0xa3: {  	[timem:s8], [sflag:s22] =	dma.local [hbm:s6], s20  }
0xa4: {  	_ =	swait.ge [sflag:s22], s20  }
0xa5: {  	s5 =	ssub.s32 $0x0, s20;
	[sflag:s22] =	ssyncset.done $0x0  }
0xa6: {  	[sflag:s22] =	ssyncadd.s32 s5;
	_ =	sdelay $0x1  }
0xa7: {  	s23 =	simm.s32 $0x1B8B  }
0xa8: {  	_ =	swait.ge [sflag:s23], $0x1  }
0xa9: {  	[sflag:s23] =	ssyncset.done $0x0  }
0xaa: {  	s25 =	simm.s32 $0x1B8E;
	s24 =	sld [smem:$0x3FFE];
	[sflag:s23] =	ssyncadd.s32 $0xFFFFFFFF  }
0xab: {  	s26 =	simm.s32 $execute0_lowered;
	[smem:$0x3FD2] =	sst s25  }
0xac: {  	s6 =	sshll.u32 s26, $0x1;
	_ =	strace $0x80000046;
	[dreg:$0x1] =	wrdreg $0xFFFFFFFF  }
0xad: {  	s28 =	simm.s32 $_size_execute0_lowered;
	s4 =	sadd.s32 s4, s6;
	[dreg:$0x0] =	wrdreg $0x0  }
0xae: {  	s6 =	sshll.u32 s28, $0x1;
	[dreg:$0x2] =	wrdreg s4  }
0xaf: {  	[dreg:$0x3] =	wrdreg s6  }
0xb0: {  	[dreg:$0x4] =	wrdreg $0xC0  }
0xb1: {  	_ =	task [dreg:s8], $0x5FFFF  }
0xb2: {  	[dreg:$0x1] =	wrdreg $0xFFFFFFFF  }
0xb3: {  	[dreg:$0x0] =	wrdreg $0x60  }
0xb4: {  	[dreg:$0x2] =	wrdreg s24  }
0xb5: {  	[dreg:$0x3] =	wrdreg s17  }
0xb6: {  	[dreg:$0x4] =	wrdreg s16  }
0xb7: {  	[dreg:$0x5] =	wrdreg $0x65000  }
0xb8: {  	[dreg:$0x6] =	wrdreg $0x9  }
0xb9: {  	_ =	task.clear_ibuf [dreg:s8], $0x7FFFF;
	_ =	strace $0x90000046  }
0xba: {  	s29 =	simm.s32 $0x9;
	_ =	strace $0x80000048  }
0xbb: {  	_ =	swait.ge [sflag:s29], $0x1  }
0xbc: {  	[sflag:s29] =	ssyncadd.s32 $0xFFFFFFFF  }
0xbd: {  	_ =	strace $0x90000048  }
0xbe: {  	_ =	sfence  }
0xbf: {  	s30 =	sld [smem:$0x0];
	_ =	sdelay $0x2  }
0xc0: {  	s31 =	sshll.u32 s1, $0xD;
	s1 =	sshrl.u32 s1, $0x2  }
0xc1: {  	s3 =	sand.u32 $0x4000, s31;
	s1 =	sadd.s32 s1, s30  }
0xc2: {  	s0 =	sor.u32 s3, s0;
	s1 =	sshll.u32 s1, $0x11  }
0xc3: {  	s0 =	sor.u32 s1, s0  }
0xc4: {  	s0 =	sadd.s32 $0x8F2B, s0  }
0xc5: {  	[sflag:s0] =	ssyncadd.remote.s32 $0x1  }
0xc6: {  	_ =	sfence.sel $0xFFFF  }
0xc7: {  	[dreg:$0x0] =	wrdreg $0xFFFFFFFF;
	(pc) =	sbr.abs _section_cstart, $3  }
0xc8: {  	[dreg:$0x1] =	wrdreg $0xFFFFFFFF  }
0xc9: {  	_ =	task.clear_ibuf [dreg:s8], $0x2FFFF;
	_ =	strace $0x9FFFFFFF  }
0xca: {  	(tm) =	ssettm $0x7FFFFFFF  }
0xcb: {  	_ =	shalt  }
tec
execute0_lowered:
.L_overlay_start_1:
0x0: {  	(tag) =	ssettag $0x1  }
0x1: {  	s0 =	rddreg [dreg:$0x0];
	s1 =	srdreg.scid  }
0x2: {  	s4 =	rddreg [dreg:$0x3];
	s14 =	stileid.u32;
	s5 =	simm.s32 $0x0  }
0x3: {  	s16 =	simm.s32 $0x80;
	s17 =	simm.s32 $0x1300;
	s18 =	simm.s32 $0x1380  }
0x4: {  	s28 =	simm.s32 $0x1000;
	s29 =	simm.s32 $0x1500;
	s30 =	simm.s32 $0x1080  }
0x5: {  	s31 =	simm.s32 $0x2500;
	s1 =	sand.u32 $0x1, s1;
	s3 =	smul.u32 $0x18700, s14  }
0x6: {  	[smem:$0x7FF] =	sst s5;
	s7 =	sadd.s32 $0x1EF800, s0;
	s21 =	smul.u32 $0xC800, s14  }
0x7: {  	s6 =	sadd.s32 $0xCA600, s0;
	s10 =	sadd.s32 $0x251400, s0;
	s2 =	smul.u32 $0x19000, s1  }
0x8: {  	s19 =	sshll.u32 s14, $0x6;
	s8 =	smul.u32 $0x187000, s1;
	_ =	strace $0x80000047  }
0x9: {  	s11 =	ssub.s32 $0x2, s1;
	s1 =	smul.u32 $0xC8000, s1;
	s15 =	sor.u32 $0x1C02, s19  }
0xa: {  	s12 =	sshrl.u32 s11, $0x1;
	s13 =	sadd.s32 s3, s4;
	s2 =	sadd.s32 s2, s0  }
0xb: {  	s9 =	sadd.s32 s3, s8;
	s8 =	sshrl.u32 s8, $0x3;
	s11 =	ssub.s32 s11, s12  }
0xc: {  	s3 =	sshrl.u32 s3, $0x3;
	s1 =	sadd.s32 s21, s1;
	s21 =	smul.u32 $0x1900, s14  }
0xd: {  	s13 =	sshrl.u32 s13, $0x3;
	s14 =	simm.s32 $0x2;
	s9 =	sshrl.u32 s9, $0x3  }
0xe: {  	s8 =	sadd.s32 s8, s0;
	s20 =	sadd.s32 $0x283400, s2;
	s2 =	sadd.s32 $0x2B5400, s2  }
0xf: {  	s11 =	smax.u32 s11, $0x1;
	s1 =	sshrl.u32 s1, $0x3;
	[dreg:$0x9] =	wrdreg s13  }
0x10: {  	s9 =	sadd.s32 s9, s0;
	s23 =	sadd.s32 $0x349000, s8;
	s0 =	sadd.s32 $0x26A400, s0  }
0x11: {  	s8 =	sadd.s32 $0x2E7400, s8;
	[dreg:$0x8] =	wrdreg s11;
	s11 =	smov.u32 s15  }
0x12: {  	s24 =	sadd.s32 s1, s10;
	s22 =	sadd.s32 s21, s10;
	s15 =	simm.s32 $0x1280  }
0x13: {  	s19 =	sadd.s32 s20, s21;
	s20 =	sadd.s32 s2, s21;
	s1 =	simm.s32 $0x1100  }
0x14: {  	s2 =	simm.s32 $0x1180;
	s10 =	simm.s32 $0x1200;
	[dreg:$0x5] =	wrdreg s22  }
0x15: {  	s9 =	sadd.s32 $0x3AAC00, s9;
	s21 =	sadd.s32 s0, s21;
	[dreg:$0x7] =	wrdreg s11  }
0x16: {  	s22 =	simm.s32 $0x1400;
	s25 =	sadd.s32 s3, s23;
	[dreg:$0x6] =	wrdreg s9  }
0x17: {  	s26 =	sadd.s32 s3, s8;
	s3 =	simm.s32 $0x3500;
	[dreg:$0xa] =	wrdreg s25  }
0x18: {  	s8 =	simm.s32 $0x4500;
	s23 =	simm.s32 $0x5500;
	[dreg:$0xb] =	wrdreg s26  }
0x19: {  	s25 =	simm.s32 $0x1480;
	s26 =	simm.s32 $0x1;
	s9 =	simm.s32 $0x0  }
.LBB2_1:
0x1a: {  	[dreg:$0xc] =	wrdreg s9  }
0x1b: {  	s0 =	rddreg [dreg:$0x1]  }
0x1c: {  	[spmem:s13], [sflag:s11] =	dma.local [hbm:s0], $0x30E0  }
0x1d: {  	_ =	swait.ge [sflag:s14], $0x30E0  }
0x1e: {  	[sflag:s14] =	ssyncset.done $0x0  }
0x1f: {  	[sflag:s14] =	ssyncadd.s32 $0xFFFFCF20  }
0x20: {  	s12 =	rddreg [dreg:$0x2]  }
0x21: {  	[tilespmem:s5], [sflag:$0x2] =	stream.linear.gather [hbm4b:s12+s5], $0x1000, $0x38;
	[tilespmem:$0x1EC00] =	vst v63  }
0x22: {  	_ =	swait.ge [sflag:s14], $0x1000  }
0x23: {  	[sflag:s14] =	ssyncset.done $0x0  }
0x24: {  	[sflag:s14] =	ssyncadd.s32 $0xFFFFF000  }
0x25: {  	s13 =	sadd.s32 $0x0, s24;
	[bflag:$0x0] =	sbarrier.arrive $0xFFFF  }
0x26: {  	[tilespmem:s15], [sflag:$0x2] =	stream.linear.gather [hbm4b:s13+s5], $0x280, $0x38;
	[tilespmem:$0x1EC00] =	vst v63  }
0x27: {  	_ =	swait.ge [sflag:s14], $0x280  }
0x28: {  	[sflag:s14] =	ssyncset.done $0x0  }
0x29: {  	[sflag:s14] =	ssyncadd.s32 $0xFFFFFD80  }
0x2a: {  	[spmem:s4] =	stream.indirect.scatter.add.f32 [tilespmem:s5], [sflag:$0x1], $0x20, s15, s16, $0xb8;
	[tilespmem:$0x1EC00] =	vst v63  }
0x2b: {  	_ = 	snop  }
0x2c: {  	[spmem:s4] =	stream.indirect.scatter.add.f32 [tilespmem:s5], [sflag:$0x1], $0x20, s17, s16, $0xb8;
	[tilespmem:$0x1EC00] =	vst v63  }
0x2d: {  	_ = 	snop  }
0x2e: {  	[spmem:s4] =	stream.indirect.scatter.add.f32 [tilespmem:s5], [sflag:$0x1], $0x20, s18, s16, $0xb8;
	[tilespmem:$0x1EC00] =	vst v63  }
0x2f: {  	_ = 	snop  }
0x30: {  	[spmem:s4] =	stream.indirect.scatter.add.f32 [tilespmem:s5], [sflag:$0x1], $0x20, s22, s16, $0xb8;
	[tilespmem:$0x1EC00] =	vst v63  }
0x31: {  	_ = 	snop  }
0x32: {  	[spmem:s4] =	stream.indirect.scatter.add.f32 [tilespmem:s5], [sflag:$0x1], $0x20, s25, s16, $0xb8;
	[tilespmem:$0x1EC00] =	vst v63  }
0x33: {  	_ =	swait.ge [sflag:s26], $0x1000  }
0x34: {  	[sflag:s26] =	ssyncset.done $0x0  }
0x35: {  	[sflag:s26] =	ssyncadd.s32 $0xFFFFF000  }
0x36: {  	_ =	swait.ge [sflag:s26], $0x1000  }
0x37: {  	[sflag:s26] =	ssyncset.done $0x0  }
0x38: {  	[sflag:s26] =	ssyncadd.s32 $0xFFFFF000  }
0x39: {  	_ =	swait.ge [sflag:s26], $0x1000  }
0x3a: {  	[sflag:s26] =	ssyncset.done $0x0  }
0x3b: {  	[sflag:s26] =	ssyncadd.s32 $0xFFFFF000  }
0x3c: {  	_ =	swait.ge [sflag:s26], $0x1000  }
0x3d: {  	[sflag:s26] =	ssyncset.done $0x0  }
0x3e: {  	[sflag:s26] =	ssyncadd.s32 $0xFFFFF000  }
0x3f: {  	_ =	swait.ge [sflag:s26], $0x1000  }
0x40: {  	s9 =	simm.s32 $0xA0;
	s0 =	simm.s32 $0x50;
	[sflag:s26] =	ssyncset.done $0x0  }
.LBB2_2:
0x41: {  	s13 =	sadd.s32 s0, s24;
	[sflag:s26] =	ssyncadd.s32 $0xFFFFF000  }
0x42: {  	s0 =	smov.u32 s9;
	s12 =	smov.u32 s24;
	s24 =	sadd.s32 $0x50, s9  }
0x43: {  	[tilespmem:s15], [sflag:$0x2] =	stream.linear.gather [hbm4b:s13+s5], $0x280, $0x38;
	[tilespmem:$0x1EC00] =	vst v63  }
0x44: {  	p0 =	sne.s32 s9, $0x18B0;
	_ =	swait.ge [sflag:s14], $0x280  }
0x45: {  	[sflag:s14] =	ssyncset.done $0x0  }
0x46: {  	[sflag:s14] =	ssyncadd.s32 $0xFFFFFD80  }
0x47: {  	[spmem:s4] =	stream.indirect.scatter.add.f32 [tilespmem:s5], [sflag:$0x1], $0x20, s15, s16, $0xb8;
	[tilespmem:$0x1EC00] =	vst v63  }
0x48: {  	_ = 	snop  }
0x49: {  	[spmem:s4] =	stream.indirect.scatter.add.f32 [tilespmem:s5], [sflag:$0x1], $0x20, s17, s16, $0xb8;
	[tilespmem:$0x1EC00] =	vst v63  }
0x4a: {  	_ = 	snop  }
0x4b: {  	[spmem:s4] =	stream.indirect.scatter.add.f32 [tilespmem:s5], [sflag:$0x1], $0x20, s18, s16, $0xb8;
	[tilespmem:$0x1EC00] =	vst v63  }
0x4c: {  	_ = 	snop  }
0x4d: {  	[spmem:s4] =	stream.indirect.scatter.add.f32 [tilespmem:s5], [sflag:$0x1], $0x20, s22, s16, $0xb8;
	[tilespmem:$0x1EC00] =	vst v63  }
0x4e: {  	_ = 	snop  }
0x4f: {  	[spmem:s4] =	stream.indirect.scatter.add.f32 [tilespmem:s5], [sflag:$0x1], $0x20, s25, s16, $0xb8;
	[tilespmem:$0x1EC00] =	vst v63  }
0x50: {  	_ =	swait.ge [sflag:s26], $0x1000  }
0x51: {  	[sflag:s26] =	ssyncset.done $0x0  }
0x52: {  	[sflag:s26] =	ssyncadd.s32 $0xFFFFF000  }
0x53: {  	_ =	swait.ge [sflag:s26], $0x1000  }
0x54: {  	[sflag:s26] =	ssyncset.done $0x0  }
0x55: {  	[sflag:s26] =	ssyncadd.s32 $0xFFFFF000  }
0x56: {  	_ =	swait.ge [sflag:s26], $0x1000  }
0x57: {  	[sflag:s26] =	ssyncset.done $0x0  }
0x58: {  	[sflag:s26] =	ssyncadd.s32 $0xFFFFF000  }
.Ltmp0:
0x59: {  	_ =	swait.ge [sflag:s26], $0x1000;
	(pc) =	sbr.rel @p0 .LBB2_2-.Ltmp0, $4  }
0x5a: {  	[sflag:s26] =	ssyncset.done $0x0  }
0x5b: {  	[sflag:s26] =	ssyncadd.s32 $0xFFFFF000  }
0x5c: {  	_ =	swait.ge [sflag:s26], $0x1000  }
0x5d: {  	s9 =	smov.u32 s24;
	s24 =	smov.u32 s12;
	[sflag:s26] =	ssyncset.done $0x0  }
0x5e: {  	s0 =	sadd.s32 s0, s24;
	[sflag:s26] =	ssyncadd.s32 $0xFFFFF000  }
0x5f: {  	[tilespmem:s15], [sflag:$0x2] =	stream.linear.gather [hbm4b:s0+s5], $0x280, $0x38;
	[tilespmem:$0x1EC00] =	vst v63  }
0x60: {  	_ =	swait.ge [sflag:s14], $0x280  }
0x61: {  	[sflag:s14] =	ssyncset.done $0x0  }
0x62: {  	[sflag:s14] =	ssyncadd.s32 $0xFFFFFD80  }
0x63: {  	[spmem:s4] =	stream.indirect.scatter.add.f32 [tilespmem:s5], [sflag:$0x1], $0x20, s15, s16, $0xb8;
	[tilespmem:$0x1EC00] =	vst v63  }
0x64: {  	_ = 	snop  }
0x65: {  	[spmem:s4] =	stream.indirect.scatter.add.f32 [tilespmem:s5], [sflag:$0x1], $0x20, s17, s16, $0xb8;
	[tilespmem:$0x1EC00] =	vst v63  }
0x66: {  	_ = 	snop  }
0x67: {  	[spmem:s4] =	stream.indirect.scatter.add.f32 [tilespmem:s5], [sflag:$0x1], $0x20, s18, s16, $0xb8;
	[tilespmem:$0x1EC00] =	vst v63  }
0x68: {  	_ = 	snop  }
0x69: {  	[spmem:s4] =	stream.indirect.scatter.add.f32 [tilespmem:s5], [sflag:$0x1], $0x20, s22, s16, $0xb8;
	[tilespmem:$0x1EC00] =	vst v63  }
0x6a: {  	_ = 	snop  }
0x6b: {  	[spmem:s4] =	stream.indirect.scatter.add.f32 [tilespmem:s5], [sflag:$0x1], $0x20, s25, s16, $0xb8;
	[tilespmem:$0x1EC00] =	vst v63  }
0x6c: {  	_ =	swait.ge [sflag:s26], $0x1000  }
0x6d: {  	[sflag:s26] =	ssyncset.done $0x0  }
0x6e: {  	[sflag:s26] =	ssyncadd.s32 $0xFFFFF000  }
0x6f: {  	_ =	swait.ge [sflag:s26], $0x1000  }
0x70: {  	[sflag:s26] =	ssyncset.done $0x0  }
0x71: {  	[sflag:s26] =	ssyncadd.s32 $0xFFFFF000  }
0x72: {  	_ =	swait.ge [sflag:s26], $0x1000  }
0x73: {  	[sflag:s26] =	ssyncset.done $0x0  }
0x74: {  	[sflag:s26] =	ssyncadd.s32 $0xFFFFF000  }
0x75: {  	_ =	swait.ge [sflag:s26], $0x1000  }
0x76: {  	[sflag:s26] =	ssyncset.done $0x0  }
0x77: {  	[sflag:s26] =	ssyncadd.s32 $0xFFFFF000  }
0x78: {  	_ =	swait.ge [sflag:s26], $0x1000  }
0x79: {  	[sflag:s26] =	ssyncset.done $0x0  }
0x7a: {  	[sflag:s26] =	ssyncadd.s32 $0xFFFFF000  }
0x7b: {  	[bflag:$0x0] =	sbarrier.arrive $0xFFFF  }
0x7c: {  	s13 =	rddreg [dreg:$0x6]  }
0x7d: {  	s9 =	rddreg [dreg:$0x9]  }
0x7e: {  	[hbm:s13], [sflag:s11] =	dma.local [spmem:s9], $0x30E0  }
0x7f: {  	_ =	swait.ge [sflag:s14], $0x30E0  }
0x80: {  	[sflag:s14] =	ssyncset.done $0x0  }
0x81: {  	[sflag:s14] =	ssyncadd.s32 $0xFFFFCF20  }
0x82: {  	s24 =	rddreg [dreg:$0x1]  }
0x83: {  	[spmem:s9], [sflag:s11] =	dma.local [hbm:s24], $0x30E0  }
0x84: {  	_ =	swait.ge [sflag:s14], $0x30E0  }
0x85: {  	[sflag:s14] =	ssyncset.done $0x0  }
0x86: {  	[sflag:s14] =	ssyncadd.s32 $0xFFFFCF20  }
0x87: {  	s13 =	sadd.s32 $0x0, s19;
	[bflag:$0x0] =	sbarrier.arrive $0xFFFF  }
0x88: {  	[tilespmem:s28], [sflag:$0x2] =	stream.linear.gather [hbm4b:s13+s5], $0x280, $0x38;
	[tilespmem:$0x1EC00] =	vst v63  }
0x89: {  	_ =	swait.ge [sflag:s14], $0x280  }
0x8a: {  	[sflag:s14] =	ssyncset.done $0x0;
	s24 =	rddreg [dreg:$0x5]  }
0x8b: {  	[sflag:s14] =	ssyncadd.s32 $0xFFFFFD80;
	s0 =	sadd.s32 $0x0, s24  }
0x8c: {  	[tilespmem:s15], [sflag:$0x2] =	stream.linear.gather [hbm4b:s0+s5], $0x280, $0x38;
	[tilespmem:$0x1EC00] =	vst v63  }
0x8d: {  	_ =	swait.ge [sflag:s14], $0x280  }
0x8e: {  	[sflag:s14] =	ssyncset.done $0x0  }
0x8f: {  	[sflag:s14] =	ssyncadd.s32 $0xFFFFFD80  }
0x90: {  	[tilespmem:s29], [sflag:$0x1] =	stream.indirect.gather [hbm4b:s6+s16], $0x20, s28, s16, $0xb8;
	[tilespmem:$0x1EC00] =	vst v63  }
0x91: {  	_ = 	snop  }
0x92: {  	[tilespmem:s31], [sflag:$0x1] =	stream.indirect.gather [hbm4b:s6+s16], $0x20, s30, s16, $0xb8;
	[tilespmem:$0x1EC00] =	vst v63  }
0x93: {  	_ = 	snop  }
0x94: {  	[tilespmem:s3], [sflag:$0x1] =	stream.indirect.gather [hbm4b:s6+s16], $0x20, s1, s16, $0xb8;
	[tilespmem:$0x1EC00] =	vst v63  }
0x95: {  	_ = 	snop  }
0x96: {  	[tilespmem:s8], [sflag:$0x1] =	stream.indirect.gather [hbm4b:s6+s16], $0x20, s2, s16, $0xb8;
	[tilespmem:$0x1EC00] =	vst v63  }
0x97: {  	_ = 	snop  }
0x98: {  	[tilespmem:s23], [sflag:$0x1] =	stream.indirect.gather [hbm4b:s6+s16], $0x20, s10, s16, $0xb8;
	[tilespmem:$0x1EC00] =	vst v63  }
0x99: {  	_ =	swait.ge [sflag:s26], $0x1000  }
0x9a: {  	[sflag:s26] =	ssyncset.done $0x0  }
0x9b: {  	[sflag:s26] =	ssyncadd.s32 $0xFFFFF000  }
0x9c: {  	_ =	swait.ge [sflag:s26], $0x1000  }
0x9d: {  	[sflag:s26] =	ssyncset.done $0x0  }
0x9e: {  	[sflag:s26] =	ssyncadd.s32 $0xFFFFF000  }
0x9f: {  	_ =	swait.ge [sflag:s26], $0x1000  }
0xa0: {  	[sflag:s26] =	ssyncset.done $0x0  }
0xa1: {  	[sflag:s26] =	ssyncadd.s32 $0xFFFFF000  }
0xa2: {  	_ =	swait.ge [sflag:s26], $0x1000  }
0xa3: {  	[sflag:s26] =	ssyncset.done $0x0  }
0xa4: {  	[sflag:s26] =	ssyncadd.s32 $0xFFFFF000  }
0xa5: {  	_ =	swait.ge [sflag:s26], $0x1000  }
0xa6: {  	[sflag:s26] =	ssyncset.done $0x0  }
0xa7: {  	[sflag:s26] =	ssyncadd.s32 $0xFFFFF000  }
0xa8: {  	[spmem:s4] =	stream.indirect.scatter.add.f32 [tilespmem:s29], [sflag:$0x1], $0x20, s15, s16, $0xb8;
	[tilespmem:$0x1EC00] =	vst v63  }
0xa9: {  	_ = 	snop  }
0xaa: {  	[spmem:s4] =	stream.indirect.scatter.add.f32 [tilespmem:s31], [sflag:$0x1], $0x20, s17, s16, $0xb8;
	[tilespmem:$0x1EC00] =	vst v63  }
0xab: {  	_ = 	snop  }
0xac: {  	[spmem:s4] =	stream.indirect.scatter.add.f32 [tilespmem:s3], [sflag:$0x1], $0x20, s18, s16, $0xb8;
	[tilespmem:$0x1EC00] =	vst v63  }
0xad: {  	_ = 	snop  }
0xae: {  	[spmem:s4] =	stream.indirect.scatter.add.f32 [tilespmem:s8], [sflag:$0x1], $0x20, s22, s16, $0xb8;
	[tilespmem:$0x1EC00] =	vst v63  }
0xaf: {  	_ = 	snop  }
0xb0: {  	[spmem:s4] =	stream.indirect.scatter.add.f32 [tilespmem:s23], [sflag:$0x1], $0x20, s25, s16, $0xb8;
	[tilespmem:$0x1EC00] =	vst v63  }
0xb1: {  	_ =	swait.ge [sflag:s26], $0x1000  }
0xb2: {  	[sflag:s26] =	ssyncset.done $0x0  }
0xb3: {  	[sflag:s26] =	ssyncadd.s32 $0xFFFFF000  }
0xb4: {  	_ =	swait.ge [sflag:s26], $0x1000  }
0xb5: {  	[sflag:s26] =	ssyncset.done $0x0  }
0xb6: {  	[sflag:s26] =	ssyncadd.s32 $0xFFFFF000  }
0xb7: {  	_ =	swait.ge [sflag:s26], $0x1000  }
0xb8: {  	[sflag:s26] =	ssyncset.done $0x0  }
0xb9: {  	[sflag:s26] =	ssyncadd.s32 $0xFFFFF000  }
0xba: {  	_ =	swait.ge [sflag:s26], $0x1000  }
0xbb: {  	[sflag:s26] =	ssyncset.done $0x0  }
0xbc: {  	[sflag:s26] =	ssyncadd.s32 $0xFFFFF000  }
0xbd: {  	_ =	swait.ge [sflag:s26], $0x1000  }
0xbe: {  	s9 =	simm.s32 $0xA0;
	s0 =	simm.s32 $0x50;
	[sflag:s26] =	ssyncset.done $0x0  }
.LBB2_4:
0xbf: {  	s24 =	sadd.s32 s0, s19;
	[sflag:s26] =	ssyncadd.s32 $0xFFFFF000  }
0xc0: {  	[tilespmem:s28], [sflag:$0x2] =	stream.linear.gather [hbm4b:s24+s5], $0x280, $0x38;
	[tilespmem:$0x1EC00] =	vst v63  }
0xc1: {  	s24 =	rddreg [dreg:$0x5];
	_ =	swait.ge [sflag:s14], $0x280  }
0xc2: {  	s11 =	smov.u32 s9;
	s13 =	sadd.s32 $0x50, s9;
	[sflag:s14] =	ssyncset.done $0x0  }
0xc3: {  	p0 =	sne.s32 s9, $0x18B0;
	s9 =	sadd.s32 s0, s24;
	[sflag:s14] =	ssyncadd.s32 $0xFFFFFD80  }
0xc4: {  	[tilespmem:s15], [sflag:$0x2] =	stream.linear.gather [hbm4b:s9+s5], $0x280, $0x38;
	[tilespmem:$0x1EC00] =	vst v63  }
0xc5: {  	_ =	swait.ge [sflag:s14], $0x280  }
0xc6: {  	[sflag:s14] =	ssyncset.done $0x0  }
0xc7: {  	[sflag:s14] =	ssyncadd.s32 $0xFFFFFD80  }
0xc8: {  	[tilespmem:s29], [sflag:$0x1] =	stream.indirect.gather [hbm4b:s6+s16], $0x20, s28, s16, $0xb8;
	[tilespmem:$0x1EC00] =	vst v63  }
0xc9: {  	_ = 	snop  }
0xca: {  	[tilespmem:s31], [sflag:$0x1] =	stream.indirect.gather [hbm4b:s6+s16], $0x20, s30, s16, $0xb8;
	[tilespmem:$0x1EC00] =	vst v63  }
0xcb: {  	_ = 	snop  }
0xcc: {  	[tilespmem:s3], [sflag:$0x1] =	stream.indirect.gather [hbm4b:s6+s16], $0x20, s1, s16, $0xb8;
	[tilespmem:$0x1EC00] =	vst v63  }
0xcd: {  	_ = 	snop  }
0xce: {  	[tilespmem:s8], [sflag:$0x1] =	stream.indirect.gather [hbm4b:s6+s16], $0x20, s2, s16, $0xb8;
	[tilespmem:$0x1EC00] =	vst v63  }
0xcf: {  	_ = 	snop  }
0xd0: {  	[tilespmem:s23], [sflag:$0x1] =	stream.indirect.gather [hbm4b:s6+s16], $0x20, s10, s16, $0xb8;
	[tilespmem:$0x1EC00] =	vst v63  }
0xd1: {  	_ =	swait.ge [sflag:s26], $0x1000  }
0xd2: {  	[sflag:s26] =	ssyncset.done $0x0  }
0xd3: {  	[sflag:s26] =	ssyncadd.s32 $0xFFFFF000  }
0xd4: {  	_ =	swait.ge [sflag:s26], $0x1000  }
0xd5: {  	[sflag:s26] =	ssyncset.done $0x0  }
0xd6: {  	[sflag:s26] =	ssyncadd.s32 $0xFFFFF000  }
0xd7: {  	_ =	swait.ge [sflag:s26], $0x1000  }
0xd8: {  	[sflag:s26] =	ssyncset.done $0x0  }
0xd9: {  	[sflag:s26] =	ssyncadd.s32 $0xFFFFF000  }
0xda: {  	_ =	swait.ge [sflag:s26], $0x1000  }
0xdb: {  	[sflag:s26] =	ssyncset.done $0x0  }
0xdc: {  	[sflag:s26] =	ssyncadd.s32 $0xFFFFF000  }
0xdd: {  	_ =	swait.ge [sflag:s26], $0x1000  }
0xde: {  	[sflag:s26] =	ssyncset.done $0x0  }
0xdf: {  	[sflag:s26] =	ssyncadd.s32 $0xFFFFF000  }
0xe0: {  	[spmem:s4] =	stream.indirect.scatter.add.f32 [tilespmem:s29], [sflag:$0x1], $0x20, s15, s16, $0xb8;
	[tilespmem:$0x1EC00] =	vst v63  }
0xe1: {  	_ = 	snop  }
0xe2: {  	[spmem:s4] =	stream.indirect.scatter.add.f32 [tilespmem:s31], [sflag:$0x1], $0x20, s17, s16, $0xb8;
	[tilespmem:$0x1EC00] =	vst v63  }
0xe3: {  	_ = 	snop  }
0xe4: {  	[spmem:s4] =	stream.indirect.scatter.add.f32 [tilespmem:s3], [sflag:$0x1], $0x20, s18, s16, $0xb8;
	[tilespmem:$0x1EC00] =	vst v63  }
0xe5: {  	_ = 	snop  }
0xe6: {  	[spmem:s4] =	stream.indirect.scatter.add.f32 [tilespmem:s8], [sflag:$0x1], $0x20, s22, s16, $0xb8;
	[tilespmem:$0x1EC00] =	vst v63  }
0xe7: {  	_ = 	snop  }
0xe8: {  	[spmem:s4] =	stream.indirect.scatter.add.f32 [tilespmem:s23], [sflag:$0x1], $0x20, s25, s16, $0xb8;
	[tilespmem:$0x1EC00] =	vst v63  }
0xe9: {  	_ =	swait.ge [sflag:s26], $0x1000  }
0xea: {  	[sflag:s26] =	ssyncset.done $0x0  }
0xeb: {  	[sflag:s26] =	ssyncadd.s32 $0xFFFFF000  }
0xec: {  	_ =	swait.ge [sflag:s26], $0x1000  }
0xed: {  	[sflag:s26] =	ssyncset.done $0x0  }
0xee: {  	[sflag:s26] =	ssyncadd.s32 $0xFFFFF000  }
0xef: {  	_ =	swait.ge [sflag:s26], $0x1000  }
0xf0: {  	[sflag:s26] =	ssyncset.done $0x0  }
0xf1: {  	[sflag:s26] =	ssyncadd.s32 $0xFFFFF000  }
.Ltmp1:
0xf2: {  	_ =	swait.ge [sflag:s26], $0x1000;
	(pc) =	sbr.rel @p0 .LBB2_4-.Ltmp1, $4  }
0xf3: {  	[sflag:s26] =	ssyncset.done $0x0  }
0xf4: {  	[sflag:s26] =	ssyncadd.s32 $0xFFFFF000  }
0xf5: {  	_ =	swait.ge [sflag:s26], $0x1000  }
0xf6: {  	s0 =	smov.u32 s11;
	s9 =	smov.u32 s13;
	[sflag:s26] =	ssyncset.done $0x0  }
0xf7: {  	s9 =	sadd.s32 s0, s19;
	[sflag:s26] =	ssyncadd.s32 $0xFFFFF000  }
0xf8: {  	[tilespmem:s28], [sflag:$0x2] =	stream.linear.gather [hbm4b:s9+s5], $0x280, $0x38;
	[tilespmem:$0x1EC00] =	vst v63  }
0xf9: {  	_ =	swait.ge [sflag:s14], $0x280  }
0xfa: {  	[sflag:s14] =	ssyncset.done $0x0  }
0xfb: {  	s11 =	sadd.s32 s0, s24;
	[sflag:s14] =	ssyncadd.s32 $0xFFFFFD80  }
0xfc: {  	[tilespmem:s15], [sflag:$0x2] =	stream.linear.gather [hbm4b:s11+s5], $0x280, $0x38;
	[tilespmem:$0x1EC00] =	vst v63  }
0xfd: {  	_ =	swait.ge [sflag:s14], $0x280  }
0xfe: {  	[sflag:s14] =	ssyncset.done $0x0  }
0xff: {  	[sflag:s14] =	ssyncadd.s32 $0xFFFFFD80  }
0x100: {  	[tilespmem:s29], [sflag:$0x1] =	stream.indirect.gather [hbm4b:s6+s16], $0x20, s28, s16, $0xb8;
	[tilespmem:$0x1EC00] =	vst v63  }
0x101: {  	_ = 	snop  }
0x102: {  	[tilespmem:s31], [sflag:$0x1] =	stream.indirect.gather [hbm4b:s6+s16], $0x20, s30, s16, $0xb8;
	[tilespmem:$0x1EC00] =	vst v63  }
0x103: {  	_ = 	snop  }
0x104: {  	[tilespmem:s3], [sflag:$0x1] =	stream.indirect.gather [hbm4b:s6+s16], $0x20, s1, s16, $0xb8;
	[tilespmem:$0x1EC00] =	vst v63  }
0x105: {  	_ = 	snop  }
0x106: {  	[tilespmem:s8], [sflag:$0x1] =	stream.indirect.gather [hbm4b:s6+s16], $0x20, s2, s16, $0xb8;
	[tilespmem:$0x1EC00] =	vst v63  }
0x107: {  	_ = 	snop  }
0x108: {  	[tilespmem:s23], [sflag:$0x1] =	stream.indirect.gather [hbm4b:s6+s16], $0x20, s10, s16, $0xb8;
	[tilespmem:$0x1EC00] =	vst v63  }
0x109: {  	_ =	swait.ge [sflag:s26], $0x1000  }
0x10a: {  	[sflag:s26] =	ssyncset.done $0x0  }
0x10b: {  	[sflag:s26] =	ssyncadd.s32 $0xFFFFF000  }
0x10c: {  	_ =	swait.ge [sflag:s26], $0x1000  }
0x10d: {  	[sflag:s26] =	ssyncset.done $0x0  }
0x10e: {  	[sflag:s26] =	ssyncadd.s32 $0xFFFFF000  }
0x10f: {  	_ =	swait.ge [sflag:s26], $0x1000  }
0x110: {  	[sflag:s26] =	ssyncset.done $0x0  }
0x111: {  	[sflag:s26] =	ssyncadd.s32 $0xFFFFF000  }
0x112: {  	_ =	swait.ge [sflag:s26], $0x1000  }
0x113: {  	[sflag:s26] =	ssyncset.done $0x0  }
0x114: {  	[sflag:s26] =	ssyncadd.s32 $0xFFFFF000  }
0x115: {  	_ =	swait.ge [sflag:s26], $0x1000  }
0x116: {  	[sflag:s26] =	ssyncset.done $0x0  }
0x117: {  	[sflag:s26] =	ssyncadd.s32 $0xFFFFF000  }
0x118: {  	[spmem:s4] =	stream.indirect.scatter.add.f32 [tilespmem:s29], [sflag:$0x1], $0x20, s15, s16, $0xb8;
	[tilespmem:$0x1EC00] =	vst v63  }
0x119: {  	_ = 	snop  }
0x11a: {  	[spmem:s4] =	stream.indirect.scatter.add.f32 [tilespmem:s31], [sflag:$0x1], $0x20, s17, s16, $0xb8;
	[tilespmem:$0x1EC00] =	vst v63  }
0x11b: {  	_ = 	snop  }
0x11c: {  	[spmem:s4] =	stream.indirect.scatter.add.f32 [tilespmem:s3], [sflag:$0x1], $0x20, s18, s16, $0xb8;
	[tilespmem:$0x1EC00] =	vst v63  }
0x11d: {  	_ = 	snop  }
0x11e: {  	[spmem:s4] =	stream.indirect.scatter.add.f32 [tilespmem:s8], [sflag:$0x1], $0x20, s22, s16, $0xb8;
	[tilespmem:$0x1EC00] =	vst v63  }
0x11f: {  	_ = 	snop  }
0x120: {  	[spmem:s4] =	stream.indirect.scatter.add.f32 [tilespmem:s23], [sflag:$0x1], $0x20, s25, s16, $0xb8;
	[tilespmem:$0x1EC00] =	vst v63  }
0x121: {  	_ =	swait.ge [sflag:s26], $0x1000  }
0x122: {  	[sflag:s26] =	ssyncset.done $0x0  }
0x123: {  	[sflag:s26] =	ssyncadd.s32 $0xFFFFF000  }
0x124: {  	_ =	swait.ge [sflag:s26], $0x1000  }
0x125: {  	[sflag:s26] =	ssyncset.done $0x0  }
0x126: {  	[sflag:s26] =	ssyncadd.s32 $0xFFFFF000  }
0x127: {  	_ =	swait.ge [sflag:s26], $0x1000  }
0x128: {  	[sflag:s26] =	ssyncset.done $0x0  }
0x129: {  	[sflag:s26] =	ssyncadd.s32 $0xFFFFF000  }
0x12a: {  	_ =	swait.ge [sflag:s26], $0x1000  }
0x12b: {  	[sflag:s26] =	ssyncset.done $0x0  }
0x12c: {  	[sflag:s26] =	ssyncadd.s32 $0xFFFFF000  }
0x12d: {  	_ =	swait.ge [sflag:s26], $0x1000  }
0x12e: {  	[sflag:s26] =	ssyncset.done $0x0  }
0x12f: {  	[sflag:s26] =	ssyncadd.s32 $0xFFFFF000  }
0x130: {  	[bflag:$0x0] =	sbarrier.arrive $0xFFFF  }
0x131: {  	s9 =	rddreg [dreg:$0x7]  }
0x132: {  	s11 =	rddreg [dreg:$0x9]  }
0x133: {  	s13 =	rddreg [dreg:$0xa]  }
0x134: {  	[hbm:s13], [sflag:s9] =	dma.local [spmem:s11], $0x30E0  }
0x135: {  	_ =	swait.ge [sflag:s14], $0x30E0  }
0x136: {  	[sflag:s14] =	ssyncset.done $0x0  }
0x137: {  	[sflag:s14] =	ssyncadd.s32 $0xFFFFCF20  }
0x138: {  	s24 =	rddreg [dreg:$0x1]  }
0x139: {  	[spmem:s11], [sflag:s9] =	dma.local [hbm:s24], $0x30E0  }
0x13a: {  	_ =	swait.ge [sflag:s14], $0x30E0  }
0x13b: {  	[sflag:s14] =	ssyncset.done $0x0  }
0x13c: {  	[sflag:s14] =	ssyncadd.s32 $0xFFFFCF20  }
0x13d: {  	s13 =	sadd.s32 $0x0, s20;
	[bflag:$0x0] =	sbarrier.arrive $0xFFFF  }
0x13e: {  	[tilespmem:s28], [sflag:$0x2] =	stream.linear.gather [hbm4b:s13+s5], $0x280, $0x38;
	[tilespmem:$0x1EC00] =	vst v63  }
0x13f: {  	_ =	swait.ge [sflag:s14], $0x280  }
0x140: {  	[sflag:s14] =	ssyncset.done $0x0  }
0x141: {  	s24 =	sadd.s32 $0x0, s21;
	[sflag:s14] =	ssyncadd.s32 $0xFFFFFD80  }
0x142: {  	[tilespmem:s15], [sflag:$0x2] =	stream.linear.gather [hbm4b:s24+s5], $0x280, $0x38;
	[tilespmem:$0x1EC00] =	vst v63  }
0x143: {  	_ =	swait.ge [sflag:s14], $0x280  }
0x144: {  	[sflag:s14] =	ssyncset.done $0x0  }
0x145: {  	[sflag:s14] =	ssyncadd.s32 $0xFFFFFD80  }
0x146: {  	[tilespmem:s29], [sflag:$0x1] =	stream.indirect.gather [hbm4b:s7+s16], $0x20, s28, s16, $0xb8;
	[tilespmem:$0x1EC00] =	vst v63  }
0x147: {  	_ = 	snop  }
0x148: {  	[tilespmem:s31], [sflag:$0x1] =	stream.indirect.gather [hbm4b:s7+s16], $0x20, s30, s16, $0xb8;
	[tilespmem:$0x1EC00] =	vst v63  }
0x149: {  	_ = 	snop  }
0x14a: {  	[tilespmem:s3], [sflag:$0x1] =	stream.indirect.gather [hbm4b:s7+s16], $0x20, s1, s16, $0xb8;
	[tilespmem:$0x1EC00] =	vst v63  }
0x14b: {  	_ = 	snop  }
0x14c: {  	[tilespmem:s8], [sflag:$0x1] =	stream.indirect.gather [hbm4b:s7+s16], $0x20, s2, s16, $0xb8;
	[tilespmem:$0x1EC00] =	vst v63  }
0x14d: {  	_ = 	snop  }
0x14e: {  	[tilespmem:s23], [sflag:$0x1] =	stream.indirect.gather [hbm4b:s7+s16], $0x20, s10, s16, $0xb8;
	[tilespmem:$0x1EC00] =	vst v63  }
0x14f: {  	_ =	swait.ge [sflag:s26], $0x1000  }
0x150: {  	[sflag:s26] =	ssyncset.done $0x0  }
0x151: {  	[sflag:s26] =	ssyncadd.s32 $0xFFFFF000  }
0x152: {  	_ =	swait.ge [sflag:s26], $0x1000  }
0x153: {  	[sflag:s26] =	ssyncset.done $0x0  }
0x154: {  	[sflag:s26] =	ssyncadd.s32 $0xFFFFF000  }
0x155: {  	_ =	swait.ge [sflag:s26], $0x1000  }
0x156: {  	[sflag:s26] =	ssyncset.done $0x0  }
0x157: {  	[sflag:s26] =	ssyncadd.s32 $0xFFFFF000  }
0x158: {  	_ =	swait.ge [sflag:s26], $0x1000  }
0x159: {  	[sflag:s26] =	ssyncset.done $0x0  }
0x15a: {  	[sflag:s26] =	ssyncadd.s32 $0xFFFFF000  }
0x15b: {  	_ =	swait.ge [sflag:s26], $0x1000  }
0x15c: {  	[sflag:s26] =	ssyncset.done $0x0  }
0x15d: {  	[sflag:s26] =	ssyncadd.s32 $0xFFFFF000  }
0x15e: {  	[spmem:s4] =	stream.indirect.scatter.add.f32 [tilespmem:s29], [sflag:$0x1], $0x20, s15, s16, $0xb8;
	[tilespmem:$0x1EC00] =	vst v63  }
0x15f: {  	_ = 	snop  }
0x160: {  	[spmem:s4] =	stream.indirect.scatter.add.f32 [tilespmem:s31], [sflag:$0x1], $0x20, s17, s16, $0xb8;
	[tilespmem:$0x1EC00] =	vst v63  }
0x161: {  	_ = 	snop  }
0x162: {  	[spmem:s4] =	stream.indirect.scatter.add.f32 [tilespmem:s3], [sflag:$0x1], $0x20, s18, s16, $0xb8;
	[tilespmem:$0x1EC00] =	vst v63  }
0x163: {  	_ = 	snop  }
0x164: {  	[spmem:s4] =	stream.indirect.scatter.add.f32 [tilespmem:s8], [sflag:$0x1], $0x20, s22, s16, $0xb8;
	[tilespmem:$0x1EC00] =	vst v63  }
0x165: {  	_ = 	snop  }
0x166: {  	[spmem:s4] =	stream.indirect.scatter.add.f32 [tilespmem:s23], [sflag:$0x1], $0x20, s25, s16, $0xb8;
	[tilespmem:$0x1EC00] =	vst v63  }
0x167: {  	_ =	swait.ge [sflag:s26], $0x1000  }
0x168: {  	[sflag:s26] =	ssyncset.done $0x0  }
0x169: {  	[sflag:s26] =	ssyncadd.s32 $0xFFFFF000  }
0x16a: {  	_ =	swait.ge [sflag:s26], $0x1000  }
0x16b: {  	[sflag:s26] =	ssyncset.done $0x0  }
0x16c: {  	[sflag:s26] =	ssyncadd.s32 $0xFFFFF000  }
0x16d: {  	_ =	swait.ge [sflag:s26], $0x1000  }
0x16e: {  	[sflag:s26] =	ssyncset.done $0x0  }
0x16f: {  	[sflag:s26] =	ssyncadd.s32 $0xFFFFF000  }
0x170: {  	_ =	swait.ge [sflag:s26], $0x1000  }
0x171: {  	[sflag:s26] =	ssyncset.done $0x0  }
0x172: {  	[sflag:s26] =	ssyncadd.s32 $0xFFFFF000  }
0x173: {  	_ =	swait.ge [sflag:s26], $0x1000  }
0x174: {  	s0 =	simm.s32 $0x50;
	s13 =	simm.s32 $0xA0;
	[sflag:s26] =	ssyncset.done $0x0  }
.LBB2_6:
0x175: {  	s11 =	sadd.s32 s0, s20  }
0x176: {  	[sflag:s26] =	ssyncadd.s32 $0xFFFFF000;
	s24 =	smov.u32 s13;
	s9 =	sadd.s32 $0x50, s13  }
0x177: {  	[tilespmem:s28], [sflag:$0x2] =	stream.linear.gather [hbm4b:s11+s5], $0x280, $0x38;
	[tilespmem:$0x1EC00] =	vst v63  }
0x178: {  	p0 =	sne.s32 s13, $0x18B0;
	_ =	swait.ge [sflag:s14], $0x280  }
0x179: {  	[sflag:s14] =	ssyncset.done $0x0  }
0x17a: {  	s11 =	sadd.s32 s0, s21;
	s0 =	smov.u32 s24;
	[sflag:s14] =	ssyncadd.s32 $0xFFFFFD80  }
0x17b: {  	[tilespmem:s15], [sflag:$0x2] =	stream.linear.gather [hbm4b:s11+s5], $0x280, $0x38;
	[tilespmem:$0x1EC00] =	vst v63  }
0x17c: {  	_ =	swait.ge [sflag:s14], $0x280  }
0x17d: {  	[sflag:s14] =	ssyncset.done $0x0  }
0x17e: {  	[sflag:s14] =	ssyncadd.s32 $0xFFFFFD80  }
0x17f: {  	[tilespmem:s29], [sflag:$0x1] =	stream.indirect.gather [hbm4b:s7+s16], $0x20, s28, s16, $0xb8;
	[tilespmem:$0x1EC00] =	vst v63  }
0x180: {  	_ = 	snop  }
0x181: {  	[tilespmem:s31], [sflag:$0x1] =	stream.indirect.gather [hbm4b:s7+s16], $0x20, s30, s16, $0xb8;
	[tilespmem:$0x1EC00] =	vst v63  }
0x182: {  	_ = 	snop  }
0x183: {  	[tilespmem:s3], [sflag:$0x1] =	stream.indirect.gather [hbm4b:s7+s16], $0x20, s1, s16, $0xb8;
	[tilespmem:$0x1EC00] =	vst v63  }
0x184: {  	_ = 	snop  }
0x185: {  	[tilespmem:s8], [sflag:$0x1] =	stream.indirect.gather [hbm4b:s7+s16], $0x20, s2, s16, $0xb8;
	[tilespmem:$0x1EC00] =	vst v63  }
0x186: {  	_ = 	snop  }
0x187: {  	[tilespmem:s23], [sflag:$0x1] =	stream.indirect.gather [hbm4b:s7+s16], $0x20, s10, s16, $0xb8;
	[tilespmem:$0x1EC00] =	vst v63  }
0x188: {  	_ =	swait.ge [sflag:s26], $0x1000  }
0x189: {  	[sflag:s26] =	ssyncset.done $0x0  }
0x18a: {  	[sflag:s26] =	ssyncadd.s32 $0xFFFFF000  }
0x18b: {  	_ =	swait.ge [sflag:s26], $0x1000  }
0x18c: {  	[sflag:s26] =	ssyncset.done $0x0  }
0x18d: {  	[sflag:s26] =	ssyncadd.s32 $0xFFFFF000  }
0x18e: {  	_ =	swait.ge [sflag:s26], $0x1000  }
0x18f: {  	[sflag:s26] =	ssyncset.done $0x0  }
0x190: {  	[sflag:s26] =	ssyncadd.s32 $0xFFFFF000  }
0x191: {  	_ =	swait.ge [sflag:s26], $0x1000  }
0x192: {  	[sflag:s26] =	ssyncset.done $0x0  }
0x193: {  	[sflag:s26] =	ssyncadd.s32 $0xFFFFF000  }
0x194: {  	_ =	swait.ge [sflag:s26], $0x1000  }
0x195: {  	[sflag:s26] =	ssyncset.done $0x0  }
0x196: {  	[sflag:s26] =	ssyncadd.s32 $0xFFFFF000  }
0x197: {  	[spmem:s4] =	stream.indirect.scatter.add.f32 [tilespmem:s29], [sflag:$0x1], $0x20, s15, s16, $0xb8;
	[tilespmem:$0x1EC00] =	vst v63  }
0x198: {  	_ = 	snop  }
0x199: {  	[spmem:s4] =	stream.indirect.scatter.add.f32 [tilespmem:s31], [sflag:$0x1], $0x20, s17, s16, $0xb8;
	[tilespmem:$0x1EC00] =	vst v63  }
0x19a: {  	_ = 	snop  }
0x19b: {  	[spmem:s4] =	stream.indirect.scatter.add.f32 [tilespmem:s3], [sflag:$0x1], $0x20, s18, s16, $0xb8;
	[tilespmem:$0x1EC00] =	vst v63  }
0x19c: {  	_ = 	snop  }
0x19d: {  	[spmem:s4] =	stream.indirect.scatter.add.f32 [tilespmem:s8], [sflag:$0x1], $0x20, s22, s16, $0xb8;
	[tilespmem:$0x1EC00] =	vst v63  }
0x19e: {  	_ = 	snop  }
0x19f: {  	[spmem:s4] =	stream.indirect.scatter.add.f32 [tilespmem:s23], [sflag:$0x1], $0x20, s25, s16, $0xb8;
	[tilespmem:$0x1EC00] =	vst v63  }
0x1a0: {  	_ =	swait.ge [sflag:s26], $0x1000  }
0x1a1: {  	[sflag:s26] =	ssyncset.done $0x0  }
0x1a2: {  	[sflag:s26] =	ssyncadd.s32 $0xFFFFF000  }
0x1a3: {  	_ =	swait.ge [sflag:s26], $0x1000  }
0x1a4: {  	[sflag:s26] =	ssyncset.done $0x0  }
0x1a5: {  	[sflag:s26] =	ssyncadd.s32 $0xFFFFF000  }
0x1a6: {  	_ =	swait.ge [sflag:s26], $0x1000  }
0x1a7: {  	[sflag:s26] =	ssyncset.done $0x0  }
0x1a8: {  	[sflag:s26] =	ssyncadd.s32 $0xFFFFF000  }
.Ltmp2:
0x1a9: {  	_ =	swait.ge [sflag:s26], $0x1000;
	(pc) =	sbr.rel @p0 .LBB2_6-.Ltmp2, $4  }
0x1aa: {  	[sflag:s26] =	ssyncset.done $0x0  }
0x1ab: {  	[sflag:s26] =	ssyncadd.s32 $0xFFFFF000  }
0x1ac: {  	_ =	swait.ge [sflag:s26], $0x1000  }
0x1ad: {  	s13 =	smov.u32 s9;
	[sflag:s26] =	ssyncset.done $0x0  }
0x1ae: {  	s9 =	sadd.s32 s0, s20;
	[sflag:s26] =	ssyncadd.s32 $0xFFFFF000  }
0x1af: {  	[tilespmem:s28], [sflag:$0x2] =	stream.linear.gather [hbm4b:s9+s5], $0x280, $0x38;
	[tilespmem:$0x1EC00] =	vst v63  }
0x1b0: {  	_ =	swait.ge [sflag:s14], $0x280  }
0x1b1: {  	[sflag:s14] =	ssyncset.done $0x0  }
0x1b2: {  	s13 =	sadd.s32 s0, s21;
	[sflag:s14] =	ssyncadd.s32 $0xFFFFFD80  }
0x1b3: {  	[tilespmem:s15], [sflag:$0x2] =	stream.linear.gather [hbm4b:s13+s5], $0x280, $0x38;
	[tilespmem:$0x1EC00] =	vst v63  }
0x1b4: {  	_ =	swait.ge [sflag:s14], $0x280  }
0x1b5: {  	[sflag:s14] =	ssyncset.done $0x0  }
0x1b6: {  	[sflag:s14] =	ssyncadd.s32 $0xFFFFFD80  }
0x1b7: {  	[tilespmem:s29], [sflag:$0x1] =	stream.indirect.gather [hbm4b:s7+s16], $0x20, s28, s16, $0xb8;
	[tilespmem:$0x1EC00] =	vst v63  }
0x1b8: {  	_ = 	snop  }
0x1b9: {  	[tilespmem:s31], [sflag:$0x1] =	stream.indirect.gather [hbm4b:s7+s16], $0x20, s30, s16, $0xb8;
	[tilespmem:$0x1EC00] =	vst v63  }
0x1ba: {  	_ = 	snop  }
0x1bb: {  	[tilespmem:s3], [sflag:$0x1] =	stream.indirect.gather [hbm4b:s7+s16], $0x20, s1, s16, $0xb8;
	[tilespmem:$0x1EC00] =	vst v63  }
0x1bc: {  	_ = 	snop  }
0x1bd: {  	[tilespmem:s8], [sflag:$0x1] =	stream.indirect.gather [hbm4b:s7+s16], $0x20, s2, s16, $0xb8;
	[tilespmem:$0x1EC00] =	vst v63  }
0x1be: {  	_ = 	snop  }
0x1bf: {  	[tilespmem:s23], [sflag:$0x1] =	stream.indirect.gather [hbm4b:s7+s16], $0x20, s10, s16, $0xb8;
	[tilespmem:$0x1EC00] =	vst v63  }
0x1c0: {  	_ =	swait.ge [sflag:s26], $0x1000  }
0x1c1: {  	[sflag:s26] =	ssyncset.done $0x0  }
0x1c2: {  	[sflag:s26] =	ssyncadd.s32 $0xFFFFF000  }
0x1c3: {  	_ =	swait.ge [sflag:s26], $0x1000  }
0x1c4: {  	[sflag:s26] =	ssyncset.done $0x0  }
0x1c5: {  	[sflag:s26] =	ssyncadd.s32 $0xFFFFF000  }
0x1c6: {  	_ =	swait.ge [sflag:s26], $0x1000  }
0x1c7: {  	[sflag:s26] =	ssyncset.done $0x0  }
0x1c8: {  	[sflag:s26] =	ssyncadd.s32 $0xFFFFF000  }
0x1c9: {  	_ =	swait.ge [sflag:s26], $0x1000  }
0x1ca: {  	[sflag:s26] =	ssyncset.done $0x0  }
0x1cb: {  	[sflag:s26] =	ssyncadd.s32 $0xFFFFF000  }
0x1cc: {  	_ =	swait.ge [sflag:s26], $0x1000  }
0x1cd: {  	[sflag:s26] =	ssyncset.done $0x0  }
0x1ce: {  	[sflag:s26] =	ssyncadd.s32 $0xFFFFF000  }
0x1cf: {  	[spmem:s4] =	stream.indirect.scatter.add.f32 [tilespmem:s29], [sflag:$0x1], $0x20, s15, s16, $0xb8;
	[tilespmem:$0x1EC00] =	vst v63  }
0x1d0: {  	_ = 	snop  }
0x1d1: {  	[spmem:s4] =	stream.indirect.scatter.add.f32 [tilespmem:s31], [sflag:$0x1], $0x20, s17, s16, $0xb8;
	[tilespmem:$0x1EC00] =	vst v63  }
0x1d2: {  	_ = 	snop  }
0x1d3: {  	[spmem:s4] =	stream.indirect.scatter.add.f32 [tilespmem:s3], [sflag:$0x1], $0x20, s18, s16, $0xb8;
	[tilespmem:$0x1EC00] =	vst v63  }
0x1d4: {  	_ = 	snop  }
0x1d5: {  	[spmem:s4] =	stream.indirect.scatter.add.f32 [tilespmem:s8], [sflag:$0x1], $0x20, s22, s16, $0xb8;
	[tilespmem:$0x1EC00] =	vst v63  }
0x1d6: {  	_ = 	snop  }
0x1d7: {  	[spmem:s4] =	stream.indirect.scatter.add.f32 [tilespmem:s23], [sflag:$0x1], $0x20, s25, s16, $0xb8;
	[tilespmem:$0x1EC00] =	vst v63  }
0x1d8: {  	_ =	swait.ge [sflag:s26], $0x1000  }
0x1d9: {  	[sflag:s26] =	ssyncset.done $0x0  }
0x1da: {  	[sflag:s26] =	ssyncadd.s32 $0xFFFFF000  }
0x1db: {  	_ =	swait.ge [sflag:s26], $0x1000  }
0x1dc: {  	[sflag:s26] =	ssyncset.done $0x0  }
0x1dd: {  	[sflag:s26] =	ssyncadd.s32 $0xFFFFF000  }
0x1de: {  	_ =	swait.ge [sflag:s26], $0x1000  }
0x1df: {  	[sflag:s26] =	ssyncset.done $0x0  }
0x1e0: {  	[sflag:s26] =	ssyncadd.s32 $0xFFFFF000  }
0x1e1: {  	_ =	swait.ge [sflag:s26], $0x1000  }
0x1e2: {  	[sflag:s26] =	ssyncset.done $0x0  }
0x1e3: {  	[sflag:s26] =	ssyncadd.s32 $0xFFFFF000  }
0x1e4: {  	_ =	swait.ge [sflag:s26], $0x1000  }
0x1e5: {  	[sflag:s26] =	ssyncset.done $0x0  }
0x1e6: {  	[sflag:s26] =	ssyncadd.s32 $0xFFFFF000  }
0x1e7: {  	[bflag:$0x0] =	sbarrier.arrive $0xFFFF  }
0x1e8: {  	s11 =	rddreg [dreg:$0x7]  }
0x1e9: {  	s13 =	rddreg [dreg:$0x9]  }
0x1ea: {  	s24 =	rddreg [dreg:$0xb]  }
0x1eb: {  	[hbm:s24], [sflag:s11] =	dma.local [spmem:s13], $0x30E0  }
0x1ec: {  	_ =	swait.ge [sflag:s14], $0x30E0  }
0x1ed: {  	s0 =	rddreg [dreg:$0xc]  }
0x1ee: {  	s24 =	rddreg [dreg:$0x8];
	s9 =	sadd.s32 $0x1, s0  }
0x1ef: {  	p0 =	sne.s32 s9, s24  }
.Ltmp3:
0x1f0: {  	_ = 	snop;
	(pc) =	sbr.rel @p0 .LBB2_1-.Ltmp3, $3  }
0x1f1: {  	_ =	sdelay $0x1  }
0x1f2: {  	[sflag:s14] =	ssyncset.done $0x0  }
0x1f3: {  	[sflag:s14] =	ssyncadd.s32 $0xFFFFCF20;
	s24 =	smov.u32 s12  }
0x1f4: {  	_ =	sfence.sel $0x180000  }
0x1f5: {  	[bflag:$0x0] =	sbarrier.arrive $0xFFFF  }
0x1f6: {  	_ =	strace $0x90000047  }
0x1f7: {  	s0 =	stileid.u32;
	[bflag:$0x2] =	sbarrier.arrive $0xFFFF  }
0x1f8: {  	p0 =	sne.s32 s0, $0x0;
	s0 =	rddreg [dreg:$0x4]  }
0x1f9: {  	s0 =	sadd.s32 @!p0 $0x100000, s0  }
0x1fa: {  	[sflag:s0] =	ssyncadd.tile.s32 @!p0 $0x1;
	_ =	shalt  }
.Lfunc_end2:
_tile_overlayer_lowered:
.L_overlay_start_2:
0x1fb: {  	(tag) =	ssettag $0x2  }
0x1fc: {  	s0 =	rddreg [dreg:$0x0];
	s2 =	stileid.u32  }
0x1fd: {  	s1 =	rddreg [dreg:$0x1];
	p0 =	sne.s32 s2, $0x0  }
0x1fe: {  	s3 =	rddreg [dreg:$0x2];
	[bflag:$0x3] =	sbarrier.arrive $0xFFFF;
	s2 =	simm.s32 @!p0 $0x1C02  }
0x1ff: {  	[timem:s3], [sflag:s2] =	dma.local @!p0 [hbm:s0], s1  }
0x200: {  	s0 =	simm.s32 @!p0 $0x2  }
0x201: {  	_ =	swait.ge @!p0 [sflag:s0], s1  }
0x202: {  	s1 =	ssub.s32 @!p0 $0x0, s1;
	[sflag:s0] =	ssyncset.done @!p0 $0x0  }
0x203: {  	[sflag:s0] =	ssyncadd.s32 @!p0 s1  }
0x204: {  	[bflag:$0x3] =	sbarrier.arrive $0xFFFF  }
0x205: {  	_ =	shalt  }

// kernel: kernel.9.cloned.1.call-start
scs
__scs_entry_jumppad:
0x0: {  	(pc) =	sbr.rel $0x88, $3  }
0x1: {  	(tag) =	ssettag $0x0;
	lr =	simm.s32 $0x1  }
0x2: {  	[smem:$0x3F92] =	sst lr;
	_ =	strace $0xD0000000  }
0x3: {  	_ = 	snop  }
0x4: {  	_ = 	snop  }
0x5: {  	_ = 	snop  }
0x6: {  	_ = 	snop  }
0x7: {  	_ = 	snop  }
__scs_overlays_trampoline_lowered:
0x8: {  	[smem:$0x3FA1] =	sst s0  }
0x9: {  	[smem:$0x3FA2] =	sst s1  }
0xa: {  	[smem:$0x3FA3] =	sst s2  }
0xb: {  	[smem:$0x3FA4] =	sst s3  }
0xc: {  	[smem:$0x3FA5] =	sst s4  }
0xd: {  	[smem:$0x3FA6] =	sst s5  }
0xe: {  	[smem:$0x3FA7] =	sst s6  }
0xf: {  	[smem:$0x3FA8] =	sst s7  }
0x10: {  	[smem:$0x3FA9] =	sst s8  }
0x11: {  	[smem:$0x3FAA] =	sst s9;
	s0 =	simm.s32 @!p0 $0x0  }
0x12: {  	s1 =	sld [smem:$0x3F90];
	s0 =	simm.s32 @p0 $0x1  }
0x13: {  	[smem:$0x3FAB] =	sst s0;
	s0 =	simm.s32 @!p1 $0x0  }
0x14: {  	s2 =	sld [smem:$0x3F8F];
	s0 =	simm.s32 @p1 $0x1  }
0x15: {  	[smem:$0x3FAC] =	sst s0;
	s0 =	simm.s32 @!p2 $0x0  }
0x16: {  	s3 =	sld [smem:$0x3FDB];
	s0 =	simm.s32 @p2 $0x1  }
0x17: {  	s4 =	simm.s32 $0x1BF5;
	[smem:$0x3FAE] =	sst s0  }
0x18: {  	s0 =	sld [smem:$0x3F91];
	_ =	swait.ge [sflag:s4], $0x0  }
0x19: {  	s7 =	sld [smem:$0x3F92]  }
0x1a: {  	s8 =	sadd.s32 $0xFFFFE003, lr  }
0x1b: {  	s9 =	sadd.s32 $0xFFFFFEF7, lr;
	s5 =	simm.s32 $0xFFFFFFFF;
	p2 =	slt.u32 s8, $0xFFFFF086  }
0x1c: {  	p1 =	slt.u32 s9, $0xF7A;
	s5 =	simm.s32 @!p2 $0x0  }
0x1d: {  	s5 =	simm.s32 @p1 $0x1;
	p0 =	seq.s32 s7, s2  }
0x1e: {  	s7 =	smul.u32 @!p0 $0xF7A, s2;
	p2 =	seq.s32 @!p0 s5, $0x0  }
0x1f: {  	s9 =	smul.u32 $0xF7A, s1;
	s8 =	simm.s32 @!p0 $0x1BF5;
	p2 =	por !p2, p0  }
0x20: {  	[sflag:s8] =	ssyncset.s32 @!p0 $0xFFFFF086;
	s6 =	sadd.s32 @!p0 s3, s7;
	s7 =	simm.s32 @!p0 $0x108  }
0x21: {  	s3 =	sadd.s32 s3, s9;
	s6 =	sadd.s32 @!p0 $0x88, s6;
	s7 =	simm.s32 @p2 $0x1082  }
0x22: {  	[simem:s7], [sflag:s8] =	dma.local @!p0 [hbm:s6], $0xF7A  }
0x23: {  	s9 =	sor.u32 $0xD0000000, s2;
	s6 =	simm.s32 $0x108;
	_ =	swait.ge @!p0 [sflag:s8], $0x0  }
0x24: {  	s3 =	sadd.s32 $0x88, s3;
	s6 =	simm.s32 @!p1 $0x1082;
	[sflag:s4] =	ssyncset.s32 $0xFFFFF086  }
0x25: {  	[simem:s6], [sflag:s4] =	dma.local [hbm:s3], $0xF7A  }
0x26: {  	[smem:$0x3F92] =	sst s1;
	(tag) =	ssettag s2;
	_ =	strace s9  }
0x27: {  	s1 =	sld [smem:$0x3FA2]  }
0x28: {  	s2 =	sld [smem:$0x3FA3]  }
0x29: {  	s4 =	sld [smem:$0x3FA5]  }
0x2a: {  	p0 =	seq.s32 s5, $0x0;
	s5 =	sld [smem:$0x3FA6]  }
0x2b: {  	s6 =	sld [smem:$0x3FA7]  }
0x2c: {  	s7 =	sld [smem:$0x3FA8]  }
0x2d: {  	s3 =	simm.s32 $0x108;
	s8 =	sld [smem:$0x3FA9]  }
0x2e: {  	s3 =	simm.s32 @!p0 $0x1082;
	s9 =	sld [smem:$0x3FAA]  }
0x2f: {  	lr =	sadd.s32 s0, s3;
	s0 =	sld [smem:$0x3FA1]  }
0x30: {  	s3 =	sld [smem:$0x3FA4]  }
0x31: {  	[smem:$0x3FAD] =	sst s10  }
0x32: {  	s10 =	sld [smem:$0x3FAB];
	_ =	sdelay $0x3  }
0x33: {  	p0 =	seq.s32 s10, $0x1;
	s10 =	sld [smem:$0x3FAD];
	_ =	sdelay $0x3  }
0x34: {  	[smem:$0x3FAD] =	sst s10  }
0x35: {  	s10 =	sld [smem:$0x3FAC];
	_ =	sdelay $0x3  }
0x36: {  	p1 =	seq.s32 s10, $0x1;
	s10 =	sld [smem:$0x3FAD];
	_ =	sdelay $0x3  }
0x37: {  	[smem:$0x3FAD] =	sst s10  }
0x38: {  	s10 =	sld [smem:$0x3FAE]  }
0x39: {  	_ = 	snop;
	(pc) =	sbr.ind lr, $3  }
0x3a: {  	_ = 	snop  }
0x3b: {  	_ = 	snop  }
0x3c: {  	p2 =	seq.s32 s10, $0x1;
	s10 =	sld [smem:$0x3FAD]  }
0x3d: {  	_ =	shalt  }
0x3e: {  	_ =	shalt  }
0x3f: {  	_ =	shalt  }
0x40: {  	_ =	shalt  }
0x41: {  	_ =	shalt  }
0x42: {  	_ =	shalt  }
0x43: {  	_ =	shalt  }
0x44: {  	_ =	shalt  }
0x45: {  	_ =	shalt  }
0x46: {  	_ =	shalt  }
0x47: {  	_ =	shalt  }
0x48: {  	_ =	shalt  }
0x49: {  	_ =	shalt  }
0x4a: {  	_ =	shalt  }
0x4b: {  	_ =	shalt  }
0x4c: {  	_ =	shalt  }
0x4d: {  	_ =	shalt  }
0x4e: {  	_ =	shalt  }
0x4f: {  	_ =	shalt  }
0x50: {  	_ =	shalt  }
0x51: {  	_ =	shalt  }
0x52: {  	_ =	shalt  }
0x53: {  	_ =	shalt  }
0x54: {  	_ =	shalt  }
0x55: {  	_ =	shalt  }
0x56: {  	_ =	shalt  }
0x57: {  	_ =	shalt  }
0x58: {  	_ =	shalt  }
0x59: {  	_ =	shalt  }
0x5a: {  	_ =	shalt  }
0x5b: {  	_ =	shalt  }
0x5c: {  	_ =	shalt  }
0x5d: {  	_ =	shalt  }
0x5e: {  	_ =	shalt  }
0x5f: {  	_ =	shalt  }
0x60: {  	_ =	shalt  }
0x61: {  	_ =	shalt  }
0x62: {  	_ =	shalt  }
0x63: {  	_ =	shalt  }
0x64: {  	_ =	shalt  }
0x65: {  	_ =	shalt  }
0x66: {  	_ =	shalt  }
0x67: {  	_ =	shalt  }
0x68: {  	_ =	shalt  }
0x69: {  	_ =	shalt  }
0x6a: {  	_ =	shalt  }
0x6b: {  	_ =	shalt  }
0x6c: {  	_ =	shalt  }
0x6d: {  	_ =	shalt  }
0x6e: {  	_ =	shalt  }
0x6f: {  	_ =	shalt  }
0x70: {  	_ =	shalt  }
0x71: {  	_ =	shalt  }
0x72: {  	_ =	shalt  }
0x73: {  	_ =	shalt  }
0x74: {  	_ =	shalt  }
0x75: {  	_ =	shalt  }
0x76: {  	_ =	shalt  }
0x77: {  	_ =	shalt  }
0x78: {  	_ =	shalt  }
0x79: {  	_ =	shalt  }
0x7a: {  	_ =	shalt  }
0x7b: {  	_ =	shalt  }
0x7c: {  	_ =	shalt  }
0x7d: {  	_ =	shalt  }
0x7e: {  	_ =	shalt  }
0x7f: {  	_ =	shalt  }
0x80: {  	_ =	shalt  }
0x81: {  	_ =	shalt  }
0x82: {  	_ =	shalt  }
0x83: {  	_ =	shalt  }
0x84: {  	_ =	shalt  }
0x85: {  	_ =	shalt  }
0x86: {  	_ =	shalt  }
0x87: {  	_ =	shalt  }
.Lfunc_end0:
.L_simem_size_0:
called_computation.1_lowered:
.L_overlay_start_0:
0x88: {  	s2 =	sld [smem:$0x3FD9]  }
0x89: {  	s3 =	sld [smem:$0x3FFE];
	_ =	sdelay $0x1  }
0x8a: {  	s1 =	srdreg.scid  }
0x8b: {  	s0 =	sand.u32 $0x1, s1  }
0x8c: {  	s14 =	sshll.u32 s0, $0xA;
	s2 =	sadd.s32 s3, s2  }
0x8d: {  	s2 =	sadd.s32 s2, s14  }
0x8e: {  	[smem:$0x3FB9] =	sst s2  }
0x8f: {  	_ = 	snop  }
0x90: {  	s2 =	sld [smem:$0x3FD0];
	_ =	sdelay $0x2  }
0x91: {  	s15 =	simm.s32 $0xA;
	s4 =	simm.s32 $0x10  }
0x92: {  	[smem:s4], [sflag:s15] =	dma.local [hbm:s2], $0x1  }
0x93: {  	_ =	swait.eq [sflag:s15], $0x1  }
0x94: {  	[sflag:s15] =	ssyncset.done $0x0  }
0x95: {  	[sflag:s15] =	ssyncadd.s32 $0xFFFFFFFF  }
0x96: {  	s16 =	sld [smem:$0x15];
	(tm) =	ssettm $0x1  }
0x97: {  	s17 =	sld [smem:$0x3FFB];
	_ =	sdelay $0x3  }
0x98: {  	_ =	strace s17  }
0x99: {  	s3 =	sld [smem:$0x3FFC];
	_ =	sdelay $0x3  }
0x9a: {  	_ =	strace s3  }
0x9b: {  	s3 =	sld [smem:$0x3FFD];
	_ =	sdelay $0x3  }
0x9c: {  	_ =	strace s3  }
0x9d: {  	_ =	strace $0x8FFFFFFF  }
0x9e: {  	s18 =	sld [smem:$0x3FDB];
	_ =	sdelay $0x1  }
0x9f: {  	s19 =	simm.s32 $_scs_section_size  }
0xa0: {  	s5 =	simm.s32 $_size__tile_overlayer_lowered;
	s6 =	simm.s32 $_tile_overlayer_lowered  }
0xa1: {  	s22 =	simm.s32 $0x1BFF;
	s21 =	sshll.u32 s6, $0x1;
	s3 =	sadd.s32 s19, s18  }
0xa2: {  	s7 =	simm.s32 $0x0;
	s20 =	sshll.u32 s5, $0x1;
	s5 =	sadd.s32 s21, s3  }
0xa3: {  	[timem:s7], [sflag:s22] =	dma.local [hbm:s5], s20  }
0xa4: {  	_ =	swait.ge [sflag:s22], s20  }
0xa5: {  	s4 =	ssub.s32 $0x0, s20;
	[sflag:s22] =	ssyncset.done $0x0  }
0xa6: {  	[sflag:s22] =	ssyncadd.s32 s4;
	_ =	sdelay $0x1  }
0xa7: {  	s23 =	simm.s32 $0x1B8B  }
0xa8: {  	_ =	swait.ge [sflag:s23], $0x1  }
0xa9: {  	[sflag:s23] =	ssyncset.done $0x0  }
0xaa: {  	s25 =	simm.s32 $0x1B8E;
	s24 =	sld [smem:$0x3FFE];
	[sflag:s23] =	ssyncadd.s32 $0xFFFFFFFF  }
0xab: {  	s26 =	simm.s32 $execute0_lowered;
	[smem:$0x3FD2] =	sst s25  }
0xac: {  	s5 =	sshll.u32 s26, $0x1;
	_ =	strace $0x80000049;
	[dreg:$0x1] =	wrdreg $0xFFFFFFFF  }
0xad: {  	s28 =	simm.s32 $_size_execute0_lowered;
	s3 =	sadd.s32 s3, s5;
	[dreg:$0x0] =	wrdreg $0x0  }
0xae: {  	s5 =	sshll.u32 s28, $0x1;
	[dreg:$0x2] =	wrdreg s3  }
0xaf: {  	[dreg:$0x3] =	wrdreg s5  }
0xb0: {  	[dreg:$0x4] =	wrdreg $0xC0  }
0xb1: {  	_ =	task [dreg:s7], $0x5FFFF  }
0xb2: {  	[dreg:$0x1] =	wrdreg $0xFFFFFFFF  }
0xb3: {  	[dreg:$0x0] =	wrdreg $0x60  }
0xb4: {  	[dreg:$0x2] =	wrdreg s24  }
0xb5: {  	[dreg:$0x3] =	wrdreg s16  }
0xb6: {  	[dreg:$0x4] =	wrdreg $0x55000  }
0xb7: {  	[dreg:$0x5] =	wrdreg $0x9  }
0xb8: {  	_ =	task.clear_ibuf [dreg:s7], $0x6FFFF;
	_ =	strace $0x90000049  }
0xb9: {  	s29 =	simm.s32 $0x9;
	_ =	strace $0x8000004B  }
0xba: {  	_ =	swait.ge [sflag:s29], $0x1  }
0xbb: {  	[sflag:s29] =	ssyncadd.s32 $0xFFFFFFFF  }
0xbc: {  	_ =	strace $0x9000004B  }
0xbd: {  	_ =	sfence  }
0xbe: {  	s30 =	sld [smem:$0x0];
	_ =	sdelay $0x2  }
0xbf: {  	s31 =	sshll.u32 s1, $0xD;
	s1 =	sshrl.u32 s1, $0x2  }
0xc0: {  	s3 =	sand.u32 $0x4000, s31;
	s1 =	sadd.s32 s1, s30  }
0xc1: {  	s0 =	sor.u32 s3, s0;
	s1 =	sshll.u32 s1, $0x11  }
0xc2: {  	s0 =	sor.u32 s1, s0  }
0xc3: {  	s0 =	sadd.s32 $0x8F2B, s0  }
0xc4: {  	[sflag:s0] =	ssyncadd.remote.s32 $0x1  }
0xc5: {  	_ =	sfence.sel $0xFFFF  }
0xc6: {  	[dreg:$0x0] =	wrdreg $0xFFFFFFFF;
	(pc) =	sbr.abs _section_cstart, $3  }
0xc7: {  	[dreg:$0x1] =	wrdreg $0xFFFFFFFF  }
0xc8: {  	_ =	task.clear_ibuf [dreg:s7], $0x2FFFF;
	_ =	strace $0x9FFFFFFF  }
0xc9: {  	(tm) =	ssettm $0x7FFFFFFF  }
tec
execute0_lowered:
.L_overlay_start_1:
0x0: {  	(tag) =	ssettag $0x1  }
0x1: {  	s0 =	rddreg [dreg:$0x0]  }
0x2: {  	s2 =	rddreg [dreg:$0x2];
	s3 =	simm.s32 $0x0;
	s1 =	srdreg.scid  }
0x3: {  	s13 =	stileid.u32;
	s14 =	simm.s32 $0x80;
	s15 =	simm.s32 $0x500  }
0x4: {  	s16 =	simm.s32 $0x1500;
	s17 =	simm.s32 $0x100;
	s18 =	simm.s32 $0x2500  }
0x5: {  	s19 =	simm.s32 $0x180;
	s28 =	simm.s32 $0x1;
	s29 =	simm.s32 $0x300  }
0x6: {  	s30 =	simm.s32 $0x380;
	s31 =	simm.s32 $0x400;
	[smem:$0x7FF] =	sst s3  }
0x7: {  	s1 =	sand.u32 $0x1, s1;
	s5 =	sadd.s32 $0x7000, s0;
	s8 =	smul.u32 $0x1900, s13  }
0x8: {  	s6 =	sadd.s32 $0x68C00, s0;
	s11 =	smul.u32 $0x18700, s13;
	s20 =	sshll.u32 s13, $0x6  }
0x9: {  	s13 =	simm.s32 $0x280;
	_ =	strace $0x8000004A;
	s4 =	smul.u32 $0x19000, s1  }
0xa: {  	s7 =	smul.u32 $0x30E00, s1;
	s1 =	ssub.s32 $0x2, s1;
	s9 =	sadd.s32 s8, s0  }
0xb: {  	s10 =	sshrl.u32 s1, $0x1;
	s21 =	sadd.s32 s11, s2;
	s24 =	sshrl.u32 s11, $0x3  }
0xc: {  	s11 =	simm.s32 $0x2;
	s12 =	sadd.s32 s7, s0;
	s7 =	sor.u32 $0x1C02, s20  }
0xd: {  	s4 =	sadd.s32 s4, s0;
	s0 =	sadd.s32 $0x26A400, s0;
	s9 =	sadd.s32 $0x251400, s9  }
0xe: {  	s1 =	ssub.s32 s1, s10;
	s22 =	sadd.s32 $0x283400, s4;
	s23 =	sadd.s32 $0x12C400, s12  }
0xf: {  	s10 =	sshrl.u32 s21, $0x3;
	s4 =	sadd.s32 $0x2B5400, s4;
	s25 =	sadd.s32 $0xCA800, s12  }
0x10: {  	s1 =	smax.u32 s1, $0x1;
	s21 =	sadd.s32 s0, s8;
	[dreg:$0x4] =	wrdreg s7  }
0x11: {  	s0 =	simm.s32 $0x480;
	[dreg:$0x5] =	wrdreg s1;
	s12 =	sadd.s32 s22, s8  }
0x12: {  	s20 =	sadd.s32 s4, s8;
	s22 =	simm.s32 $0x3500;
	s23 =	sadd.s32 s24, s23  }
0x13: {  	s26 =	sadd.s32 s24, s25;
	s25 =	simm.s32 $0x200;
	[dreg:$0x6] =	wrdreg s23  }
0x14: {  	s4 =	simm.s32 $0x0;
	[dreg:$0x7] =	wrdreg s26;
	s26 =	simm.s32 $0x4500  }
.LBB2_1:
0x15: {  	s1 =	rddreg [dreg:$0x1]  }
0x16: {  	[spmem:s10], [sflag:s7] =	dma.local [hbm:s1], $0x30E0  }
0x17: {  	_ =	swait.ge [sflag:s11], $0x30E0  }
0x18: {  	[sflag:s11] =	ssyncset.done $0x0  }
0x19: {  	[sflag:s11] =	ssyncadd.s32 $0xFFFFCF20  }
0x1a: {  	s23 =	sadd.s32 $0x0, s12;
	[bflag:$0x0] =	sbarrier.arrive $0xFFFF  }
0x1b: {  	[tilespmem:s3], [sflag:$0x2] =	stream.linear.gather [hbm4b:s23+s3], $0x280, $0x38;
	[tilespmem:$0x1DC00] =	vst v63  }
0x1c: {  	_ =	swait.ge [sflag:s11], $0x280  }
0x1d: {  	[sflag:s11] =	ssyncset.done $0x0  }
0x1e: {  	s24 =	sadd.s32 $0x0, s9;
	[sflag:s11] =	ssyncadd.s32 $0xFFFFFD80  }
0x1f: {  	[tilespmem:s13], [sflag:$0x2] =	stream.linear.gather [hbm4b:s24+s3], $0x280, $0x38;
	[tilespmem:$0x1DC00] =	vst v63  }
0x20: {  	_ =	swait.ge [sflag:s11], $0x280  }
0x21: {  	[sflag:s11] =	ssyncset.done $0x0  }
0x22: {  	[sflag:s11] =	ssyncadd.s32 $0xFFFFFD80  }
0x23: {  	[tilespmem:s15], [sflag:$0x1] =	stream.indirect.gather [hbm4b:s5+s14], $0x20, s3, s14, $0xb8;
	[tilespmem:$0x1DC00] =	vst v63  }
0x24: {  	_ = 	snop  }
0x25: {  	[tilespmem:s16], [sflag:$0x1] =	stream.indirect.gather [hbm4b:s5+s14], $0x20, s14, s14, $0xb8;
	[tilespmem:$0x1DC00] =	vst v63  }
0x26: {  	_ = 	snop  }
0x27: {  	[tilespmem:s18], [sflag:$0x1] =	stream.indirect.gather [hbm4b:s5+s14], $0x20, s17, s14, $0xb8;
	[tilespmem:$0x1DC00] =	vst v63  }
0x28: {  	_ = 	snop  }
0x29: {  	[tilespmem:s22], [sflag:$0x1] =	stream.indirect.gather [hbm4b:s5+s14], $0x20, s19, s14, $0xb8;
	[tilespmem:$0x1DC00] =	vst v63  }
0x2a: {  	_ = 	snop  }
0x2b: {  	[tilespmem:s26], [sflag:$0x1] =	stream.indirect.gather [hbm4b:s5+s14], $0x20, s25, s14, $0xb8;
	[tilespmem:$0x1DC00] =	vst v63  }
0x2c: {  	_ =	swait.ge [sflag:s28], $0x1000  }
0x2d: {  	[sflag:s28] =	ssyncset.done $0x0  }
0x2e: {  	[sflag:s28] =	ssyncadd.s32 $0xFFFFF000  }
0x2f: {  	_ =	swait.ge [sflag:s28], $0x1000  }
0x30: {  	[sflag:s28] =	ssyncset.done $0x0  }
0x31: {  	[sflag:s28] =	ssyncadd.s32 $0xFFFFF000  }
0x32: {  	_ =	swait.ge [sflag:s28], $0x1000  }
0x33: {  	[sflag:s28] =	ssyncset.done $0x0  }
0x34: {  	[sflag:s28] =	ssyncadd.s32 $0xFFFFF000  }
0x35: {  	_ =	swait.ge [sflag:s28], $0x1000  }
0x36: {  	[sflag:s28] =	ssyncset.done $0x0  }
0x37: {  	[sflag:s28] =	ssyncadd.s32 $0xFFFFF000  }
0x38: {  	_ =	swait.ge [sflag:s28], $0x1000  }
0x39: {  	[sflag:s28] =	ssyncset.done $0x0  }
0x3a: {  	[sflag:s28] =	ssyncadd.s32 $0xFFFFF000  }
0x3b: {  	[spmem:s2] =	stream.indirect.scatter.add.f32 [tilespmem:s15], [sflag:$0x1], $0x20, s13, s14, $0xb8;
	[tilespmem:$0x1DC00] =	vst v63  }
0x3c: {  	_ = 	snop  }
0x3d: {  	[spmem:s2] =	stream.indirect.scatter.add.f32 [tilespmem:s16], [sflag:$0x1], $0x20, s29, s14, $0xb8;
	[tilespmem:$0x1DC00] =	vst v63  }
0x3e: {  	_ = 	snop  }
0x3f: {  	[spmem:s2] =	stream.indirect.scatter.add.f32 [tilespmem:s18], [sflag:$0x1], $0x20, s30, s14, $0xb8;
	[tilespmem:$0x1DC00] =	vst v63  }
0x40: {  	_ = 	snop  }
0x41: {  	[spmem:s2] =	stream.indirect.scatter.add.f32 [tilespmem:s22], [sflag:$0x1], $0x20, s31, s14, $0xb8;
	[tilespmem:$0x1DC00] =	vst v63  }
0x42: {  	_ = 	snop  }
0x43: {  	[spmem:s2] =	stream.indirect.scatter.add.f32 [tilespmem:s26], [sflag:$0x1], $0x20, s0, s14, $0xb8;
	[tilespmem:$0x1DC00] =	vst v63  }
0x44: {  	_ =	swait.ge [sflag:s28], $0x1000  }
0x45: {  	[sflag:s28] =	ssyncset.done $0x0  }
0x46: {  	[sflag:s28] =	ssyncadd.s32 $0xFFFFF000  }
0x47: {  	_ =	swait.ge [sflag:s28], $0x1000  }
0x48: {  	[sflag:s28] =	ssyncset.done $0x0  }
0x49: {  	[sflag:s28] =	ssyncadd.s32 $0xFFFFF000  }
0x4a: {  	_ =	swait.ge [sflag:s28], $0x1000  }
0x4b: {  	[sflag:s28] =	ssyncset.done $0x0  }
0x4c: {  	[sflag:s28] =	ssyncadd.s32 $0xFFFFF000  }
0x4d: {  	_ =	swait.ge [sflag:s28], $0x1000  }
0x4e: {  	[sflag:s28] =	ssyncset.done $0x0  }
0x4f: {  	[sflag:s28] =	ssyncadd.s32 $0xFFFFF000  }
0x50: {  	_ =	swait.ge [sflag:s28], $0x1000  }
0x51: {  	s8 =	simm.s32 $0xA0;
	s1 =	simm.s32 $0x50;
	[sflag:s28] =	ssyncset.done $0x0  }
.LBB2_2:
0x52: {  	s24 =	sadd.s32 s1, s12  }
0x53: {  	[sflag:s28] =	ssyncadd.s32 $0xFFFFF000;
	s7 =	smov.u32 s8;
	s23 =	sadd.s32 $0x50, s8  }
0x54: {  	[tilespmem:s3], [sflag:$0x2] =	stream.linear.gather [hbm4b:s24+s3], $0x280, $0x38;
	[tilespmem:$0x1DC00] =	vst v63  }
0x55: {  	p0 =	sne.s32 s8, $0x18B0;
	_ =	swait.ge [sflag:s11], $0x280  }
0x56: {  	[sflag:s11] =	ssyncset.done $0x0  }
0x57: {  	s8 =	sadd.s32 s1, s9;
	s1 =	smov.u32 s7;
	[sflag:s11] =	ssyncadd.s32 $0xFFFFFD80  }
0x58: {  	[tilespmem:s13], [sflag:$0x2] =	stream.linear.gather [hbm4b:s8+s3], $0x280, $0x38;
	[tilespmem:$0x1DC00] =	vst v63  }
0x59: {  	_ =	swait.ge [sflag:s11], $0x280  }
0x5a: {  	[sflag:s11] =	ssyncset.done $0x0  }
0x5b: {  	[sflag:s11] =	ssyncadd.s32 $0xFFFFFD80  }
0x5c: {  	[tilespmem:s15], [sflag:$0x1] =	stream.indirect.gather [hbm4b:s5+s14], $0x20, s3, s14, $0xb8;
	[tilespmem:$0x1DC00] =	vst v63  }
0x5d: {  	_ = 	snop  }
0x5e: {  	[tilespmem:s16], [sflag:$0x1] =	stream.indirect.gather [hbm4b:s5+s14], $0x20, s14, s14, $0xb8;
	[tilespmem:$0x1DC00] =	vst v63  }
0x5f: {  	_ = 	snop  }
0x60: {  	[tilespmem:s18], [sflag:$0x1] =	stream.indirect.gather [hbm4b:s5+s14], $0x20, s17, s14, $0xb8;
	[tilespmem:$0x1DC00] =	vst v63  }
0x61: {  	_ = 	snop  }
0x62: {  	[tilespmem:s22], [sflag:$0x1] =	stream.indirect.gather [hbm4b:s5+s14], $0x20, s19, s14, $0xb8;
	[tilespmem:$0x1DC00] =	vst v63  }
0x63: {  	_ = 	snop  }
0x64: {  	[tilespmem:s26], [sflag:$0x1] =	stream.indirect.gather [hbm4b:s5+s14], $0x20, s25, s14, $0xb8;
	[tilespmem:$0x1DC00] =	vst v63  }
0x65: {  	_ =	swait.ge [sflag:s28], $0x1000  }
0x66: {  	[sflag:s28] =	ssyncset.done $0x0  }
0x67: {  	[sflag:s28] =	ssyncadd.s32 $0xFFFFF000  }
0x68: {  	_ =	swait.ge [sflag:s28], $0x1000  }
0x69: {  	[sflag:s28] =	ssyncset.done $0x0  }
0x6a: {  	[sflag:s28] =	ssyncadd.s32 $0xFFFFF000  }
0x6b: {  	_ =	swait.ge [sflag:s28], $0x1000  }
0x6c: {  	[sflag:s28] =	ssyncset.done $0x0  }
0x6d: {  	[sflag:s28] =	ssyncadd.s32 $0xFFFFF000  }
0x6e: {  	_ =	swait.ge [sflag:s28], $0x1000  }
0x6f: {  	[sflag:s28] =	ssyncset.done $0x0  }
0x70: {  	[sflag:s28] =	ssyncadd.s32 $0xFFFFF000  }
0x71: {  	_ =	swait.ge [sflag:s28], $0x1000  }
0x72: {  	[sflag:s28] =	ssyncset.done $0x0  }
0x73: {  	[sflag:s28] =	ssyncadd.s32 $0xFFFFF000  }
0x74: {  	[spmem:s2] =	stream.indirect.scatter.add.f32 [tilespmem:s15], [sflag:$0x1], $0x20, s13, s14, $0xb8;
	[tilespmem:$0x1DC00] =	vst v63  }
0x75: {  	_ = 	snop  }
0x76: {  	[spmem:s2] =	stream.indirect.scatter.add.f32 [tilespmem:s16], [sflag:$0x1], $0x20, s29, s14, $0xb8;
	[tilespmem:$0x1DC00] =	vst v63  }
0x77: {  	_ = 	snop  }
0x78: {  	[spmem:s2] =	stream.indirect.scatter.add.f32 [tilespmem:s18], [sflag:$0x1], $0x20, s30, s14, $0xb8;
	[tilespmem:$0x1DC00] =	vst v63  }
0x79: {  	_ = 	snop  }
0x7a: {  	[spmem:s2] =	stream.indirect.scatter.add.f32 [tilespmem:s22], [sflag:$0x1], $0x20, s31, s14, $0xb8;
	[tilespmem:$0x1DC00] =	vst v63  }
0x7b: {  	_ = 	snop  }
0x7c: {  	[spmem:s2] =	stream.indirect.scatter.add.f32 [tilespmem:s26], [sflag:$0x1], $0x20, s0, s14, $0xb8;
	[tilespmem:$0x1DC00] =	vst v63  }
0x7d: {  	_ =	swait.ge [sflag:s28], $0x1000  }
0x7e: {  	[sflag:s28] =	ssyncset.done $0x0  }
0x7f: {  	[sflag:s28] =	ssyncadd.s32 $0xFFFFF000  }
0x80: {  	_ =	swait.ge [sflag:s28], $0x1000  }
0x81: {  	[sflag:s28] =	ssyncset.done $0x0  }
0x82: {  	[sflag:s28] =	ssyncadd.s32 $0xFFFFF000  }
0x83: {  	_ =	swait.ge [sflag:s28], $0x1000  }
0x84: {  	[sflag:s28] =	ssyncset.done $0x0  }
0x85: {  	[sflag:s28] =	ssyncadd.s32 $0xFFFFF000  }
.Ltmp0:
0x86: {  	_ =	swait.ge [sflag:s28], $0x1000;
	(pc) =	sbr.rel @p0 .LBB2_2-.Ltmp0, $4  }
0x87: {  	[sflag:s28] =	ssyncset.done $0x0  }
0x88: {  	[sflag:s28] =	ssyncadd.s32 $0xFFFFF000  }
0x89: {  	_ =	swait.ge [sflag:s28], $0x1000  }
0x8a: {  	s8 =	smov.u32 s23;
	[sflag:s28] =	ssyncset.done $0x0  }
0x8b: {  	s7 =	sadd.s32 s1, s12;
	[sflag:s28] =	ssyncadd.s32 $0xFFFFF000  }
0x8c: {  	[tilespmem:s3], [sflag:$0x2] =	stream.linear.gather [hbm4b:s7+s3], $0x280, $0x38;
	[tilespmem:$0x1DC00] =	vst v63  }
0x8d: {  	_ =	swait.ge [sflag:s11], $0x280  }
0x8e: {  	[sflag:s11] =	ssyncset.done $0x0  }
0x8f: {  	s8 =	sadd.s32 s1, s9;
	[sflag:s11] =	ssyncadd.s32 $0xFFFFFD80  }
0x90: {  	[tilespmem:s13], [sflag:$0x2] =	stream.linear.gather [hbm4b:s8+s3], $0x280, $0x38;
	[tilespmem:$0x1DC00] =	vst v63  }
0x91: {  	_ =	swait.ge [sflag:s11], $0x280  }
0x92: {  	[sflag:s11] =	ssyncset.done $0x0  }
0x93: {  	[sflag:s11] =	ssyncadd.s32 $0xFFFFFD80  }
0x94: {  	[tilespmem:s15], [sflag:$0x1] =	stream.indirect.gather [hbm4b:s5+s14], $0x20, s3, s14, $0xb8;
	[tilespmem:$0x1DC00] =	vst v63  }
0x95: {  	_ = 	snop  }
0x96: {  	[tilespmem:s16], [sflag:$0x1] =	stream.indirect.gather [hbm4b:s5+s14], $0x20, s14, s14, $0xb8;
	[tilespmem:$0x1DC00] =	vst v63  }
0x97: {  	_ = 	snop  }
0x98: {  	[tilespmem:s18], [sflag:$0x1] =	stream.indirect.gather [hbm4b:s5+s14], $0x20, s17, s14, $0xb8;
	[tilespmem:$0x1DC00] =	vst v63  }
0x99: {  	_ = 	snop  }
0x9a: {  	[tilespmem:s22], [sflag:$0x1] =	stream.indirect.gather [hbm4b:s5+s14], $0x20, s19, s14, $0xb8;
	[tilespmem:$0x1DC00] =	vst v63  }
0x9b: {  	_ = 	snop  }
0x9c: {  	[tilespmem:s26], [sflag:$0x1] =	stream.indirect.gather [hbm4b:s5+s14], $0x20, s25, s14, $0xb8;
	[tilespmem:$0x1DC00] =	vst v63  }
0x9d: {  	_ =	swait.ge [sflag:s28], $0x1000  }
0x9e: {  	[sflag:s28] =	ssyncset.done $0x0  }
0x9f: {  	[sflag:s28] =	ssyncadd.s32 $0xFFFFF000  }
0xa0: {  	_ =	swait.ge [sflag:s28], $0x1000  }
0xa1: {  	[sflag:s28] =	ssyncset.done $0x0  }
0xa2: {  	[sflag:s28] =	ssyncadd.s32 $0xFFFFF000  }
0xa3: {  	_ =	swait.ge [sflag:s28], $0x1000  }
0xa4: {  	[sflag:s28] =	ssyncset.done $0x0  }
0xa5: {  	[sflag:s28] =	ssyncadd.s32 $0xFFFFF000  }
0xa6: {  	_ =	swait.ge [sflag:s28], $0x1000  }
0xa7: {  	[sflag:s28] =	ssyncset.done $0x0  }
0xa8: {  	[sflag:s28] =	ssyncadd.s32 $0xFFFFF000  }
0xa9: {  	_ =	swait.ge [sflag:s28], $0x1000  }
0xaa: {  	[sflag:s28] =	ssyncset.done $0x0  }
0xab: {  	[sflag:s28] =	ssyncadd.s32 $0xFFFFF000  }
0xac: {  	[spmem:s2] =	stream.indirect.scatter.add.f32 [tilespmem:s15], [sflag:$0x1], $0x20, s13, s14, $0xb8;
	[tilespmem:$0x1DC00] =	vst v63  }
0xad: {  	_ = 	snop  }
0xae: {  	[spmem:s2] =	stream.indirect.scatter.add.f32 [tilespmem:s16], [sflag:$0x1], $0x20, s29, s14, $0xb8;
	[tilespmem:$0x1DC00] =	vst v63  }
0xaf: {  	_ = 	snop  }
0xb0: {  	[spmem:s2] =	stream.indirect.scatter.add.f32 [tilespmem:s18], [sflag:$0x1], $0x20, s30, s14, $0xb8;
	[tilespmem:$0x1DC00] =	vst v63  }
0xb1: {  	_ = 	snop  }
0xb2: {  	[spmem:s2] =	stream.indirect.scatter.add.f32 [tilespmem:s22], [sflag:$0x1], $0x20, s31, s14, $0xb8;
	[tilespmem:$0x1DC00] =	vst v63  }
0xb3: {  	_ = 	snop  }
0xb4: {  	[spmem:s2] =	stream.indirect.scatter.add.f32 [tilespmem:s26], [sflag:$0x1], $0x20, s0, s14, $0xb8;
	[tilespmem:$0x1DC00] =	vst v63  }
0xb5: {  	_ =	swait.ge [sflag:s28], $0x1000  }
0xb6: {  	[sflag:s28] =	ssyncset.done $0x0  }
0xb7: {  	[sflag:s28] =	ssyncadd.s32 $0xFFFFF000  }
0xb8: {  	_ =	swait.ge [sflag:s28], $0x1000  }
0xb9: {  	[sflag:s28] =	ssyncset.done $0x0  }
0xba: {  	[sflag:s28] =	ssyncadd.s32 $0xFFFFF000  }
0xbb: {  	_ =	swait.ge [sflag:s28], $0x1000  }
0xbc: {  	[sflag:s28] =	ssyncset.done $0x0  }
0xbd: {  	[sflag:s28] =	ssyncadd.s32 $0xFFFFF000  }
0xbe: {  	_ =	swait.ge [sflag:s28], $0x1000  }
0xbf: {  	[sflag:s28] =	ssyncset.done $0x0  }
0xc0: {  	[sflag:s28] =	ssyncadd.s32 $0xFFFFF000  }
0xc1: {  	_ =	swait.ge [sflag:s28], $0x1000  }
0xc2: {  	[sflag:s28] =	ssyncset.done $0x0  }
0xc3: {  	[sflag:s28] =	ssyncadd.s32 $0xFFFFF000  }
0xc4: {  	[bflag:$0x0] =	sbarrier.arrive $0xFFFF  }
0xc5: {  	s23 =	rddreg [dreg:$0x4]  }
0xc6: {  	s24 =	rddreg [dreg:$0x6]  }
0xc7: {  	[hbm:s24], [sflag:s23] =	dma.local [spmem:s10], $0x30E0  }
0xc8: {  	_ =	swait.ge [sflag:s11], $0x30E0  }
0xc9: {  	[sflag:s11] =	ssyncset.done $0x0  }
0xca: {  	[sflag:s11] =	ssyncadd.s32 $0xFFFFCF20  }
0xcb: {  	s8 =	rddreg [dreg:$0x1]  }
0xcc: {  	[spmem:s10], [sflag:s23] =	dma.local [hbm:s8], $0x30E0  }
0xcd: {  	_ =	swait.ge [sflag:s11], $0x30E0  }
0xce: {  	[sflag:s11] =	ssyncset.done $0x0  }
0xcf: {  	[sflag:s11] =	ssyncadd.s32 $0xFFFFCF20  }
0xd0: {  	s23 =	sadd.s32 $0x0, s20;
	[bflag:$0x0] =	sbarrier.arrive $0xFFFF  }
0xd1: {  	[tilespmem:s3], [sflag:$0x2] =	stream.linear.gather [hbm4b:s23+s3], $0x280, $0x38;
	[tilespmem:$0x1DC00] =	vst v63  }
0xd2: {  	_ =	swait.ge [sflag:s11], $0x280  }
0xd3: {  	[sflag:s11] =	ssyncset.done $0x0  }
0xd4: {  	s24 =	sadd.s32 $0x0, s21;
	[sflag:s11] =	ssyncadd.s32 $0xFFFFFD80  }
0xd5: {  	[tilespmem:s13], [sflag:$0x2] =	stream.linear.gather [hbm4b:s24+s3], $0x280, $0x38;
	[tilespmem:$0x1DC00] =	vst v63  }
0xd6: {  	_ =	swait.ge [sflag:s11], $0x280  }
0xd7: {  	[sflag:s11] =	ssyncset.done $0x0  }
0xd8: {  	[sflag:s11] =	ssyncadd.s32 $0xFFFFFD80  }
0xd9: {  	[tilespmem:s15], [sflag:$0x1] =	stream.indirect.gather [hbm4b:s6+s14], $0x20, s3, s14, $0xb8;
	[tilespmem:$0x1DC00] =	vst v63  }
0xda: {  	_ = 	snop  }
0xdb: {  	[tilespmem:s16], [sflag:$0x1] =	stream.indirect.gather [hbm4b:s6+s14], $0x20, s14, s14, $0xb8;
	[tilespmem:$0x1DC00] =	vst v63  }
0xdc: {  	_ = 	snop  }
0xdd: {  	[tilespmem:s18], [sflag:$0x1] =	stream.indirect.gather [hbm4b:s6+s14], $0x20, s17, s14, $0xb8;
	[tilespmem:$0x1DC00] =	vst v63  }
0xde: {  	_ = 	snop  }
0xdf: {  	[tilespmem:s22], [sflag:$0x1] =	stream.indirect.gather [hbm4b:s6+s14], $0x20, s19, s14, $0xb8;
	[tilespmem:$0x1DC00] =	vst v63  }
0xe0: {  	_ = 	snop  }
0xe1: {  	[tilespmem:s26], [sflag:$0x1] =	stream.indirect.gather [hbm4b:s6+s14], $0x20, s25, s14, $0xb8;
	[tilespmem:$0x1DC00] =	vst v63  }
0xe2: {  	_ =	swait.ge [sflag:s28], $0x1000  }
0xe3: {  	[sflag:s28] =	ssyncset.done $0x0  }
0xe4: {  	[sflag:s28] =	ssyncadd.s32 $0xFFFFF000  }
0xe5: {  	_ =	swait.ge [sflag:s28], $0x1000  }
0xe6: {  	[sflag:s28] =	ssyncset.done $0x0  }
0xe7: {  	[sflag:s28] =	ssyncadd.s32 $0xFFFFF000  }
0xe8: {  	_ =	swait.ge [sflag:s28], $0x1000  }
0xe9: {  	[sflag:s28] =	ssyncset.done $0x0  }
0xea: {  	[sflag:s28] =	ssyncadd.s32 $0xFFFFF000  }
0xeb: {  	_ =	swait.ge [sflag:s28], $0x1000  }
0xec: {  	[sflag:s28] =	ssyncset.done $0x0  }
0xed: {  	[sflag:s28] =	ssyncadd.s32 $0xFFFFF000  }
0xee: {  	_ =	swait.ge [sflag:s28], $0x1000  }
0xef: {  	[sflag:s28] =	ssyncset.done $0x0  }
0xf0: {  	[sflag:s28] =	ssyncadd.s32 $0xFFFFF000  }
0xf1: {  	[spmem:s2] =	stream.indirect.scatter.add.f32 [tilespmem:s15], [sflag:$0x1], $0x20, s13, s14, $0xb8;
	[tilespmem:$0x1DC00] =	vst v63  }
0xf2: {  	_ = 	snop  }
0xf3: {  	[spmem:s2] =	stream.indirect.scatter.add.f32 [tilespmem:s16], [sflag:$0x1], $0x20, s29, s14, $0xb8;
	[tilespmem:$0x1DC00] =	vst v63  }
0xf4: {  	_ = 	snop  }
0xf5: {  	[spmem:s2] =	stream.indirect.scatter.add.f32 [tilespmem:s18], [sflag:$0x1], $0x20, s30, s14, $0xb8;
	[tilespmem:$0x1DC00] =	vst v63  }
0xf6: {  	_ = 	snop  }
0xf7: {  	[spmem:s2] =	stream.indirect.scatter.add.f32 [tilespmem:s22], [sflag:$0x1], $0x20, s31, s14, $0xb8;
	[tilespmem:$0x1DC00] =	vst v63  }
0xf8: {  	_ = 	snop  }
0xf9: {  	[spmem:s2] =	stream.indirect.scatter.add.f32 [tilespmem:s26], [sflag:$0x1], $0x20, s0, s14, $0xb8;
	[tilespmem:$0x1DC00] =	vst v63  }
0xfa: {  	_ =	swait.ge [sflag:s28], $0x1000  }
0xfb: {  	[sflag:s28] =	ssyncset.done $0x0  }
0xfc: {  	[sflag:s28] =	ssyncadd.s32 $0xFFFFF000  }
0xfd: {  	_ =	swait.ge [sflag:s28], $0x1000  }
0xfe: {  	[sflag:s28] =	ssyncset.done $0x0  }
0xff: {  	[sflag:s28] =	ssyncadd.s32 $0xFFFFF000  }
0x100: {  	_ =	swait.ge [sflag:s28], $0x1000  }
0x101: {  	[sflag:s28] =	ssyncset.done $0x0  }
0x102: {  	[sflag:s28] =	ssyncadd.s32 $0xFFFFF000  }
0x103: {  	_ =	swait.ge [sflag:s28], $0x1000  }
0x104: {  	[sflag:s28] =	ssyncset.done $0x0  }
0x105: {  	[sflag:s28] =	ssyncadd.s32 $0xFFFFF000  }
0x106: {  	_ =	swait.ge [sflag:s28], $0x1000  }
0x107: {  	s1 =	simm.s32 $0x50;
	s23 =	simm.s32 $0xA0;
	[sflag:s28] =	ssyncset.done $0x0  }
.LBB2_4:
0x108: {  	s7 =	sadd.s32 s1, s20  }
0x109: {  	[sflag:s28] =	ssyncadd.s32 $0xFFFFF000;
	s24 =	smov.u32 s23;
	s8 =	sadd.s32 $0x50, s23  }
0x10a: {  	[tilespmem:s3], [sflag:$0x2] =	stream.linear.gather [hbm4b:s7+s3], $0x280, $0x38;
	[tilespmem:$0x1DC00] =	vst v63  }
0x10b: {  	p0 =	sne.s32 s23, $0x18B0;
	_ =	swait.ge [sflag:s11], $0x280  }
0x10c: {  	[sflag:s11] =	ssyncset.done $0x0  }
0x10d: {  	s7 =	sadd.s32 s1, s21;
	s1 =	smov.u32 s24;
	[sflag:s11] =	ssyncadd.s32 $0xFFFFFD80  }
0x10e: {  	[tilespmem:s13], [sflag:$0x2] =	stream.linear.gather [hbm4b:s7+s3], $0x280, $0x38;
	[tilespmem:$0x1DC00] =	vst v63  }
0x10f: {  	_ =	swait.ge [sflag:s11], $0x280  }
0x110: {  	[sflag:s11] =	ssyncset.done $0x0  }
0x111: {  	[sflag:s11] =	ssyncadd.s32 $0xFFFFFD80  }
0x112: {  	[tilespmem:s15], [sflag:$0x1] =	stream.indirect.gather [hbm4b:s6+s14], $0x20, s3, s14, $0xb8;
	[tilespmem:$0x1DC00] =	vst v63  }
0x113: {  	_ = 	snop  }
0x114: {  	[tilespmem:s16], [sflag:$0x1] =	stream.indirect.gather [hbm4b:s6+s14], $0x20, s14, s14, $0xb8;
	[tilespmem:$0x1DC00] =	vst v63  }
0x115: {  	_ = 	snop  }
0x116: {  	[tilespmem:s18], [sflag:$0x1] =	stream.indirect.gather [hbm4b:s6+s14], $0x20, s17, s14, $0xb8;
	[tilespmem:$0x1DC00] =	vst v63  }
0x117: {  	_ = 	snop  }
0x118: {  	[tilespmem:s22], [sflag:$0x1] =	stream.indirect.gather [hbm4b:s6+s14], $0x20, s19, s14, $0xb8;
	[tilespmem:$0x1DC00] =	vst v63  }
0x119: {  	_ = 	snop  }
0x11a: {  	[tilespmem:s26], [sflag:$0x1] =	stream.indirect.gather [hbm4b:s6+s14], $0x20, s25, s14, $0xb8;
	[tilespmem:$0x1DC00] =	vst v63  }
0x11b: {  	_ =	swait.ge [sflag:s28], $0x1000  }
0x11c: {  	[sflag:s28] =	ssyncset.done $0x0  }
0x11d: {  	[sflag:s28] =	ssyncadd.s32 $0xFFFFF000  }
0x11e: {  	_ =	swait.ge [sflag:s28], $0x1000  }
0x11f: {  	[sflag:s28] =	ssyncset.done $0x0  }
0x120: {  	[sflag:s28] =	ssyncadd.s32 $0xFFFFF000  }
0x121: {  	_ =	swait.ge [sflag:s28], $0x1000  }
0x122: {  	[sflag:s28] =	ssyncset.done $0x0  }
0x123: {  	[sflag:s28] =	ssyncadd.s32 $0xFFFFF000  }
0x124: {  	_ =	swait.ge [sflag:s28], $0x1000  }
0x125: {  	[sflag:s28] =	ssyncset.done $0x0  }
0x126: {  	[sflag:s28] =	ssyncadd.s32 $0xFFFFF000  }
0x127: {  	_ =	swait.ge [sflag:s28], $0x1000  }
0x128: {  	[sflag:s28] =	ssyncset.done $0x0  }
0x129: {  	[sflag:s28] =	ssyncadd.s32 $0xFFFFF000  }
0x12a: {  	[spmem:s2] =	stream.indirect.scatter.add.f32 [tilespmem:s15], [sflag:$0x1], $0x20, s13, s14, $0xb8;
	[tilespmem:$0x1DC00] =	vst v63  }
0x12b: {  	_ = 	snop  }
0x12c: {  	[spmem:s2] =	stream.indirect.scatter.add.f32 [tilespmem:s16], [sflag:$0x1], $0x20, s29, s14, $0xb8;
	[tilespmem:$0x1DC00] =	vst v63  }
0x12d: {  	_ = 	snop  }
0x12e: {  	[spmem:s2] =	stream.indirect.scatter.add.f32 [tilespmem:s18], [sflag:$0x1], $0x20, s30, s14, $0xb8;
	[tilespmem:$0x1DC00] =	vst v63  }
0x12f: {  	_ = 	snop  }
0x130: {  	[spmem:s2] =	stream.indirect.scatter.add.f32 [tilespmem:s22], [sflag:$0x1], $0x20, s31, s14, $0xb8;
	[tilespmem:$0x1DC00] =	vst v63  }
0x131: {  	_ = 	snop  }
0x132: {  	[spmem:s2] =	stream.indirect.scatter.add.f32 [tilespmem:s26], [sflag:$0x1], $0x20, s0, s14, $0xb8;
	[tilespmem:$0x1DC00] =	vst v63  }
0x133: {  	_ =	swait.ge [sflag:s28], $0x1000  }
0x134: {  	[sflag:s28] =	ssyncset.done $0x0  }
0x135: {  	[sflag:s28] =	ssyncadd.s32 $0xFFFFF000  }
0x136: {  	_ =	swait.ge [sflag:s28], $0x1000  }
0x137: {  	[sflag:s28] =	ssyncset.done $0x0  }
0x138: {  	[sflag:s28] =	ssyncadd.s32 $0xFFFFF000  }
0x139: {  	_ =	swait.ge [sflag:s28], $0x1000  }
0x13a: {  	[sflag:s28] =	ssyncset.done $0x0  }
0x13b: {  	[sflag:s28] =	ssyncadd.s32 $0xFFFFF000  }
.Ltmp1:
0x13c: {  	_ =	swait.ge [sflag:s28], $0x1000;
	(pc) =	sbr.rel @p0 .LBB2_4-.Ltmp1, $4  }
0x13d: {  	[sflag:s28] =	ssyncset.done $0x0  }
0x13e: {  	[sflag:s28] =	ssyncadd.s32 $0xFFFFF000  }
0x13f: {  	_ =	swait.ge [sflag:s28], $0x1000  }
0x140: {  	s23 =	smov.u32 s8;
	[sflag:s28] =	ssyncset.done $0x0  }
0x141: {  	s7 =	sadd.s32 s1, s20;
	[sflag:s28] =	ssyncadd.s32 $0xFFFFF000  }
0x142: {  	[tilespmem:s3], [sflag:$0x2] =	stream.linear.gather [hbm4b:s7+s3], $0x280, $0x38;
	[tilespmem:$0x1DC00] =	vst v63  }
0x143: {  	_ =	swait.ge [sflag:s11], $0x280  }
0x144: {  	[sflag:s11] =	ssyncset.done $0x0  }
0x145: {  	s8 =	sadd.s32 s1, s21;
	[sflag:s11] =	ssyncadd.s32 $0xFFFFFD80  }
0x146: {  	[tilespmem:s13], [sflag:$0x2] =	stream.linear.gather [hbm4b:s8+s3], $0x280, $0x38;
	[tilespmem:$0x1DC00] =	vst v63  }
0x147: {  	_ =	swait.ge [sflag:s11], $0x280  }
0x148: {  	[sflag:s11] =	ssyncset.done $0x0  }
0x149: {  	[sflag:s11] =	ssyncadd.s32 $0xFFFFFD80  }
0x14a: {  	[tilespmem:s15], [sflag:$0x1] =	stream.indirect.gather [hbm4b:s6+s14], $0x20, s3, s14, $0xb8;
	[tilespmem:$0x1DC00] =	vst v63  }
0x14b: {  	_ = 	snop  }
0x14c: {  	[tilespmem:s16], [sflag:$0x1] =	stream.indirect.gather [hbm4b:s6+s14], $0x20, s14, s14, $0xb8;
	[tilespmem:$0x1DC00] =	vst v63  }
0x14d: {  	_ = 	snop  }
0x14e: {  	[tilespmem:s18], [sflag:$0x1] =	stream.indirect.gather [hbm4b:s6+s14], $0x20, s17, s14, $0xb8;
	[tilespmem:$0x1DC00] =	vst v63  }
0x14f: {  	_ = 	snop  }
0x150: {  	[tilespmem:s22], [sflag:$0x1] =	stream.indirect.gather [hbm4b:s6+s14], $0x20, s19, s14, $0xb8;
	[tilespmem:$0x1DC00] =	vst v63  }
0x151: {  	_ = 	snop  }
0x152: {  	[tilespmem:s26], [sflag:$0x1] =	stream.indirect.gather [hbm4b:s6+s14], $0x20, s25, s14, $0xb8;
	[tilespmem:$0x1DC00] =	vst v63  }
0x153: {  	_ =	swait.ge [sflag:s28], $0x1000  }
0x154: {  	[sflag:s28] =	ssyncset.done $0x0  }
0x155: {  	[sflag:s28] =	ssyncadd.s32 $0xFFFFF000  }
0x156: {  	_ =	swait.ge [sflag:s28], $0x1000  }
0x157: {  	[sflag:s28] =	ssyncset.done $0x0  }
0x158: {  	[sflag:s28] =	ssyncadd.s32 $0xFFFFF000  }
0x159: {  	_ =	swait.ge [sflag:s28], $0x1000  }
0x15a: {  	[sflag:s28] =	ssyncset.done $0x0  }
0x15b: {  	[sflag:s28] =	ssyncadd.s32 $0xFFFFF000  }
0x15c: {  	_ =	swait.ge [sflag:s28], $0x1000  }
0x15d: {  	[sflag:s28] =	ssyncset.done $0x0  }
0x15e: {  	[sflag:s28] =	ssyncadd.s32 $0xFFFFF000  }
0x15f: {  	_ =	swait.ge [sflag:s28], $0x1000  }
0x160: {  	[sflag:s28] =	ssyncset.done $0x0  }
0x161: {  	[sflag:s28] =	ssyncadd.s32 $0xFFFFF000  }
0x162: {  	[spmem:s2] =	stream.indirect.scatter.add.f32 [tilespmem:s15], [sflag:$0x1], $0x20, s13, s14, $0xb8;
	[tilespmem:$0x1DC00] =	vst v63  }
0x163: {  	_ = 	snop  }
0x164: {  	[spmem:s2] =	stream.indirect.scatter.add.f32 [tilespmem:s16], [sflag:$0x1], $0x20, s29, s14, $0xb8;
	[tilespmem:$0x1DC00] =	vst v63  }
0x165: {  	_ = 	snop  }
0x166: {  	[spmem:s2] =	stream.indirect.scatter.add.f32 [tilespmem:s18], [sflag:$0x1], $0x20, s30, s14, $0xb8;
	[tilespmem:$0x1DC00] =	vst v63  }
0x167: {  	_ = 	snop  }
0x168: {  	[spmem:s2] =	stream.indirect.scatter.add.f32 [tilespmem:s22], [sflag:$0x1], $0x20, s31, s14, $0xb8;
	[tilespmem:$0x1DC00] =	vst v63  }
0x169: {  	_ = 	snop  }
0x16a: {  	[spmem:s2] =	stream.indirect.scatter.add.f32 [tilespmem:s26], [sflag:$0x1], $0x20, s0, s14, $0xb8;
	[tilespmem:$0x1DC00] =	vst v63  }
0x16b: {  	_ =	swait.ge [sflag:s28], $0x1000  }
0x16c: {  	[sflag:s28] =	ssyncset.done $0x0  }
0x16d: {  	[sflag:s28] =	ssyncadd.s32 $0xFFFFF000  }
0x16e: {  	_ =	swait.ge [sflag:s28], $0x1000  }
0x16f: {  	[sflag:s28] =	ssyncset.done $0x0  }
0x170: {  	[sflag:s28] =	ssyncadd.s32 $0xFFFFF000  }
0x171: {  	_ =	swait.ge [sflag:s28], $0x1000  }
0x172: {  	[sflag:s28] =	ssyncset.done $0x0  }
0x173: {  	[sflag:s28] =	ssyncadd.s32 $0xFFFFF000  }
0x174: {  	_ =	swait.ge [sflag:s28], $0x1000  }
0x175: {  	[sflag:s28] =	ssyncset.done $0x0  }
0x176: {  	[sflag:s28] =	ssyncadd.s32 $0xFFFFF000  }
0x177: {  	_ =	swait.ge [sflag:s28], $0x1000  }
0x178: {  	[sflag:s28] =	ssyncset.done $0x0  }
0x179: {  	[sflag:s28] =	ssyncadd.s32 $0xFFFFF000  }
0x17a: {  	[bflag:$0x0] =	sbarrier.arrive $0xFFFF  }
0x17b: {  	s7 =	rddreg [dreg:$0x4]  }
0x17c: {  	s23 =	rddreg [dreg:$0x7]  }
0x17d: {  	[hbm:s23], [sflag:s7] =	dma.local [spmem:s10], $0x30E0  }
0x17e: {  	_ =	swait.ge [sflag:s11], $0x30E0  }
0x17f: {  	s4 =	sadd.s32 $0x1, s4;
	s24 =	rddreg [dreg:$0x5]  }
0x180: {  	p0 =	sne.s32 s4, s24  }
.Ltmp2:
0x181: {  	_ = 	snop;
	(pc) =	sbr.rel @p0 .LBB2_1-.Ltmp2, $3  }
0x182: {  	_ =	sdelay $0x1  }
0x183: {  	[sflag:s11] =	ssyncset.done $0x0  }
0x184: {  	[sflag:s11] =	ssyncadd.s32 $0xFFFFCF20  }
0x185: {  	_ =	sfence.sel $0x180000  }
0x186: {  	[bflag:$0x0] =	sbarrier.arrive $0xFFFF  }
0x187: {  	_ =	strace $0x9000004A  }
0x188: {  	s0 =	stileid.u32;
	[bflag:$0x2] =	sbarrier.arrive $0xFFFF  }
0x189: {  	p0 =	sne.s32 s0, $0x0;
	s0 =	rddreg [dreg:$0x3]  }
0x18a: {  	s0 =	sadd.s32 @!p0 $0x100000, s0  }
0x18b: {  	[sflag:s0] =	ssyncadd.tile.s32 @!p0 $0x1;
	_ =	shalt  }
.Lfunc_end2:
_tile_overlayer_lowered:
.L_overlay_start_2:
0x18c: {  	(tag) =	ssettag $0x2  }
0x18d: {  	s0 =	rddreg [dreg:$0x0];
	s2 =	stileid.u32  }
0x18e: {  	s1 =	rddreg [dreg:$0x1];
	p0 =	sne.s32 s2, $0x0  }
0x18f: {  	s3 =	rddreg [dreg:$0x2];
	[bflag:$0x3] =	sbarrier.arrive $0xFFFF;
	s2 =	simm.s32 @!p0 $0x1C02  }
0x190: {  	[timem:s3], [sflag:s2] =	dma.local @!p0 [hbm:s0], s1  }
0x191: {  	s0 =	simm.s32 @!p0 $0x2  }
0x192: {  	_ =	swait.ge @!p0 [sflag:s0], s1  }
0x193: {  	s1 =	ssub.s32 @!p0 $0x0, s1;
	[sflag:s0] =	ssyncset.done @!p0 $0x0  }
0x194: {  	[sflag:s0] =	ssyncadd.s32 @!p0 s1  }
0x195: {  	[bflag:$0x3] =	sbarrier.arrive $0xFFFF  }
0x196: {  	_ =	shalt  }

</sc_bundles>
